<compile_context>
chip_gen: v7x
topology: tpu7x:2x2x1
jax: 0.10.2.dev20260603
libtpu: 0.0.44.dev20260713+nightly
codegen_flags: <defaults>
</compile_context>

<pallas_src>
import functools

import jax
import jax.numpy as jnp
import numpy as np
from jax import lax
from jax.experimental import pallas as pl
from jax.experimental.pallas import tpu as pltpu
from jax.experimental.pallas import tpu_sc as plsc

N = 5000
E = 160000
H = 64
NPAD = 5120
CW = 128
CHUNK = 128
NCHUNK = E // CHUNK
NW = 32
ROWS_PER_TILE = NPAD // 16
_P = lax.Precision.HIGHEST


def _dot(a, b):
    return jnp.dot(a, b)


def _dot_hi(a, b):
    return jnp.dot(a, b, precision=_P)


def _rb(x):
    return x.astype(jnp.bfloat16).astype(jnp.float32)



def _nodes_body(nf, wn1, bn1, wn2, bn2, a0, h_out, hw_out):
    hh = jnp.maximum(_dot(nf[...], wn1[...]) + bn1[...], 0.0)
    h = _dot(hh, wn2[...]) + bn2[...]
    h_out[...] = h
    hw_out[...] = jnp.concatenate(
        [_dot(h, a0[...]), jnp.zeros((N, CW - H), jnp.float32)], axis=1)


def _edges_body(ef, we1, be1, we2, be2, bb0, c0, bb1, c1, ew_out):
    eh = jnp.maximum(_dot(ef[...], we1[...]) + be1[...], 0.0)
    e = _dot(eh, we2[...]) + be2[...]
    ew_out[...] = jnp.concatenate(
        [_dot(e, bb0[...]) + c0[...], _dot(e, bb1[...]) + c1[...]], axis=1)


def _update_body(part, h_in, w2, b2, v1, c1, v2, c2, pnext, h_out, hw_out):
    p = part[...]
    s = p[0, :N, :H] + p[1, :N, :H]
    deg = p[0, :N, H:H + 1] + p[1, :N, H:H + 1]
    agg = _dot_hi(s, _rb(w2[...])) + deg * b2[...]
    h = h_in[...]
    t = agg + h
    hn = _dot(jnp.maximum(_dot(t, v1[...]) + c1[...], 0.0), v2[...]) + c2[...] + h
    h_out[...] = hn
    hw_out[...] = jnp.concatenate(
        [_dot(hn, pnext[...]), jnp.zeros((N, CW - H), jnp.float32)], axis=1)


def _final_body(part, h_in, w2, b2, v1, c1, v2, c2, o1, bo1, o2, bo2, wk, bk,
                f_out, g_out):
    p = part[...]
    s = p[0, :N, :H] + p[1, :N, :H]
    deg = p[0, :N, H:H + 1] + p[1, :N, H:H + 1]
    agg = _dot_hi(s, _rb(w2[...])) + deg * b2[...]
    h = h_in[...]
    t = agg + h
    h2 = _dot(jnp.maximum(_dot(t, v1[...]) + c1[...], 0.0), v2[...]) + c2[...] + h
    g = _dot(jnp.maximum(_dot(h2, o1[...]) + bo1[...], 0.0), o2[...]) + bo2[...]
    g_out[...] = g
    f_out[...] = _dot(g, wk[...]) + bk[...]


def _head_body(f, g, out):
    out[...] = lax.dot_general(f[...], g[...],
                               dimension_numbers=(((1,), (1,)), ((), ())))



_sc_mesh = plsc.VectorSubcoreMesh(core_axis_name="c", subcore_axis_name="s")

AW = 128
CHMAX = NCHUNK // NW + 1
NCHPAD = CHMAX * NW


def _make_sc_layer(off):
    @functools.partial(
        pl.kernel,
        mesh=_sc_mesh,
        out_type=jax.ShapeDtypeStruct((2, NPAD, AW), jnp.float32),
        scratch_types=[
            pltpu.VMEM((CHMAX, CHUNK), jnp.int32),
            pltpu.VMEM((CHMAX, CHUNK), jnp.int32),
            pltpu.VMEM((CHUNK, CW), jnp.float32),
            pltpu.VMEM((CHUNK, CW), jnp.float32),
            pltpu.VMEM((CHUNK, CW), jnp.float32),
            pltpu.VMEM((CHUNK, AW), jnp.float32),
            pltpu.VMEM_SHARED((NPAD, AW), jnp.float32),
            pltpu.SemaphoreType.DMA,
            pltpu.SemaphoreType.DMA,
        ],
    )
    def _sc_layer(hw_hbm, ew_hbm, src_hbm, dst_hbm, out_hbm,
                  src_t, dst_t, ew_v, g_a, g_b, row_v, acc_sh,
                  sem_a, sem_b):
        c = lax.axis_index("c")
        s = lax.axis_index("s")
        wid = s * 2 + c
        rem = NCHUNK - (NCHUNK // NW) * NW
        nch = jnp.where(wid < rem, NCHUNK // NW + 1, NCHUNK // NW)
        start = (NCHUNK // NW) * wid + jnp.minimum(wid, rem)
        tslice = pl.ds(s * ROWS_PER_TILE, ROWS_PER_TILE)
        pltpu.sync_copy(src_hbm.at[pl.ds(wid * CHMAX, CHMAX)], src_t)
        pltpu.sync_copy(dst_hbm.at[pl.ds(wid * CHMAX, CHMAX)], dst_t)
        def _zero_row(r, carry):
            for k in range(CW // 16):
                ew_v[r, pl.ds(k * 16, 16)] = jnp.zeros((16,), jnp.float32)
            return carry
        lax.fori_loop(0, CHUNK, _zero_row, 0)
        for t in range(ROWS_PER_TILE // CHUNK):
            pltpu.sync_copy(ew_v,
                            acc_sh.at[pl.ds(s * ROWS_PER_TILE + t * CHUNK,
                                            CHUNK)])
        rtail = ROWS_PER_TILE % CHUNK
        if rtail:
            pltpu.sync_copy(
                ew_v.at[pl.ds(0, rtail)],
                acc_sh.at[pl.ds(
                    s * ROWS_PER_TILE + (ROWS_PER_TILE // CHUNK) * CHUNK,
                    rtail)])
        def _init_row(r, carry):
            for k in range(H // 16, AW // 16):
                row_v[r, pl.ds(k * 16, 16)] = (
                    jnp.ones((16,), jnp.float32) if k == H // 16
                    else jnp.zeros((16,), jnp.float32))
            return carry
        lax.fori_loop(0, CHUNK, _init_row, 0)
        plsc.subcore_barrier()

        def _issue(g_v, sem, i):
            pltpu.async_copy(hw_hbm.at[src_t.at[i]], g_v, sem)

        def _drain(g_v, sem, i):
            pltpu.make_async_copy(
                hw_hbm.at[src_t.at[i]], g_v, sem).wait()

        def _compute_scatter(g_v, i):
            base = (start + i) * CHUNK
            pltpu.sync_copy(ew_hbm.at[pl.ds(base, CHUNK)], ew_v)
            def _rowf(r, carry2):
                for k in range(H // 16):
                    sl = pl.ds(k * 16, 16)
                    v = jnp.maximum(
                        g_v[r, sl] + ew_v[r, pl.ds(off + k * 16, 16)], 0.0)
                    u = lax.bitcast_convert_type(v, jnp.int32)
                    u = (u + 0x7FFF + ((u >> 16) & 1)) & (-65536)
                    row_v[r, sl] = lax.bitcast_convert_type(u, jnp.float32)
                return carry2
            lax.fori_loop(0, CHUNK, _rowf, 0)
            pltpu.sync_copy(row_v, acc_sh.at[dst_t.at[i]], add=True)

        _issue(g_a, sem_a, 0)

        def _pair(j, carry):
            i0 = 2 * j
            i1 = 2 * j + 1

            @pl.when(i1 < nch)
            def _():
                _issue(g_b, sem_b, i1)

            @pl.when(i0 < nch)
            def _():
                _drain(g_a, sem_a, i0)
                _compute_scatter(g_a, i0)

            @pl.when(i0 + 2 < nch)
            def _():
                _issue(g_a, sem_a, i0 + 2)

            @pl.when(i1 < nch)
            def _():
                _drain(g_b, sem_b, i1)
                _compute_scatter(g_b, i1)
            return carry
        lax.fori_loop(0, CHMAX // 2, _pair, 0)

        plsc.subcore_barrier()
        pltpu.sync_copy(acc_sh.at[tslice], out_hbm.at[c, tslice])

    return _sc_layer


_sc_layer0 = _make_sc_layer(0)
_sc_layer1 = _make_sc_layer(H)



def _row(b):
    return b.reshape(1, -1)


def kernel(node_features, edge_features, edge_index, params):
    src = edge_index[0]
    dst = edge_index[1]
    wn1, bn1, wn2, bn2 = params["node_enc"]
    we1, be1, we2, be2 = params["edge_enc"]
    o1, bo1, o2, bo2 = params["mlp_out"]

    a_l, bb_l, c_l, w2_l, b2_l = [], [], [], [], []
    for l in range(2):
        w1, b1, w2, b2 = params["conv_mlp1"][l]
        a_l.append(w1[:H])
        bb_l.append(w1[H:])
        c_l.append(_row(b1))
        w2_l.append(w2)
        b2_l.append(_row(b2))

    _h_hw = [jax.ShapeDtypeStruct((N, H), jnp.float32),
             jax.ShapeDtypeStruct((N, CW), jnp.float32)]
    h0, hw0 = pl.pallas_call(_nodes_body, out_shape=_h_hw)(
        node_features, wn1, _row(bn1), wn2, _row(bn2), a_l[0])

    be_blk = 8000
    grid = (E // be_blk,)
    full = lambda shape: pl.BlockSpec(shape, lambda i: (0, 0))
    ew = pl.pallas_call(
        _edges_body,
        grid=grid,
        in_specs=[
            pl.BlockSpec((be_blk, 16), lambda i: (i, 0)),
            full((16, H)), full((1, H)),
            full((H, H)), full((1, H)),
            full((H, H)), full((1, H)),
            full((H, H)), full((1, H)),
        ],
        out_specs=pl.BlockSpec((be_blk, 2 * H), lambda i: (i, 0)),
        out_shape=jax.ShapeDtypeStruct((E, 2 * H), jnp.float32),
    )(edge_features, we1, _row(be1), we2, _row(be2),
      bb_l[0], c_l[0], bb_l[1], c_l[1])

    rem = NCHUNK - (NCHUNK // NW) * NW
    ridx = np.array([min((NCHUNK // NW) * w + min(w, rem) + j, NCHUNK - 1)
                     for w in range(NW) for j in range(CHMAX)], np.int32)
    src2 = src.reshape(NCHUNK, CHUNK)[ridx]
    dst2 = dst.reshape(NCHUNK, CHUNK)[ridx]

    part0 = _sc_layer0(hw0, ew, src2, dst2)
    h1, hw1 = pl.pallas_call(
        _update_body,
        out_shape=_h_hw,
    )(part0, h0, w2_l[0], b2_l[0],
      params["conv_mlp2"][0][0], _row(params["conv_mlp2"][0][1]),
      params["conv_mlp2"][0][2], _row(params["conv_mlp2"][0][3]), a_l[1])

    part1 = _sc_layer1(hw1, ew, src2, dst2)
    wk, bk = params["enc"][0]
    f, g = pl.pallas_call(
        _final_body,
        out_shape=[jax.ShapeDtypeStruct((N, H), jnp.float32)] * 2,
    )(part1, h1, w2_l[1], b2_l[1],
      params["conv_mlp2"][1][0], _row(params["conv_mlp2"][1][1]),
      params["conv_mlp2"][1][2], _row(params["conv_mlp2"][1][3]),
      o1, _row(bo1), o2, _row(bo2), wk, _row(bk))

    fp = jnp.zeros((NPAD, H), jnp.float32).at[:N].set(f)
    gp = jnp.zeros((NPAD, H), jnp.float32).at[:N].set(g)
    bm = 640
    nb = NPAD // bm
    out = pl.pallas_call(
        _head_body,
        grid=(nb, nb),
        in_specs=[
            pl.BlockSpec((bm, H), lambda i, j: (i, 0)),
            pl.BlockSpec((bm, H), lambda i, j: (j, 0)),
        ],
        out_specs=pl.BlockSpec((bm, bm), lambda i, j: (i, j)),
        out_shape=jax.ShapeDtypeStruct((NPAD, NPAD), jnp.float32),
    )(fp, gp)
    return out[:N, :N].reshape(N, N, 1)

# --- scband reference (transcript-rebuilt; emitter-appended) ---
"""Pipeline reference for scband-gcn-24988119728417 (READ-ONLY COPY).

The authoritative reference and input builder live on the scoring server;
editing this copy changes nothing except your own understanding.
"""

import jax, jax.numpy as jnp
import numpy as np

N = 5000
E = 160000
D_FEAT = 128
D_EDGE = 16
H = 64
OUT = 64
N_LAYERS = 2
N_ENC = 1  # n_lflow * n_metric


def _mlp(x, params):
    W1, b1, W2, b2 = params
    return jax.nn.relu(x @ W1 + b1) @ W2 + b2


def _glorot(key, fan_in, fan_out):
    return jax.random.normal(key, (fan_in, fan_out), jnp.float32) * (1.0 / np.sqrt(fan_in))


def _mlp_params(key, d_in, d_hid, d_out):
    k1, k2 = jax.random.split(key)
    return (_glorot(k1, d_in, d_hid), jnp.zeros((d_hid,), jnp.float32),
            _glorot(k2, d_hid, d_out), jnp.zeros((d_out,), jnp.float32))


def setup_inputs(seed: int = 0):
    key = jax.random.key(seed)
    ks = jax.random.split(key, 12)
    node_features = jax.random.normal(ks[0], (N, D_FEAT), jnp.float32)
    edge_features = jax.random.normal(ks[1], (E, D_EDGE), jnp.float32)
    edge_index = jax.random.randint(ks[2], (2, E), 0, N, dtype=jnp.int32)
    params = {
        "node_enc": _mlp_params(ks[3], D_FEAT, H, H),
        "edge_enc": _mlp_params(ks[4], D_EDGE, H, H),
        "conv_mlp1": [_mlp_params(ks[5 + l], 2 * H, H, H) for l in range(N_LAYERS)],
        "conv_mlp2": [_mlp_params(ks[7 + l], H, H, H) for l in range(N_LAYERS)],
        "mlp_out": _mlp_params(ks[9], H, OUT, OUT),
        "enc": [(_glorot(jax.random.fold_in(ks[10], i), OUT, OUT), jnp.zeros((OUT,), jnp.float32)) for i in range(N_ENC)],
    }
    return {"node_features": node_features, "edge_features": edge_features,
            "edge_index": edge_index, "params": params}


def reference(node_features, edge_features, edge_index, params):
    src = edge_index[0]
    dst = edge_index[1]
    # node / edge encoders
    h = _mlp(node_features, params["node_enc"])
    e = _mlp(edge_features, params["edge_enc"])
    # message-passing layers with residual
    for l in range(N_LAYERS):
        # (dropout p=0.0 -> identity, eval mode)
        m = _mlp(jnp.concatenate([h[src], e], axis=1), params["conv_mlp1"][l])  # gather + edge MLP
        agg = jax.ops.segment_sum(m, dst, num_segments=N)  # scatter-add reduce
        h = _mlp(agg + h, params["conv_mlp2"][l]) + h  # conv output + outer residual
    h = _mlp(h, params["mlp_out"])
    # metric-flow head: single graph in batch (dgl.unbatch yields one graph)
    lflow = []
    for (Wk, bk) in params["enc"]:
        lflow.append((h @ Wk + bk) @ h.T)
    return jnp.stack(lflow, axis=-1)

if __name__ == "__main__":
    import jax
    _d = setup_inputs()
    print(jax.jit(kernel)(*tuple(_d.values())))

</pallas_src>

<mosaic_0001>
#map = affine_map<(d0, d1) -> (0, 0)>
#map1 = affine_map<(d0, d1) -> (0, 0, 0)>
module attributes {stable_mosaic.version = 14 : i64} {
  func.func @_sc_layer(%arg0: i32, %arg1: i32, %arg2: memref<5000x128xf32, #tpu.memory_space<hbm>>, %arg3: memref<160000x128xf32, #tpu.memory_space<hbm>>, %arg4: memref<1280x128xi32, #tpu.memory_space<hbm>>, %arg5: memref<1280x128xi32, #tpu.memory_space<hbm>>, %arg6: memref<2x5120x128xf32, #tpu.memory_space<hbm>>, %arg7: memref<40x128xi32, #tpu.memory_space<vmem>>, %arg8: memref<40x128xi32, #tpu.memory_space<vmem>>, %arg9: memref<128x128xf32, #tpu.memory_space<vmem>>, %arg10: memref<128x128xf32, #tpu.memory_space<vmem>>, %arg11: memref<128x128xf32, #tpu.memory_space<vmem>>, %arg12: memref<128x128xf32, #tpu.memory_space<vmem>>, %arg13: memref<5120x128xf32, #tpu.memory_space<vmem_shared>>, %arg14: memref<!tpu.dma_semaphore, #tpu.memory_space<semaphore_mem>>, %arg15: memref<!tpu.dma_semaphore, #tpu.memory_space<semaphore_mem>>) attributes {dimension_semantics = [#tpu.dimension_semantics<core_parallel>, #tpu.dimension_semantics<subcore_parallel>], iteration_bounds = array<i64: 2, 16>, scalar_prefetch = 0 : i64, scratch_operands = 9 : i64, tpu.core_type = #tpu.core_type<sc_vector_subcore>, window_params = [{transform_indices = #map}, {transform_indices = #map}, {transform_indices = #map}, {transform_indices = #map}, {transform_indices = #map1}]} {
    %mul3A = arith.constant 2 : i32
    %mul3A_0 = arith.muli %arg1, %mul3A : i32
    %add3A = arith.addi %mul3A_0, %arg0 : i32
    %lt3A = arith.constant 2 : i32
    %lt3A_1 = arith.cmpi slt, %add3A, %lt3A : i32
    %jit3A = arith.constant 40 : i32
    %jit3A_2 = arith.constant 39 : i32
    %select_n3A = arith.select %lt3A_1, %jit3A, %jit3A_2 : i32
    %mul3A_3 = arith.constant 39 : i32
    %mul3A_4 = arith.muli %mul3A_3, %add3A : i32
    %min3A = arith.constant 2 : i32
    %min3A_5 = arith.minsi %add3A, %min3A : i32
    %add3A_6 = arith.addi %mul3A_4, %min3A_5 : i32
    %mul3A_7 = arith.constant 320 : i32
    %mul3A_8 = arith.muli %arg1, %mul3A_7 : i32
    %mul3A_9 = arith.constant 40 : i32
    %mul3A_10 = arith.muli %add3A, %mul3A_9 : i32
    "tpu.region"() ({
      %run_scoped3A = tpu.sem_alloc : memref<!tpu.dma_semaphore, #tpu.memory_space<semaphore_mem>>
      %dma_start3A_49 = arith.constant 0 : i32
      %dma_start3A_50 = tpu.memref_slice %arg4[%mul3A_10, %dma_start3A_49] : memref<1280x128xi32, #tpu.memory_space<hbm>> -> memref<40x128xi32, #tpu.memory_space<hbm>>
      %dma_start3A_51 = arith.constant 0 : i32
      %dma_start3A_52 = tpu.memref_slice %arg4[%mul3A_10, %dma_start3A_51] : memref<1280x128xi32, #tpu.memory_space<hbm>> -> memref<40x128xi32, #tpu.memory_space<hbm>>
      tpu.enqueue_dma source(%dma_start3A_52 : memref<40x128xi32, #tpu.memory_space<hbm>>) target(%arg7 : memref<40x128xi32, #tpu.memory_space<vmem>>) target_semaphore(%run_scoped3A : memref<!tpu.dma_semaphore, #tpu.memory_space<semaphore_mem>>)
      %dma_wait3A = arith.constant 0 : i32
      %dma_wait3A_53 = tpu.memref_slice %arg4[%mul3A_10, %dma_wait3A] : memref<1280x128xi32, #tpu.memory_space<hbm>> -> memref<40x128xi32, #tpu.memory_space<hbm>>
      %dma_wait3A_54 = arith.constant 0 : i32
      %dma_wait3A_55 = tpu.memref_slice %arg4[%mul3A_10, %dma_wait3A_54] : memref<1280x128xi32, #tpu.memory_space<hbm>> -> memref<40x128xi32, #tpu.memory_space<hbm>>
      tpu.wait_dma2 semaphore(%run_scoped3A : memref<!tpu.dma_semaphore, #tpu.memory_space<semaphore_mem>>) src(%dma_wait3A_55 : memref<40x128xi32, #tpu.memory_space<hbm>>) dst(%arg7 : memref<40x128xi32, #tpu.memory_space<vmem>>)
      tpu.yield
    }) : () -> ()
    %mul3A_11 = arith.constant 40 : i32
    %mul3A_12 = arith.muli %add3A, %mul3A_11 : i32
    "tpu.region"() ({
      %run_scoped3A = tpu.sem_alloc : memref<!tpu.dma_semaphore, #tpu.memory_space<semaphore_mem>>
      %dma_start3A_49 = arith.constant 0 : i32
      %dma_start3A_50 = tpu.memref_slice %arg5[%mul3A_12, %dma_start3A_49] : memref<1280x128xi32, #tpu.memory_space<hbm>> -> memref<40x128xi32, #tpu.memory_space<hbm>>
      %dma_start3A_51 = arith.constant 0 : i32
      %dma_start3A_52 = tpu.memref_slice %arg5[%mul3A_12, %dma_start3A_51] : memref<1280x128xi32, #tpu.memory_space<hbm>> -> memref<40x128xi32, #tpu.memory_space<hbm>>
      tpu.enqueue_dma source(%dma_start3A_52 : memref<40x128xi32, #tpu.memory_space<hbm>>) target(%arg8 : memref<40x128xi32, #tpu.memory_space<vmem>>) target_semaphore(%run_scoped3A : memref<!tpu.dma_semaphore, #tpu.memory_space<semaphore_mem>>)
      %dma_wait3A = arith.constant 0 : i32
      %dma_wait3A_53 = tpu.memref_slice %arg5[%mul3A_12, %dma_wait3A] : memref<1280x128xi32, #tpu.memory_space<hbm>> -> memref<40x128xi32, #tpu.memory_space<hbm>>
      %dma_wait3A_54 = arith.constant 0 : i32
      %dma_wait3A_55 = tpu.memref_slice %arg5[%mul3A_12, %dma_wait3A_54] : memref<1280x128xi32, #tpu.memory_space<hbm>> -> memref<40x128xi32, #tpu.memory_space<hbm>>
      tpu.wait_dma2 semaphore(%run_scoped3A : memref<!tpu.dma_semaphore, #tpu.memory_space<semaphore_mem>>) src(%dma_wait3A_55 : memref<40x128xi32, #tpu.memory_space<hbm>>) dst(%arg8 : memref<40x128xi32, #tpu.memory_space<vmem>>)
      tpu.yield
    }) : () -> ()
    %scan3A = arith.constant 0 : i32
    %scan3A_13 = arith.constant 0 : i32
    %scan3A_14 = arith.constant 128 : i32
    %scan3A_15 = arith.addi %scan3A_13, %scan3A_14 : i32
    %scan3A_16 = arith.constant 1 : i32
    scf.for %scan3A_49 = %scan3A_13 to %scan3A_15 step %scan3A_16  : i32 {
      %broadcast_in_dim3A = arith.constant 0.000000e+00 : f32
      %broadcast_in_dim3A_50 = vector.broadcast %broadcast_in_dim3A : f32 to vector<16xf32>
      %swap3A = arith.index_cast %scan3A_49 : i32 to index
      %swap3A_51 = arith.constant 0 : index
      %swap3A_52 = tpu.vector_load %arg9[%swap3A, %swap3A_51] {strides = array<i32>} : memref<128x128xf32, #tpu.memory_space<vmem>>, vector<1x16xf32>,
      %swap3A_53 = vector.shape_cast %swap3A_52 : vector<1x16xf32> to vector<16xf32>
      %swap3A_54 = vector.shape_cast %broadcast_in_dim3A_50 : vector<16xf32> to vector<1x16xf32>
      tpu.vector_store %arg9[%swap3A, %swap3A_51], %swap3A_54 {strides = array<i32>} : memref<128x128xf32, #tpu.memory_space<vmem>>, vector<1x16xf32>,
      %broadcast_in_dim3A_55 = arith.constant 0.000000e+00 : f32
      %broadcast_in_dim3A_56 = vector.broadcast %broadcast_in_dim3A_55 : f32 to vector<16xf32>
      %swap3A_57 = arith.index_cast %scan3A_49 : i32 to index
      %swap3A_58 = arith.constant 16 : index
      %swap3A_59 = tpu.vector_load %arg9[%swap3A_57, %swap3A_58] {strides = array<i32>} : memref<128x128xf32, #tpu.memory_space<vmem>>, vector<1x16xf32>,
      %swap3A_60 = vector.shape_cast %swap3A_59 : vector<1x16xf32> to vector<16xf32>
      %swap3A_61 = vector.shape_cast %broadcast_in_dim3A_56 : vector<16xf32> to vector<1x16xf32>
      tpu.vector_store %arg9[%swap3A_57, %swap3A_58], %swap3A_61 {strides = array<i32>} : memref<128x128xf32, #tpu.memory_space<vmem>>, vector<1x16xf32>,
      %broadcast_in_dim3A_62 = arith.constant 0.000000e+00 : f32
      %broadcast_in_dim3A_63 = vector.broadcast %broadcast_in_dim3A_62 : f32 to vector<16xf32>
      %swap3A_64 = arith.index_cast %scan3A_49 : i32 to index
      %swap3A_65 = arith.constant 32 : index
      %swap3A_66 = tpu.vector_load %arg9[%swap3A_64, %swap3A_65] {strides = array<i32>} : memref<128x128xf32, #tpu.memory_space<vmem>>, vector<1x16xf32>,
      %swap3A_67 = vector.shape_cast %swap3A_66 : vector<1x16xf32> to vector<16xf32>
      %swap3A_68 = vector.shape_cast %broadcast_in_dim3A_63 : vector<16xf32> to vector<1x16xf32>
      tpu.vector_store %arg9[%swap3A_64, %swap3A_65], %swap3A_68 {strides = array<i32>} : memref<128x128xf32, #tpu.memory_space<vmem>>, vector<1x16xf32>,
      %broadcast_in_dim3A_69 = arith.constant 0.000000e+00 : f32
      %broadcast_in_dim3A_70 = vector.broadcast %broadcast_in_dim3A_69 : f32 to vector<16xf32>
      %swap3A_71 = arith.index_cast %scan3A_49 : i32 to index
      %swap3A_72 = arith.constant 48 : index
      %swap3A_73 = tpu.vector_load %arg9[%swap3A_71, %swap3A_72] {strides = array<i32>} : memref<128x128xf32, #tpu.memory_space<vmem>>, vector<1x16xf32>,
      %swap3A_74 = vector.shape_cast %swap3A_73 : vector<1x16xf32> to vector<16xf32>
      %swap3A_75 = vector.shape_cast %broadcast_in_dim3A_70 : vector<16xf32> to vector<1x16xf32>
      tpu.vector_store %arg9[%swap3A_71, %swap3A_72], %swap3A_75 {strides = array<i32>} : memref<128x128xf32, #tpu.memory_space<vmem>>, vector<1x16xf32>,
      %broadcast_in_dim3A_76 = arith.constant 0.000000e+00 : f32
      %broadcast_in_dim3A_77 = vector.broadcast %broadcast_in_dim3A_76 : f32 to vector<16xf32>
      %swap3A_78 = arith.index_cast %scan3A_49 : i32 to index
      %swap3A_79 = arith.constant 64 : index
      %swap3A_80 = tpu.vector_load %arg9[%swap3A_78, %swap3A_79] {strides = array<i32>} : memref<128x128xf32, #tpu.memory_space<vmem>>, vector<1x16xf32>,
      %swap3A_81 = vector.shape_cast %swap3A_80 : vector<1x16xf32> to vector<16xf32>
      %swap3A_82 = vector.shape_cast %broadcast_in_dim3A_77 : vector<16xf32> to vector<1x16xf32>
      tpu.vector_store %arg9[%swap3A_78, %swap3A_79], %swap3A_82 {strides = array<i32>} : memref<128x128xf32, #tpu.memory_space<vmem>>, vector<1x16xf32>,
      %broadcast_in_dim3A_83 = arith.constant 0.000000e+00 : f32
      %broadcast_in_dim3A_84 = vector.broadcast %broadcast_in_dim3A_83 : f32 to vector<16xf32>
      %swap3A_85 = arith.index_cast %scan3A_49 : i32 to index
      %swap3A_86 = arith.constant 80 : index
      %swap3A_87 = tpu.vector_load %arg9[%swap3A_85, %swap3A_86] {strides = array<i32>} : memref<128x128xf32, #tpu.memory_space<vmem>>, vector<1x16xf32>,
      %swap3A_88 = vector.shape_cast %swap3A_87 : vector<1x16xf32> to vector<16xf32>
      %swap3A_89 = vector.shape_cast %broadcast_in_dim3A_84 : vector<16xf32> to vector<1x16xf32>
      tpu.vector_store %arg9[%swap3A_85, %swap3A_86], %swap3A_89 {strides = array<i32>} : memref<128x128xf32, #tpu.memory_space<vmem>>, vector<1x16xf32>,
      %broadcast_in_dim3A_90 = arith.constant 0.000000e+00 : f32
      %broadcast_in_dim3A_91 = vector.broadcast %broadcast_in_dim3A_90 : f32 to vector<16xf32>
      %swap3A_92 = arith.index_cast %scan3A_49 : i32 to index
      %swap3A_93 = arith.constant 96 : index
      %swap3A_94 = tpu.vector_load %arg9[%swap3A_92, %swap3A_93] {strides = array<i32>} : memref<128x128xf32, #tpu.memory_space<vmem>>, vector<1x16xf32>,
      %swap3A_95 = vector.shape_cast %swap3A_94 : vector<1x16xf32> to vector<16xf32>
      %swap3A_96 = vector.shape_cast %broadcast_in_dim3A_91 : vector<16xf32> to vector<1x16xf32>
      tpu.vector_store %arg9[%swap3A_92, %swap3A_93], %swap3A_96 {strides = array<i32>} : memref<128x128xf32, #tpu.memory_space<vmem>>, vector<1x16xf32>,
      %broadcast_in_dim3A_97 = arith.constant 0.000000e+00 : f32
      %broadcast_in_dim3A_98 = vector.broadcast %broadcast_in_dim3A_97 : f32 to vector<16xf32>
      %swap3A_99 = arith.index_cast %scan3A_49 : i32 to index
      %swap3A_100 = arith.constant 112 : index
      %swap3A_101 = tpu.vector_load %arg9[%swap3A_99, %swap3A_100] {strides = array<i32>} : memref<128x128xf32, #tpu.memory_space<vmem>>, vector<1x16xf32>,
      %swap3A_102 = vector.shape_cast %swap3A_101 : vector<1x16xf32> to vector<16xf32>
      %swap3A_103 = vector.shape_cast %broadcast_in_dim3A_98 : vector<16xf32> to vector<1x16xf32>
      tpu.vector_store %arg9[%swap3A_99, %swap3A_100], %swap3A_103 {strides = array<i32>} : memref<128x128xf32, #tpu.memory_space<vmem>>, vector<1x16xf32>,
    }
    %scan3A_17 = arith.constant 128 : i32
    %mul3A_18 = arith.constant 320 : i32
    %mul3A_19 = arith.muli %arg1, %mul3A_18 : i32
    %add3A_20 = arith.constant 0 : i32
    %add3A_21 = arith.addi %mul3A_19, %add3A_20 : i32
    "tpu.region"() ({
      %run_scoped3A = tpu.sem_alloc : memref<!tpu.dma_semaphore, #tpu.memory_space<semaphore_mem>>
      %dma_start3A_49 = arith.constant 0 : i32
      %dma_start3A_50 = tpu.memref_slice %arg13[%add3A_21, %dma_start3A_49] : memref<5120x128xf32, #tpu.memory_space<vmem_shared>> -> memref<128x128xf32, #tpu.memory_space<vmem_shared>>
      %dma_start3A_51 = arith.constant 0 : i32
      %dma_start3A_52 = tpu.memref_slice %arg13[%add3A_21, %dma_start3A_51] : memref<5120x128xf32, #tpu.memory_space<vmem_shared>> -> memref<128x128xf32, #tpu.memory_space<vmem_shared>>
      tpu.enqueue_dma source(%arg9 : memref<128x128xf32, #tpu.memory_space<vmem>>) target(%dma_start3A_52 : memref<128x128xf32, #tpu.memory_space<vmem_shared>>) target_semaphore(%run_scoped3A : memref<!tpu.dma_semaphore, #tpu.memory_space<semaphore_mem>>)
      %dma_wait3A = arith.constant 0 : i32
      %dma_wait3A_53 = tpu.memref_slice %arg13[%add3A_21, %dma_wait3A] : memref<5120x128xf32, #tpu.memory_space<vmem_shared>> -> memref<128x128xf32, #tpu.memory_space<vmem_shared>>
      %dma_wait3A_54 = arith.constant 0 : i32
      %dma_wait3A_55 = tpu.memref_slice %arg13[%add3A_21, %dma_wait3A_54] : memref<5120x128xf32, #tpu.memory_space<vmem_shared>> -> memref<128x128xf32, #tpu.memory_space<vmem_shared>>
      tpu.wait_dma2 semaphore(%run_scoped3A : memref<!tpu.dma_semaphore, #tpu.memory_space<semaphore_mem>>) src(%arg9 : memref<128x128xf32, #tpu.memory_space<vmem>>) dst(%dma_wait3A_55 : memref<128x128xf32, #tpu.memory_space<vmem_shared>>)
      tpu.yield
    }) : () -> ()
    %mul3A_22 = arith.constant 320 : i32
    %mul3A_23 = arith.muli %arg1, %mul3A_22 : i32
    %add3A_24 = arith.constant 128 : i32
    %add3A_25 = arith.addi %mul3A_23, %add3A_24 : i32
    "tpu.region"() ({
      %run_scoped3A = tpu.sem_alloc : memref<!tpu.dma_semaphore, #tpu.memory_space<semaphore_mem>>
      %dma_start3A_49 = arith.constant 0 : i32
      %dma_start3A_50 = tpu.memref_slice %arg13[%add3A_25, %dma_start3A_49] : memref<5120x128xf32, #tpu.memory_space<vmem_shared>> -> memref<128x128xf32, #tpu.memory_space<vmem_shared>>
      %dma_start3A_51 = arith.constant 0 : i32
      %dma_start3A_52 = tpu.memref_slice %arg13[%add3A_25, %dma_start3A_51] : memref<5120x128xf32, #tpu.memory_space<vmem_shared>> -> memref<128x128xf32, #tpu.memory_space<vmem_shared>>
      tpu.enqueue_dma source(%arg9 : memref<128x128xf32, #tpu.memory_space<vmem>>) target(%dma_start3A_52 : memref<128x128xf32, #tpu.memory_space<vmem_shared>>) target_semaphore(%run_scoped3A : memref<!tpu.dma_semaphore, #tpu.memory_space<semaphore_mem>>)
      %dma_wait3A = arith.constant 0 : i32
      %dma_wait3A_53 = tpu.memref_slice %arg13[%add3A_25, %dma_wait3A] : memref<5120x128xf32, #tpu.memory_space<vmem_shared>> -> memref<128x128xf32, #tpu.memory_space<vmem_shared>>
      %dma_wait3A_54 = arith.constant 0 : i32
      %dma_wait3A_55 = tpu.memref_slice %arg13[%add3A_25, %dma_wait3A_54] : memref<5120x128xf32, #tpu.memory_space<vmem_shared>> -> memref<128x128xf32, #tpu.memory_space<vmem_shared>>
      tpu.wait_dma2 semaphore(%run_scoped3A : memref<!tpu.dma_semaphore, #tpu.memory_space<semaphore_mem>>) src(%arg9 : memref<128x128xf32, #tpu.memory_space<vmem>>) dst(%dma_wait3A_55 : memref<128x128xf32, #tpu.memory_space<vmem_shared>>)
      tpu.yield
    }) : () -> ()
    %mul3A_26 = arith.constant 320 : i32
    %mul3A_27 = arith.muli %arg1, %mul3A_26 : i32
    %add3A_28 = arith.constant 256 : i32
    %add3A_29 = arith.addi %mul3A_27, %add3A_28 : i32
    "tpu.region"() ({
      %run_scoped3A = tpu.sem_alloc : memref<!tpu.dma_semaphore, #tpu.memory_space<semaphore_mem>>
      %dma_start3A_49 = arith.constant 0 : i32
      %dma_start3A_50 = arith.constant 0 : i32
      %dma_start3A_51 = tpu.memref_slice %arg9[%dma_start3A_49, %dma_start3A_50] : memref<128x128xf32, #tpu.memory_space<vmem>> -> memref<64x128xf32, #tpu.memory_space<vmem>>
      %dma_start3A_52 = arith.constant 0 : i32
      %dma_start3A_53 = tpu.memref_slice %arg13[%add3A_29, %dma_start3A_52] : memref<5120x128xf32, #tpu.memory_space<vmem_shared>> -> memref<64x128xf32, #tpu.memory_space<vmem_shared>>
      %dma_start3A_54 = arith.constant 0 : i32
      %dma_start3A_55 = tpu.memref_slice %arg13[%add3A_29, %dma_start3A_54] : memref<5120x128xf32, #tpu.memory_space<vmem_shared>> -> memref<64x128xf32, #tpu.memory_space<vmem_shared>>
      %dma_start3A_56 = arith.constant 0 : i32
      %dma_start3A_57 = arith.constant 0 : i32
      %dma_start3A_58 = tpu.memref_slice %arg9[%dma_start3A_56, %dma_start3A_57] : memref<128x128xf32, #tpu.memory_space<vmem>> -> memref<64x128xf32, #tpu.memory_space<vmem>>
      tpu.enqueue_dma source(%dma_start3A_58 : memref<64x128xf32, #tpu.memory_space<vmem>>) target(%dma_start3A_55 : memref<64x128xf32, #tpu.memory_space<vmem_shared>>) target_semaphore(%run_scoped3A : memref<!tpu.dma_semaphore, #tpu.memory_space<semaphore_mem>>)
      %dma_wait3A = arith.constant 0 : i32
      %dma_wait3A_59 = arith.constant 0 : i32
      %dma_wait3A_60 = tpu.memref_slice %arg9[%dma_wait3A, %dma_wait3A_59] : memref<128x128xf32, #tpu.memory_space<vmem>> -> memref<64x128xf32, #tpu.memory_space<vmem>>
      %dma_wait3A_61 = arith.constant 0 : i32
      %dma_wait3A_62 = tpu.memref_slice %arg13[%add3A_29, %dma_wait3A_61] : memref<5120x128xf32, #tpu.memory_space<vmem_shared>> -> memref<64x128xf32, #tpu.memory_space<vmem_shared>>
      %dma_wait3A_63 = arith.constant 0 : i32
      %dma_wait3A_64 = tpu.memref_slice %arg13[%add3A_29, %dma_wait3A_63] : memref<5120x128xf32, #tpu.memory_space<vmem_shared>> -> memref<64x128xf32, #tpu.memory_space<vmem_shared>>
      %dma_wait3A_65 = arith.constant 0 : i32
      %dma_wait3A_66 = arith.constant 0 : i32
      %dma_wait3A_67 = tpu.memref_slice %arg9[%dma_wait3A_65, %dma_wait3A_66] : memref<128x128xf32, #tpu.memory_space<vmem>> -> memref<64x128xf32, #tpu.memory_space<vmem>>
      tpu.wait_dma2 semaphore(%run_scoped3A : memref<!tpu.dma_semaphore, #tpu.memory_space<semaphore_mem>>) src(%dma_wait3A_67 : memref<64x128xf32, #tpu.memory_space<vmem>>) dst(%dma_wait3A_64 : memref<64x128xf32, #tpu.memory_space<vmem_shared>>)
      tpu.yield
    }) : () -> ()
    %scan3A_30 = arith.constant 0 : i32
    %scan3A_31 = arith.constant 0 : i32
    %scan3A_32 = arith.constant 128 : i32
    %scan3A_33 = arith.addi %scan3A_31, %scan3A_32 : i32
    %scan3A_34 = arith.constant 1 : i32
    scf.for %scan3A_49 = %scan3A_31 to %scan3A_33 step %scan3A_34  : i32 {
      %broadcast_in_dim3A = arith.constant 1.000000e+00 : f32
      %broadcast_in_dim3A_50 = vector.broadcast %broadcast_in_dim3A : f32 to vector<16xf32>
      %swap3A = arith.index_cast %scan3A_49 : i32 to index
      %swap3A_51 = arith.constant 64 : index
      %swap3A_52 = tpu.vector_load %arg12[%swap3A, %swap3A_51] {strides = array<i32>} : memref<128x128xf32, #tpu.memory_space<vmem>>, vector<1x16xf32>,
      %swap3A_53 = vector.shape_cast %swap3A_52 : vector<1x16xf32> to vector<16xf32>
      %swap3A_54 = vector.shape_cast %broadcast_in_dim3A_50 : vector<16xf32> to vector<1x16xf32>
      tpu.vector_store %arg12[%swap3A, %swap3A_51], %swap3A_54 {strides = array<i32>} : memref<128x128xf32, #tpu.memory_space<vmem>>, vector<1x16xf32>,
      %broadcast_in_dim3A_55 = arith.constant 0.000000e+00 : f32
      %broadcast_in_dim3A_56 = vector.broadcast %broadcast_in_dim3A_55 : f32 to vector<16xf32>
      %swap3A_57 = arith.index_cast %scan3A_49 : i32 to index
      %swap3A_58 = arith.constant 80 : index
      %swap3A_59 = tpu.vector_load %arg12[%swap3A_57, %swap3A_58] {strides = array<i32>} : memref<128x128xf32, #tpu.memory_space<vmem>>, vector<1x16xf32>,
      %swap3A_60 = vector.shape_cast %swap3A_59 : vector<1x16xf32> to vector<16xf32>
      %swap3A_61 = vector.shape_cast %broadcast_in_dim3A_56 : vector<16xf32> to vector<1x16xf32>
      tpu.vector_store %arg12[%swap3A_57, %swap3A_58], %swap3A_61 {strides = array<i32>} : memref<128x128xf32, #tpu.memory_space<vmem>>, vector<1x16xf32>,
      %broadcast_in_dim3A_62 = arith.constant 0.000000e+00 : f32
      %broadcast_in_dim3A_63 = vector.broadcast %broadcast_in_dim3A_62 : f32 to vector<16xf32>
      %swap3A_64 = arith.index_cast %scan3A_49 : i32 to index
      %swap3A_65 = arith.constant 96 : index
      %swap3A_66 = tpu.vector_load %arg12[%swap3A_64, %swap3A_65] {strides = array<i32>} : memref<128x128xf32, #tpu.memory_space<vmem>>, vector<1x16xf32>,
      %swap3A_67 = vector.shape_cast %swap3A_66 : vector<1x16xf32> to vector<16xf32>
      %swap3A_68 = vector.shape_cast %broadcast_in_dim3A_63 : vector<16xf32> to vector<1x16xf32>
      tpu.vector_store %arg12[%swap3A_64, %swap3A_65], %swap3A_68 {strides = array<i32>} : memref<128x128xf32, #tpu.memory_space<vmem>>, vector<1x16xf32>,
      %broadcast_in_dim3A_69 = arith.constant 0.000000e+00 : f32
      %broadcast_in_dim3A_70 = vector.broadcast %broadcast_in_dim3A_69 : f32 to vector<16xf32>
      %swap3A_71 = arith.index_cast %scan3A_49 : i32 to index
      %swap3A_72 = arith.constant 112 : index
      %swap3A_73 = tpu.vector_load %arg12[%swap3A_71, %swap3A_72] {strides = array<i32>} : memref<128x128xf32, #tpu.memory_space<vmem>>, vector<1x16xf32>,
      %swap3A_74 = vector.shape_cast %swap3A_73 : vector<1x16xf32> to vector<16xf32>
      %swap3A_75 = vector.shape_cast %broadcast_in_dim3A_70 : vector<16xf32> to vector<1x16xf32>
      tpu.vector_store %arg12[%swap3A_71, %swap3A_72], %swap3A_75 {strides = array<i32>} : memref<128x128xf32, #tpu.memory_space<vmem>>, vector<1x16xf32>,
    }
    %scan3A_35 = arith.constant 128 : i32
    %barrier3A = arith.constant 0 : index
    tpu.barrier barrier_id(%barrier3A)
    %dma_start3A = arith.constant 0 : i32
    %dma_start3A_36 = arith.constant 0 : i32
    %dma_start3A_37 = tpu.memref_slice %arg7[%dma_start3A, %dma_start3A_36] : memref<40x128xi32, #tpu.memory_space<vmem>> -> memref<1x128xi32, #tpu.memory_space<vmem>>
    %dma_start3A_38 = tpu.memref_squeeze %dma_start3A_37 : memref<1x128xi32, #tpu.memory_space<vmem>> -> memref<128xi32, #tpu.memory_space<vmem>>
    %dma_start3A_39 = arith.constant 0 : i32
    %dma_start3A_40 = arith.constant 0 : i32
    %dma_start3A_41 = tpu.memref_slice %arg2[%dma_start3A_39, %dma_start3A_40] : memref<5000x128xf32, #tpu.memory_space<hbm>> -> memref<5000x128xf32, #tpu.memory_space<hbm>>
    tpu.enqueue_indirect_dma source(%dma_start3A_41 : memref<5000x128xf32, #tpu.memory_space<hbm>>) target(%arg10 : memref<128x128xf32, #tpu.memory_space<vmem>>) offsets(%dma_start3A_38 : memref<128xi32, #tpu.memory_space<vmem>>) semaphore(%arg14 : memref<!tpu.dma_semaphore, #tpu.memory_space<semaphore_mem>>)
    %scan3A_42 = arith.constant 0 : i32
    %scan3A_43 = arith.constant 0 : i32
    %scan3A_44 = arith.constant 20 : i32
    %scan3A_45 = arith.addi %scan3A_43, %scan3A_44 : i32
    %scan3A_46 = arith.constant 1 : i32
    scf.for %scan3A_49 = %scan3A_43 to %scan3A_45 step %scan3A_46  : i32 {
      %mul3A_50 = arith.constant 2 : i32
      %mul3A_51 = arith.muli %mul3A_50, %scan3A_49 : i32
      %mul3A_52 = arith.constant 2 : i32
      %mul3A_53 = arith.muli %mul3A_52, %scan3A_49 : i32
      %add3A_54 = arith.constant 1 : i32
      %add3A_55 = arith.addi %mul3A_53, %add3A_54 : i32
      %lt3A_56 = arith.cmpi slt, %add3A_55, %select_n3A : i32
      %convert_element_type3A = arith.extui %lt3A_56 : i1 to i32
      %cond3A = arith.constant 0 : i32
      %cond3A_57 = arith.cmpi ne, %convert_element_type3A, %cond3A : i32
      scf.if %cond3A_57 {
        %dma_start3A_72 = arith.constant 0 : i32
        %dma_start3A_73 = tpu.memref_slice %arg7[%add3A_55, %dma_start3A_72] : memref<40x128xi32, #tpu.memory_space<vmem>> -> memref<1x128xi32, #tpu.memory_space<vmem>>
        %dma_start3A_74 = tpu.memref_squeeze %dma_start3A_73 : memref<1x128xi32, #tpu.memory_space<vmem>> -> memref<128xi32, #tpu.memory_space<vmem>>
        %dma_start3A_75 = arith.constant 0 : i32
        %dma_start3A_76 = arith.constant 0 : i32
        %dma_start3A_77 = tpu.memref_slice %arg2[%dma_start3A_75, %dma_start3A_76] : memref<5000x128xf32, #tpu.memory_space<hbm>> -> memref<5000x128xf32, #tpu.memory_space<hbm>>
        tpu.enqueue_indirect_dma source(%dma_start3A_77 : memref<5000x128xf32, #tpu.memory_space<hbm>>) target(%arg11 : memref<128x128xf32, #tpu.memory_space<vmem>>) offsets(%dma_start3A_74 : memref<128xi32, #tpu.memory_space<vmem>>) semaphore(%arg15 : memref<!tpu.dma_semaphore, #tpu.memory_space<semaphore_mem>>)
      } else {
      }
      %lt3A_58 = arith.cmpi slt, %mul3A_51, %select_n3A : i32
      %convert_element_type3A_59 = arith.extui %lt3A_58 : i1 to i32
      %cond3A_60 = arith.constant 0 : i32
      %cond3A_61 = arith.cmpi ne, %convert_element_type3A_59, %cond3A_60 : i32
      scf.if %cond3A_61 {
        %dma_wait3A = arith.constant 0 : i32
        %dma_wait3A_72 = tpu.memref_slice %arg7[%mul3A_51, %dma_wait3A] : memref<40x128xi32, #tpu.memory_space<vmem>> -> memref<1x128xi32, #tpu.memory_space<vmem>>
        %dma_wait3A_73 = tpu.memref_squeeze %dma_wait3A_72 : memref<1x128xi32, #tpu.memory_space<vmem>> -> memref<128xi32, #tpu.memory_space<vmem>>
        %dma_wait3A_74 = arith.constant 0 : i32
        %dma_wait3A_75 = arith.constant 0 : i32
        %dma_wait3A_76 = tpu.memref_slice %arg2[%dma_wait3A_74, %dma_wait3A_75] : memref<5000x128xf32, #tpu.memory_space<hbm>> -> memref<5000x128xf32, #tpu.memory_space<hbm>>
        tpu.wait_indirect_dma semaphore(%arg14 : memref<!tpu.dma_semaphore, #tpu.memory_space<semaphore_mem>>) src(%dma_wait3A_76 : memref<5000x128xf32, #tpu.memory_space<hbm>>) dst(%arg10 : memref<128x128xf32, #tpu.memory_space<vmem>>)
        %add3A_77 = arith.addi %add3A_6, %mul3A_51 : i32
        %mul3A_78 = arith.constant 128 : i32
        %mul3A_79 = arith.muli %add3A_77, %mul3A_78 : i32
        "tpu.region"() ({
          %run_scoped3A = tpu.sem_alloc : memref<!tpu.dma_semaphore, #tpu.memory_space<semaphore_mem>>
          %dma_start3A_86 = arith.constant 0 : i32
          %dma_start3A_87 = tpu.memref_slice %arg3[%mul3A_79, %dma_start3A_86] : memref<160000x128xf32, #tpu.memory_space<hbm>> -> memref<128x128xf32, #tpu.memory_space<hbm>>
          %dma_start3A_88 = arith.constant 0 : i32
          %dma_start3A_89 = tpu.memref_slice %arg3[%mul3A_79, %dma_start3A_88] : memref<160000x128xf32, #tpu.memory_space<hbm>> -> memref<128x128xf32, #tpu.memory_space<hbm>>
          tpu.enqueue_dma source(%dma_start3A_89 : memref<128x128xf32, #tpu.memory_space<hbm>>) target(%arg9 : memref<128x128xf32, #tpu.memory_space<vmem>>) target_semaphore(%run_scoped3A : memref<!tpu.dma_semaphore, #tpu.memory_space<semaphore_mem>>)
          %dma_wait3A_90 = arith.constant 0 : i32
          %dma_wait3A_91 = tpu.memref_slice %arg3[%mul3A_79, %dma_wait3A_90] : memref<160000x128xf32, #tpu.memory_space<hbm>> -> memref<128x128xf32, #tpu.memory_space<hbm>>
          %dma_wait3A_92 = arith.constant 0 : i32
          %dma_wait3A_93 = tpu.memref_slice %arg3[%mul3A_79, %dma_wait3A_92] : memref<160000x128xf32, #tpu.memory_space<hbm>> -> memref<128x128xf32, #tpu.memory_space<hbm>>
          tpu.wait_dma2 semaphore(%run_scoped3A : memref<!tpu.dma_semaphore, #tpu.memory_space<semaphore_mem>>) src(%dma_wait3A_93 : memref<128x128xf32, #tpu.memory_space<hbm>>) dst(%arg9 : memref<128x128xf32, #tpu.memory_space<vmem>>)
          tpu.yield
        }) : () -> ()
        %scan3A_80 = arith.constant 0 : i32
        %scan3A_81 = arith.constant 0 : i32
        %scan3A_82 = arith.constant 128 : i32
        %scan3A_83 = arith.addi %scan3A_81, %scan3A_82 : i32
        %scan3A_84 = arith.constant 1 : i32
        scf.for %scan3A_86 = %scan3A_81 to %scan3A_83 step %scan3A_84  : i32 {
          %get3A = arith.index_cast %scan3A_86 : i32 to index
          %get3A_87 = arith.constant 0 : index
          %get3A_88 = tpu.vector_load %arg10[%get3A, %get3A_87] {strides = array<i32>} : memref<128x128xf32, #tpu.memory_space<vmem>>, vector<1x16xf32>,
          %get3A_89 = vector.shape_cast %get3A_88 : vector<1x16xf32> to vector<16xf32>
          %get3A_90 = arith.index_cast %scan3A_86 : i32 to index
          %get3A_91 = arith.constant 0 : index
          %get3A_92 = tpu.vector_load %arg9[%get3A_90, %get3A_91] {strides = array<i32>} : memref<128x128xf32, #tpu.memory_space<vmem>>, vector<1x16xf32>,
          %get3A_93 = vector.shape_cast %get3A_92 : vector<1x16xf32> to vector<16xf32>
          %add3A_94 = arith.addf %get3A_89, %get3A_93 : vector<16xf32>
          %max3A = arith.constant 0.000000e+00 : f32
          %max3A_95 = vector.broadcast %max3A : f32 to vector<16xf32>
          %max3A_96 = arith.maximumf %add3A_94, %max3A_95 : vector<16xf32>
          %bitcast_convert_type3A = tpu.bitcast %max3A_96 : vector<16xf32> -> vector<16xi32>
          %add3A_97 = arith.constant 32767 : i32
          %add3A_98 = vector.broadcast %add3A_97 : i32 to vector<16xi32>
          %add3A_99 = arith.addi %bitcast_convert_type3A, %add3A_98 : vector<16xi32>
          %shift_right_arithmetic3A = arith.constant 16 : i32
          %shift_right_arithmetic3A_100 = vector.broadcast %shift_right_arithmetic3A : i32 to vector<16xi32>
          %shift_right_arithmetic3A_101 = arith.shrsi %bitcast_convert_type3A, %shift_right_arithmetic3A_100 : vector<16xi32>
          %and3A = arith.constant 1 : i32
          %and3A_102 = vector.broadcast %and3A : i32 to vector<16xi32>
          %and3A_103 = arith.andi %shift_right_arithmetic3A_101, %and3A_102 : vector<16xi32>
          %add3A_104 = arith.addi %add3A_99, %and3A_103 : vector<16xi32>
          %and3A_105 = arith.constant -65536 : i32
          %and3A_106 = vector.broadcast %and3A_105 : i32 to vector<16xi32>
          %and3A_107 = arith.andi %add3A_104, %and3A_106 : vector<16xi32>
          %bitcast_convert_type3A_108 = tpu.bitcast %and3A_107 : vector<16xi32> -> vector<16xf32>
          %swap3A = arith.index_cast %scan3A_86 : i32 to index
          %swap3A_109 = arith.constant 0 : index
          %swap3A_110 = tpu.vector_load %arg12[%swap3A, %swap3A_109] {strides = array<i32>} : memref<128x128xf32, #tpu.memory_space<vmem>>, vector<1x16xf32>,
          %swap3A_111 = vector.shape_cast %swap3A_110 : vector<1x16xf32> to vector<16xf32>
          %swap3A_112 = vector.shape_cast %bitcast_convert_type3A_108 : vector<16xf32> to vector<1x16xf32>
          tpu.vector_store %arg12[%swap3A, %swap3A_109], %swap3A_112 {strides = array<i32>} : memref<128x128xf32, #tpu.memory_space<vmem>>, vector<1x16xf32>,
          %get3A_113 = arith.index_cast %scan3A_86 : i32 to index
          %get3A_114 = arith.constant 16 : index
          %get3A_115 = tpu.vector_load %arg10[%get3A_113, %get3A_114] {strides = array<i32>} : memref<128x128xf32, #tpu.memory_space<vmem>>, vector<1x16xf32>,
          %get3A_116 = vector.shape_cast %get3A_115 : vector<1x16xf32> to vector<16xf32>
          %get3A_117 = arith.index_cast %scan3A_86 : i32 to index
          %get3A_118 = arith.constant 16 : index
          %get3A_119 = tpu.vector_load %arg9[%get3A_117, %get3A_118] {strides = array<i32>} : memref<128x128xf32, #tpu.memory_space<vmem>>, vector<1x16xf32>,
          %get3A_120 = vector.shape_cast %get3A_119 : vector<1x16xf32> to vector<16xf32>
          %add3A_121 = arith.addf %get3A_116, %get3A_120 : vector<16xf32>
          %max3A_122 = arith.constant 0.000000e+00 : f32
          %max3A_123 = vector.broadcast %max3A_122 : f32 to vector<16xf32>
          %max3A_124 = arith.maximumf %add3A_121, %max3A_123 : vector<16xf32>
          %bitcast_convert_type3A_125 = tpu.bitcast %max3A_124 : vector<16xf32> -> vector<16xi32>
          %add3A_126 = arith.constant 32767 : i32
          %add3A_127 = vector.broadcast %add3A_126 : i32 to vector<16xi32>
          %add3A_128 = arith.addi %bitcast_convert_type3A_125, %add3A_127 : vector<16xi32>
          %shift_right_arithmetic3A_129 = arith.constant 16 : i32
          %shift_right_arithmetic3A_130 = vector.broadcast %shift_right_arithmetic3A_129 : i32 to vector<16xi32>
          %shift_right_arithmetic3A_131 = arith.shrsi %bitcast_convert_type3A_125, %shift_right_arithmetic3A_130 : vector<16xi32>
          %and3A_132 = arith.constant 1 : i32
          %and3A_133 = vector.broadcast %and3A_132 : i32 to vector<16xi32>
          %and3A_134 = arith.andi %shift_right_arithmetic3A_131, %and3A_133 : vector<16xi32>
          %add3A_135 = arith.addi %add3A_128, %and3A_134 : vector<16xi32>
          %and3A_136 = arith.constant -65536 : i32
          %and3A_137 = vector.broadcast %and3A_136 : i32 to vector<16xi32>
          %and3A_138 = arith.andi %add3A_135, %and3A_137 : vector<16xi32>
          %bitcast_convert_type3A_139 = tpu.bitcast %and3A_138 : vector<16xi32> -> vector<16xf32>
          %swap3A_140 = arith.index_cast %scan3A_86 : i32 to index
          %swap3A_141 = arith.constant 16 : index
          %swap3A_142 = tpu.vector_load %arg12[%swap3A_140, %swap3A_141] {strides = array<i32>} : memref<128x128xf32, #tpu.memory_space<vmem>>, vector<1x16xf32>,
          %swap3A_143 = vector.shape_cast %swap3A_142 : vector<1x16xf32> to vector<16xf32>
          %swap3A_144 = vector.shape_cast %bitcast_convert_type3A_139 : vector<16xf32> to vector<1x16xf32>
          tpu.vector_store %arg12[%swap3A_140, %swap3A_141], %swap3A_144 {strides = array<i32>} : memref<128x128xf32, #tpu.memory_space<vmem>>, vector<1x16xf32>,
          %get3A_145 = arith.index_cast %scan3A_86 : i32 to index
          %get3A_146 = arith.constant 32 : index
          %get3A_147 = tpu.vector_load %arg10[%get3A_145, %get3A_146] {strides = array<i32>} : memref<128x128xf32, #tpu.memory_space<vmem>>, vector<1x16xf32>,
          %get3A_148 = vector.shape_cast %get3A_147 : vector<1x16xf32> to vector<16xf32>
          %get3A_149 = arith.index_cast %scan3A_86 : i32 to index
          %get3A_150 = arith.constant 32 : index
          %get3A_151 = tpu.vector_load %arg9[%get3A_149, %get3A_150] {strides = array<i32>} : memref<128x128xf32, #tpu.memory_space<vmem>>, vector<1x16xf32>,
          %get3A_152 = vector.shape_cast %get3A_151 : vector<1x16xf32> to vector<16xf32>
          %add3A_153 = arith.addf %get3A_148, %get3A_152 : vector<16xf32>
          %max3A_154 = arith.constant 0.000000e+00 : f32
          %max3A_155 = vector.broadcast %max3A_154 : f32 to vector<16xf32>
          %max3A_156 = arith.maximumf %add3A_153, %max3A_155 : vector<16xf32>
          %bitcast_convert_type3A_157 = tpu.bitcast %max3A_156 : vector<16xf32> -> vector<16xi32>
          %add3A_158 = arith.constant 32767 : i32
          %add3A_159 = vector.broadcast %add3A_158 : i32 to vector<16xi32>
          %add3A_160 = arith.addi %bitcast_convert_type3A_157, %add3A_159 : vector<16xi32>
          %shift_right_arithmetic3A_161 = arith.constant 16 : i32
          %shift_right_arithmetic3A_162 = vector.broadcast %shift_right_arithmetic3A_161 : i32 to vector<16xi32>
          %shift_right_arithmetic3A_163 = arith.shrsi %bitcast_convert_type3A_157, %shift_right_arithmetic3A_162 : vector<16xi32>
          %and3A_164 = arith.constant 1 : i32
          %and3A_165 = vector.broadcast %and3A_164 : i32 to vector<16xi32>
          %and3A_166 = arith.andi %shift_right_arithmetic3A_163, %and3A_165 : vector<16xi32>
          %add3A_167 = arith.addi %add3A_160, %and3A_166 : vector<16xi32>
          %and3A_168 = arith.constant -65536 : i32
          %and3A_169 = vector.broadcast %and3A_168 : i32 to vector<16xi32>
          %and3A_170 = arith.andi %add3A_167, %and3A_169 : vector<16xi32>
          %bitcast_convert_type3A_171 = tpu.bitcast %and3A_170 : vector<16xi32> -> vector<16xf32>
          %swap3A_172 = arith.index_cast %scan3A_86 : i32 to index
          %swap3A_173 = arith.constant 32 : index
          %swap3A_174 = tpu.vector_load %arg12[%swap3A_172, %swap3A_173] {strides = array<i32>} : memref<128x128xf32, #tpu.memory_space<vmem>>, vector<1x16xf32>,
          %swap3A_175 = vector.shape_cast %swap3A_174 : vector<1x16xf32> to vector<16xf32>
          %swap3A_176 = vector.shape_cast %bitcast_convert_type3A_171 : vector<16xf32> to vector<1x16xf32>
          tpu.vector_store %arg12[%swap3A_172, %swap3A_173], %swap3A_176 {strides = array<i32>} : memref<128x128xf32, #tpu.memory_space<vmem>>, vector<1x16xf32>,
          %get3A_177 = arith.index_cast %scan3A_86 : i32 to index
          %get3A_178 = arith.constant 48 : index
          %get3A_179 = tpu.vector_load %arg10[%get3A_177, %get3A_178] {strides = array<i32>} : memref<128x128xf32, #tpu.memory_space<vmem>>, vector<1x16xf32>,
          %get3A_180 = vector.shape_cast %get3A_179 : vector<1x16xf32> to vector<16xf32>
          %get3A_181 = arith.index_cast %scan3A_86 : i32 to index
          %get3A_182 = arith.constant 48 : index
          %get3A_183 = tpu.vector_load %arg9[%get3A_181, %get3A_182] {strides = array<i32>} : memref<128x128xf32, #tpu.memory_space<vmem>>, vector<1x16xf32>,
          %get3A_184 = vector.shape_cast %get3A_183 : vector<1x16xf32> to vector<16xf32>
          %add3A_185 = arith.addf %get3A_180, %get3A_184 : vector<16xf32>
          %max3A_186 = arith.constant 0.000000e+00 : f32
          %max3A_187 = vector.broadcast %max3A_186 : f32 to vector<16xf32>
          %max3A_188 = arith.maximumf %add3A_185, %max3A_187 : vector<16xf32>
          %bitcast_convert_type3A_189 = tpu.bitcast %max3A_188 : vector<16xf32> -> vector<16xi32>
          %add3A_190 = arith.constant 32767 : i32
          %add3A_191 = vector.broadcast %add3A_190 : i32 to vector<16xi32>
          %add3A_192 = arith.addi %bitcast_convert_type3A_189, %add3A_191 : vector<16xi32>
          %shift_right_arithmetic3A_193 = arith.constant 16 : i32
          %shift_right_arithmetic3A_194 = vector.broadcast %shift_right_arithmetic3A_193 : i32 to vector<16xi32>
          %shift_right_arithmetic3A_195 = arith.shrsi %bitcast_convert_type3A_189, %shift_right_arithmetic3A_194 : vector<16xi32>
          %and3A_196 = arith.constant 1 : i32
          %and3A_197 = vector.broadcast %and3A_196 : i32 to vector<16xi32>
          %and3A_198 = arith.andi %shift_right_arithmetic3A_195, %and3A_197 : vector<16xi32>
          %add3A_199 = arith.addi %add3A_192, %and3A_198 : vector<16xi32>
          %and3A_200 = arith.constant -65536 : i32
          %and3A_201 = vector.broadcast %and3A_200 : i32 to vector<16xi32>
          %and3A_202 = arith.andi %add3A_199, %and3A_201 : vector<16xi32>
          %bitcast_convert_type3A_203 = tpu.bitcast %and3A_202 : vector<16xi32> -> vector<16xf32>
          %swap3A_204 = arith.index_cast %scan3A_86 : i32 to index
          %swap3A_205 = arith.constant 48 : index
          %swap3A_206 = tpu.vector_load %arg12[%swap3A_204, %swap3A_205] {strides = array<i32>} : memref<128x128xf32, #tpu.memory_space<vmem>>, vector<1x16xf32>,
          %swap3A_207 = vector.shape_cast %swap3A_206 : vector<1x16xf32> to vector<16xf32>
          %swap3A_208 = vector.shape_cast %bitcast_convert_type3A_203 : vector<16xf32> to vector<1x16xf32>
          tpu.vector_store %arg12[%swap3A_204, %swap3A_205], %swap3A_208 {strides = array<i32>} : memref<128x128xf32, #tpu.memory_space<vmem>>, vector<1x16xf32>,
        }
        %scan3A_85 = arith.constant 128 : i32
        "tpu.region"() ({
          %run_scoped3A = tpu.sem_alloc : memref<!tpu.dma_semaphore, #tpu.memory_space<semaphore_mem>>
          %dma_start3A_86 = arith.constant 0 : i32
          %dma_start3A_87 = tpu.memref_slice %arg8[%mul3A_51, %dma_start3A_86] : memref<40x128xi32, #tpu.memory_space<vmem>> -> memref<1x128xi32, #tpu.memory_space<vmem>>
          %dma_start3A_88 = tpu.memref_squeeze %dma_start3A_87 : memref<1x128xi32, #tpu.memory_space<vmem>> -> memref<128xi32, #tpu.memory_space<vmem>>
          %dma_start3A_89 = arith.constant 0 : i32
          %dma_start3A_90 = arith.constant 0 : i32
          %dma_start3A_91 = tpu.memref_slice %arg13[%dma_start3A_89, %dma_start3A_90] : memref<5120x128xf32, #tpu.memory_space<vmem_shared>> -> memref<5120x128xf32, #tpu.memory_space<vmem_shared>>
          tpu.enqueue_indirect_dma source(%arg12 : memref<128x128xf32, #tpu.memory_space<vmem>>) target(%dma_start3A_91 : memref<5120x128xf32, #tpu.memory_space<vmem_shared>>) offsets(%dma_start3A_88 : memref<128xi32, #tpu.memory_space<vmem>>) semaphore(%run_scoped3A : memref<!tpu.dma_semaphore, #tpu.memory_space<semaphore_mem>>) {add = true}
          %dma_wait3A_92 = arith.constant 0 : i32
          %dma_wait3A_93 = tpu.memref_slice %arg8[%mul3A_51, %dma_wait3A_92] : memref<40x128xi32, #tpu.memory_space<vmem>> -> memref<1x128xi32, #tpu.memory_space<vmem>>
          %dma_wait3A_94 = tpu.memref_squeeze %dma_wait3A_93 : memref<1x128xi32, #tpu.memory_space<vmem>> -> memref<128xi32, #tpu.memory_space<vmem>>
          %dma_wait3A_95 = arith.constant 0 : i32
          %dma_wait3A_96 = arith.constant 0 : i32
          %dma_wait3A_97 = tpu.memref_slice %arg13[%dma_wait3A_95, %dma_wait3A_96] : memref<5120x128xf32, #tpu.memory_space<vmem_shared>> -> memref<5120x128xf32, #tpu.memory_space<vmem_shared>>
          tpu.wait_indirect_dma semaphore(%run_scoped3A : memref<!tpu.dma_semaphore, #tpu.memory_space<semaphore_mem>>) src(%arg12 : memref<128x128xf32, #tpu.memory_space<vmem>>) dst(%dma_wait3A_97 : memref<5120x128xf32, #tpu.memory_space<vmem_shared>>)
          tpu.yield
        }) : () -> ()
      } else {
      }
      %add3A_62 = arith.constant 2 : i32
      %add3A_63 = arith.addi %mul3A_51, %add3A_62 : i32
      %lt3A_64 = arith.cmpi slt, %add3A_63, %select_n3A : i32
      %convert_element_type3A_65 = arith.extui %lt3A_64 : i1 to i32
      %cond3A_66 = arith.constant 0 : i32
      %cond3A_67 = arith.cmpi ne, %convert_element_type3A_65, %cond3A_66 : i32
      scf.if %cond3A_67 {
        %add3A_72 = arith.constant 2 : i32
        %add3A_73 = arith.addi %mul3A_51, %add3A_72 : i32
        %dma_start3A_74 = arith.constant 0 : i32
        %dma_start3A_75 = tpu.memref_slice %arg7[%add3A_73, %dma_start3A_74] : memref<40x128xi32, #tpu.memory_space<vmem>> -> memref<1x128xi32, #tpu.memory_space<vmem>>
        %dma_start3A_76 = tpu.memref_squeeze %dma_start3A_75 : memref<1x128xi32, #tpu.memory_space<vmem>> -> memref<128xi32, #tpu.memory_space<vmem>>
        %dma_start3A_77 = arith.constant 0 : i32
        %dma_start3A_78 = arith.constant 0 : i32
        %dma_start3A_79 = tpu.memref_slice %arg2[%dma_start3A_77, %dma_start3A_78] : memref<5000x128xf32, #tpu.memory_space<hbm>> -> memref<5000x128xf32, #tpu.memory_space<hbm>>
        tpu.enqueue_indirect_dma source(%dma_start3A_79 : memref<5000x128xf32, #tpu.memory_space<hbm>>) target(%arg10 : memref<128x128xf32, #tpu.memory_space<vmem>>) offsets(%dma_start3A_76 : memref<128xi32, #tpu.memory_space<vmem>>) semaphore(%arg14 : memref<!tpu.dma_semaphore, #tpu.memory_space<semaphore_mem>>)
      } else {
      }
      %lt3A_68 = arith.cmpi slt, %add3A_55, %select_n3A : i32
      %convert_element_type3A_69 = arith.extui %lt3A_68 : i1 to i32
      %cond3A_70 = arith.constant 0 : i32
      %cond3A_71 = arith.cmpi ne, %convert_element_type3A_69, %cond3A_70 : i32
      scf.if %cond3A_71 {
        %dma_wait3A = arith.constant 0 : i32
        %dma_wait3A_72 = tpu.memref_slice %arg7[%add3A_55, %dma_wait3A] : memref<40x128xi32, #tpu.memory_space<vmem>> -> memref<1x128xi32, #tpu.memory_space<vmem>>
        %dma_wait3A_73 = tpu.memref_squeeze %dma_wait3A_72 : memref<1x128xi32, #tpu.memory_space<vmem>> -> memref<128xi32, #tpu.memory_space<vmem>>
        %dma_wait3A_74 = arith.constant 0 : i32
        %dma_wait3A_75 = arith.constant 0 : i32
        %dma_wait3A_76 = tpu.memref_slice %arg2[%dma_wait3A_74, %dma_wait3A_75] : memref<5000x128xf32, #tpu.memory_space<hbm>> -> memref<5000x128xf32, #tpu.memory_space<hbm>>
        tpu.wait_indirect_dma semaphore(%arg15 : memref<!tpu.dma_semaphore, #tpu.memory_space<semaphore_mem>>) src(%dma_wait3A_76 : memref<5000x128xf32, #tpu.memory_space<hbm>>) dst(%arg11 : memref<128x128xf32, #tpu.memory_space<vmem>>)
        %add3A_77 = arith.addi %add3A_6, %add3A_55 : i32
        %mul3A_78 = arith.constant 128 : i32
        %mul3A_79 = arith.muli %add3A_77, %mul3A_78 : i32
        "tpu.region"() ({
          %run_scoped3A = tpu.sem_alloc : memref<!tpu.dma_semaphore, #tpu.memory_space<semaphore_mem>>
          %dma_start3A_86 = arith.constant 0 : i32
          %dma_start3A_87 = tpu.memref_slice %arg3[%mul3A_79, %dma_start3A_86] : memref<160000x128xf32, #tpu.memory_space<hbm>> -> memref<128x128xf32, #tpu.memory_space<hbm>>
          %dma_start3A_88 = arith.constant 0 : i32
          %dma_start3A_89 = tpu.memref_slice %arg3[%mul3A_79, %dma_start3A_88] : memref<160000x128xf32, #tpu.memory_space<hbm>> -> memref<128x128xf32, #tpu.memory_space<hbm>>
          tpu.enqueue_dma source(%dma_start3A_89 : memref<128x128xf32, #tpu.memory_space<hbm>>) target(%arg9 : memref<128x128xf32, #tpu.memory_space<vmem>>) target_semaphore(%run_scoped3A : memref<!tpu.dma_semaphore, #tpu.memory_space<semaphore_mem>>)
          %dma_wait3A_90 = arith.constant 0 : i32
          %dma_wait3A_91 = tpu.memref_slice %arg3[%mul3A_79, %dma_wait3A_90] : memref<160000x128xf32, #tpu.memory_space<hbm>> -> memref<128x128xf32, #tpu.memory_space<hbm>>
          %dma_wait3A_92 = arith.constant 0 : i32
          %dma_wait3A_93 = tpu.memref_slice %arg3[%mul3A_79, %dma_wait3A_92] : memref<160000x128xf32, #tpu.memory_space<hbm>> -> memref<128x128xf32, #tpu.memory_space<hbm>>
          tpu.wait_dma2 semaphore(%run_scoped3A : memref<!tpu.dma_semaphore, #tpu.memory_space<semaphore_mem>>) src(%dma_wait3A_93 : memref<128x128xf32, #tpu.memory_space<hbm>>) dst(%arg9 : memref<128x128xf32, #tpu.memory_space<vmem>>)
          tpu.yield
        }) : () -> ()
        %scan3A_80 = arith.constant 0 : i32
        %scan3A_81 = arith.constant 0 : i32
        %scan3A_82 = arith.constant 128 : i32
        %scan3A_83 = arith.addi %scan3A_81, %scan3A_82 : i32
        %scan3A_84 = arith.constant 1 : i32
        scf.for %scan3A_86 = %scan3A_81 to %scan3A_83 step %scan3A_84  : i32 {
          %get3A = arith.index_cast %scan3A_86 : i32 to index
          %get3A_87 = arith.constant 0 : index
          %get3A_88 = tpu.vector_load %arg11[%get3A, %get3A_87] {strides = array<i32>} : memref<128x128xf32, #tpu.memory_space<vmem>>, vector<1x16xf32>,
          %get3A_89 = vector.shape_cast %get3A_88 : vector<1x16xf32> to vector<16xf32>
          %get3A_90 = arith.index_cast %scan3A_86 : i32 to index
          %get3A_91 = arith.constant 0 : index
          %get3A_92 = tpu.vector_load %arg9[%get3A_90, %get3A_91] {strides = array<i32>} : memref<128x128xf32, #tpu.memory_space<vmem>>, vector<1x16xf32>,
          %get3A_93 = vector.shape_cast %get3A_92 : vector<1x16xf32> to vector<16xf32>
          %add3A_94 = arith.addf %get3A_89, %get3A_93 : vector<16xf32>
          %max3A = arith.constant 0.000000e+00 : f32
          %max3A_95 = vector.broadcast %max3A : f32 to vector<16xf32>
          %max3A_96 = arith.maximumf %add3A_94, %max3A_95 : vector<16xf32>
          %bitcast_convert_type3A = tpu.bitcast %max3A_96 : vector<16xf32> -> vector<16xi32>
          %add3A_97 = arith.constant 32767 : i32
          %add3A_98 = vector.broadcast %add3A_97 : i32 to vector<16xi32>
          %add3A_99 = arith.addi %bitcast_convert_type3A, %add3A_98 : vector<16xi32>
          %shift_right_arithmetic3A = arith.constant 16 : i32
          %shift_right_arithmetic3A_100 = vector.broadcast %shift_right_arithmetic3A : i32 to vector<16xi32>
          %shift_right_arithmetic3A_101 = arith.shrsi %bitcast_convert_type3A, %shift_right_arithmetic3A_100 : vector<16xi32>
          %and3A = arith.constant 1 : i32
          %and3A_102 = vector.broadcast %and3A : i32 to vector<16xi32>
          %and3A_103 = arith.andi %shift_right_arithmetic3A_101, %and3A_102 : vector<16xi32>
          %add3A_104 = arith.addi %add3A_99, %and3A_103 : vector<16xi32>
          %and3A_105 = arith.constant -65536 : i32
          %and3A_106 = vector.broadcast %and3A_105 : i32 to vector<16xi32>
          %and3A_107 = arith.andi %add3A_104, %and3A_106 : vector<16xi32>
          %bitcast_convert_type3A_108 = tpu.bitcast %and3A_107 : vector<16xi32> -> vector<16xf32>
          %swap3A = arith.index_cast %scan3A_86 : i32 to index
          %swap3A_109 = arith.constant 0 : index
          %swap3A_110 = tpu.vector_load %arg12[%swap3A, %swap3A_109] {strides = array<i32>} : memref<128x128xf32, #tpu.memory_space<vmem>>, vector<1x16xf32>,
          %swap3A_111 = vector.shape_cast %swap3A_110 : vector<1x16xf32> to vector<16xf32>
          %swap3A_112 = vector.shape_cast %bitcast_convert_type3A_108 : vector<16xf32> to vector<1x16xf32>
          tpu.vector_store %arg12[%swap3A, %swap3A_109], %swap3A_112 {strides = array<i32>} : memref<128x128xf32, #tpu.memory_space<vmem>>, vector<1x16xf32>,
          %get3A_113 = arith.index_cast %scan3A_86 : i32 to index
          %get3A_114 = arith.constant 16 : index
          %get3A_115 = tpu.vector_load %arg11[%get3A_113, %get3A_114] {strides = array<i32>} : memref<128x128xf32, #tpu.memory_space<vmem>>, vector<1x16xf32>,
          %get3A_116 = vector.shape_cast %get3A_115 : vector<1x16xf32> to vector<16xf32>
          %get3A_117 = arith.index_cast %scan3A_86 : i32 to index
          %get3A_118 = arith.constant 16 : index
          %get3A_119 = tpu.vector_load %arg9[%get3A_117, %get3A_118] {strides = array<i32>} : memref<128x128xf32, #tpu.memory_space<vmem>>, vector<1x16xf32>,
          %get3A_120 = vector.shape_cast %get3A_119 : vector<1x16xf32> to vector<16xf32>
          %add3A_121 = arith.addf %get3A_116, %get3A_120 : vector<16xf32>
          %max3A_122 = arith.constant 0.000000e+00 : f32
          %max3A_123 = vector.broadcast %max3A_122 : f32 to vector<16xf32>
          %max3A_124 = arith.maximumf %add3A_121, %max3A_123 : vector<16xf32>
          %bitcast_convert_type3A_125 = tpu.bitcast %max3A_124 : vector<16xf32> -> vector<16xi32>
          %add3A_126 = arith.constant 32767 : i32
          %add3A_127 = vector.broadcast %add3A_126 : i32 to vector<16xi32>
          %add3A_128 = arith.addi %bitcast_convert_type3A_125, %add3A_127 : vector<16xi32>
          %shift_right_arithmetic3A_129 = arith.constant 16 : i32
          %shift_right_arithmetic3A_130 = vector.broadcast %shift_right_arithmetic3A_129 : i32 to vector<16xi32>
          %shift_right_arithmetic3A_131 = arith.shrsi %bitcast_convert_type3A_125, %shift_right_arithmetic3A_130 : vector<16xi32>
          %and3A_132 = arith.constant 1 : i32
          %and3A_133 = vector.broadcast %and3A_132 : i32 to vector<16xi32>
          %and3A_134 = arith.andi %shift_right_arithmetic3A_131, %and3A_133 : vector<16xi32>
          %add3A_135 = arith.addi %add3A_128, %and3A_134 : vector<16xi32>
          %and3A_136 = arith.constant -65536 : i32
          %and3A_137 = vector.broadcast %and3A_136 : i32 to vector<16xi32>
          %and3A_138 = arith.andi %add3A_135, %and3A_137 : vector<16xi32>
          %bitcast_convert_type3A_139 = tpu.bitcast %and3A_138 : vector<16xi32> -> vector<16xf32>
          %swap3A_140 = arith.index_cast %scan3A_86 : i32 to index
          %swap3A_141 = arith.constant 16 : index
          %swap3A_142 = tpu.vector_load %arg12[%swap3A_140, %swap3A_141] {strides = array<i32>} : memref<128x128xf32, #tpu.memory_space<vmem>>, vector<1x16xf32>,
          %swap3A_143 = vector.shape_cast %swap3A_142 : vector<1x16xf32> to vector<16xf32>
          %swap3A_144 = vector.shape_cast %bitcast_convert_type3A_139 : vector<16xf32> to vector<1x16xf32>
          tpu.vector_store %arg12[%swap3A_140, %swap3A_141], %swap3A_144 {strides = array<i32>} : memref<128x128xf32, #tpu.memory_space<vmem>>, vector<1x16xf32>,
          %get3A_145 = arith.index_cast %scan3A_86 : i32 to index
          %get3A_146 = arith.constant 32 : index
          %get3A_147 = tpu.vector_load %arg11[%get3A_145, %get3A_146] {strides = array<i32>} : memref<128x128xf32, #tpu.memory_space<vmem>>, vector<1x16xf32>,
          %get3A_148 = vector.shape_cast %get3A_147 : vector<1x16xf32> to vector<16xf32>
          %get3A_149 = arith.index_cast %scan3A_86 : i32 to index
          %get3A_150 = arith.constant 32 : index
          %get3A_151 = tpu.vector_load %arg9[%get3A_149, %get3A_150] {strides = array<i32>} : memref<128x128xf32, #tpu.memory_space<vmem>>, vector<1x16xf32>,
          %get3A_152 = vector.shape_cast %get3A_151 : vector<1x16xf32> to vector<16xf32>
          %add3A_153 = arith.addf %get3A_148, %get3A_152 : vector<16xf32>
          %max3A_154 = arith.constant 0.000000e+00 : f32
          %max3A_155 = vector.broadcast %max3A_154 : f32 to vector<16xf32>
          %max3A_156 = arith.maximumf %add3A_153, %max3A_155 : vector<16xf32>
          %bitcast_convert_type3A_157 = tpu.bitcast %max3A_156 : vector<16xf32> -> vector<16xi32>
          %add3A_158 = arith.constant 32767 : i32
          %add3A_159 = vector.broadcast %add3A_158 : i32 to vector<16xi32>
          %add3A_160 = arith.addi %bitcast_convert_type3A_157, %add3A_159 : vector<16xi32>
          %shift_right_arithmetic3A_161 = arith.constant 16 : i32
          %shift_right_arithmetic3A_162 = vector.broadcast %shift_right_arithmetic3A_161 : i32 to vector<16xi32>
          %shift_right_arithmetic3A_163 = arith.shrsi %bitcast_convert_type3A_157, %shift_right_arithmetic3A_162 : vector<16xi32>
          %and3A_164 = arith.constant 1 : i32
          %and3A_165 = vector.broadcast %and3A_164 : i32 to vector<16xi32>
          %and3A_166 = arith.andi %shift_right_arithmetic3A_163, %and3A_165 : vector<16xi32>
          %add3A_167 = arith.addi %add3A_160, %and3A_166 : vector<16xi32>
          %and3A_168 = arith.constant -65536 : i32
          %and3A_169 = vector.broadcast %and3A_168 : i32 to vector<16xi32>
          %and3A_170 = arith.andi %add3A_167, %and3A_169 : vector<16xi32>
          %bitcast_convert_type3A_171 = tpu.bitcast %and3A_170 : vector<16xi32> -> vector<16xf32>
          %swap3A_172 = arith.index_cast %scan3A_86 : i32 to index
          %swap3A_173 = arith.constant 32 : index
          %swap3A_174 = tpu.vector_load %arg12[%swap3A_172, %swap3A_173] {strides = array<i32>} : memref<128x128xf32, #tpu.memory_space<vmem>>, vector<1x16xf32>,
          %swap3A_175 = vector.shape_cast %swap3A_174 : vector<1x16xf32> to vector<16xf32>
          %swap3A_176 = vector.shape_cast %bitcast_convert_type3A_171 : vector<16xf32> to vector<1x16xf32>
          tpu.vector_store %arg12[%swap3A_172, %swap3A_173], %swap3A_176 {strides = array<i32>} : memref<128x128xf32, #tpu.memory_space<vmem>>, vector<1x16xf32>,
          %get3A_177 = arith.index_cast %scan3A_86 : i32 to index
          %get3A_178 = arith.constant 48 : index
          %get3A_179 = tpu.vector_load %arg11[%get3A_177, %get3A_178] {strides = array<i32>} : memref<128x128xf32, #tpu.memory_space<vmem>>, vector<1x16xf32>,
          %get3A_180 = vector.shape_cast %get3A_179 : vector<1x16xf32> to vector<16xf32>
          %get3A_181 = arith.index_cast %scan3A_86 : i32 to index
          %get3A_182 = arith.constant 48 : index
          %get3A_183 = tpu.vector_load %arg9[%get3A_181, %get3A_182] {strides = array<i32>} : memref<128x128xf32, #tpu.memory_space<vmem>>, vector<1x16xf32>,
          %get3A_184 = vector.shape_cast %get3A_183 : vector<1x16xf32> to vector<16xf32>
          %add3A_185 = arith.addf %get3A_180, %get3A_184 : vector<16xf32>
          %max3A_186 = arith.constant 0.000000e+00 : f32
          %max3A_187 = vector.broadcast %max3A_186 : f32 to vector<16xf32>
          %max3A_188 = arith.maximumf %add3A_185, %max3A_187 : vector<16xf32>
          %bitcast_convert_type3A_189 = tpu.bitcast %max3A_188 : vector<16xf32> -> vector<16xi32>
          %add3A_190 = arith.constant 32767 : i32
          %add3A_191 = vector.broadcast %add3A_190 : i32 to vector<16xi32>
          %add3A_192 = arith.addi %bitcast_convert_type3A_189, %add3A_191 : vector<16xi32>
          %shift_right_arithmetic3A_193 = arith.constant 16 : i32
          %shift_right_arithmetic3A_194 = vector.broadcast %shift_right_arithmetic3A_193 : i32 to vector<16xi32>
          %shift_right_arithmetic3A_195 = arith.shrsi %bitcast_convert_type3A_189, %shift_right_arithmetic3A_194 : vector<16xi32>
          %and3A_196 = arith.constant 1 : i32
          %and3A_197 = vector.broadcast %and3A_196 : i32 to vector<16xi32>
          %and3A_198 = arith.andi %shift_right_arithmetic3A_195, %and3A_197 : vector<16xi32>
          %add3A_199 = arith.addi %add3A_192, %and3A_198 : vector<16xi32>
          %and3A_200 = arith.constant -65536 : i32
          %and3A_201 = vector.broadcast %and3A_200 : i32 to vector<16xi32>
          %and3A_202 = arith.andi %add3A_199, %and3A_201 : vector<16xi32>
          %bitcast_convert_type3A_203 = tpu.bitcast %and3A_202 : vector<16xi32> -> vector<16xf32>
          %swap3A_204 = arith.index_cast %scan3A_86 : i32 to index
          %swap3A_205 = arith.constant 48 : index
          %swap3A_206 = tpu.vector_load %arg12[%swap3A_204, %swap3A_205] {strides = array<i32>} : memref<128x128xf32, #tpu.memory_space<vmem>>, vector<1x16xf32>,
          %swap3A_207 = vector.shape_cast %swap3A_206 : vector<1x16xf32> to vector<16xf32>
          %swap3A_208 = vector.shape_cast %bitcast_convert_type3A_203 : vector<16xf32> to vector<1x16xf32>
          tpu.vector_store %arg12[%swap3A_204, %swap3A_205], %swap3A_208 {strides = array<i32>} : memref<128x128xf32, #tpu.memory_space<vmem>>, vector<1x16xf32>,
        }
        %scan3A_85 = arith.constant 128 : i32
        "tpu.region"() ({
          %run_scoped3A = tpu.sem_alloc : memref<!tpu.dma_semaphore, #tpu.memory_space<semaphore_mem>>
          %dma_start3A_86 = arith.constant 0 : i32
          %dma_start3A_87 = tpu.memref_slice %arg8[%add3A_55, %dma_start3A_86] : memref<40x128xi32, #tpu.memory_space<vmem>> -> memref<1x128xi32, #tpu.memory_space<vmem>>
          %dma_start3A_88 = tpu.memref_squeeze %dma_start3A_87 : memref<1x128xi32, #tpu.memory_space<vmem>> -> memref<128xi32, #tpu.memory_space<vmem>>
          %dma_start3A_89 = arith.constant 0 : i32
          %dma_start3A_90 = arith.constant 0 : i32
          %dma_start3A_91 = tpu.memref_slice %arg13[%dma_start3A_89, %dma_start3A_90] : memref<5120x128xf32, #tpu.memory_space<vmem_shared>> -> memref<5120x128xf32, #tpu.memory_space<vmem_shared>>
          tpu.enqueue_indirect_dma source(%arg12 : memref<128x128xf32, #tpu.memory_space<vmem>>) target(%dma_start3A_91 : memref<5120x128xf32, #tpu.memory_space<vmem_shared>>) offsets(%dma_start3A_88 : memref<128xi32, #tpu.memory_space<vmem>>) semaphore(%run_scoped3A : memref<!tpu.dma_semaphore, #tpu.memory_space<semaphore_mem>>) {add = true}
          %dma_wait3A_92 = arith.constant 0 : i32
          %dma_wait3A_93 = tpu.memref_slice %arg8[%add3A_55, %dma_wait3A_92] : memref<40x128xi32, #tpu.memory_space<vmem>> -> memref<1x128xi32, #tpu.memory_space<vmem>>
          %dma_wait3A_94 = tpu.memref_squeeze %dma_wait3A_93 : memref<1x128xi32, #tpu.memory_space<vmem>> -> memref<128xi32, #tpu.memory_space<vmem>>
          %dma_wait3A_95 = arith.constant 0 : i32
          %dma_wait3A_96 = arith.constant 0 : i32
          %dma_wait3A_97 = tpu.memref_slice %arg13[%dma_wait3A_95, %dma_wait3A_96] : memref<5120x128xf32, #tpu.memory_space<vmem_shared>> -> memref<5120x128xf32, #tpu.memory_space<vmem_shared>>
          tpu.wait_indirect_dma semaphore(%run_scoped3A : memref<!tpu.dma_semaphore, #tpu.memory_space<semaphore_mem>>) src(%arg12 : memref<128x128xf32, #tpu.memory_space<vmem>>) dst(%dma_wait3A_97 : memref<5120x128xf32, #tpu.memory_space<vmem_shared>>)
          tpu.yield
        }) : () -> ()
      } else {
      }
    }
    %scan3A_47 = arith.constant 20 : i32
    %barrier3A_48 = arith.constant 0 : index
    tpu.barrier barrier_id(%barrier3A_48)
    "tpu.region"() ({
      %run_scoped3A = tpu.sem_alloc : memref<!tpu.dma_semaphore, #tpu.memory_space<semaphore_mem>>
      %dma_start3A_49 = arith.constant 0 : i32
      %dma_start3A_50 = tpu.memref_slice %arg6[%arg0, %mul3A_8, %dma_start3A_49] : memref<2x5120x128xf32, #tpu.memory_space<hbm>> -> memref<1x320x128xf32, #tpu.memory_space<hbm>>
      %dma_start3A_51 = tpu.memref_squeeze %dma_start3A_50 : memref<1x320x128xf32, #tpu.memory_space<hbm>> -> memref<320x128xf32, #tpu.memory_space<hbm>>
      %dma_start3A_52 = arith.constant 0 : i32
      %dma_start3A_53 = tpu.memref_slice %arg13[%mul3A_8, %dma_start3A_52] : memref<5120x128xf32, #tpu.memory_space<vmem_shared>> -> memref<320x128xf32, #tpu.memory_space<vmem_shared>>
      tpu.enqueue_dma source(%dma_start3A_53 : memref<320x128xf32, #tpu.memory_space<vmem_shared>>) target(%dma_start3A_51 : memref<320x128xf32, #tpu.memory_space<hbm>>) target_semaphore(%run_scoped3A : memref<!tpu.dma_semaphore, #tpu.memory_space<semaphore_mem>>)
      %dma_wait3A = arith.constant 0 : i32
      %dma_wait3A_54 = tpu.memref_slice %arg6[%arg0, %mul3A_8, %dma_wait3A] : memref<2x5120x128xf32, #tpu.memory_space<hbm>> -> memref<1x320x128xf32, #tpu.memory_space<hbm>>
      %dma_wait3A_55 = tpu.memref_squeeze %dma_wait3A_54 : memref<1x320x128xf32, #tpu.memory_space<hbm>> -> memref<320x128xf32, #tpu.memory_space<hbm>>
      %dma_wait3A_56 = arith.constant 0 : i32
      %dma_wait3A_57 = tpu.memref_slice %arg13[%mul3A_8, %dma_wait3A_56] : memref<5120x128xf32, #tpu.memory_space<vmem_shared>> -> memref<320x128xf32, #tpu.memory_space<vmem_shared>>
      tpu.wait_dma2 semaphore(%run_scoped3A : memref<!tpu.dma_semaphore, #tpu.memory_space<semaphore_mem>>) src(%dma_wait3A_57 : memref<320x128xf32, #tpu.memory_space<vmem_shared>>) dst(%dma_wait3A_55 : memref<320x128xf32, #tpu.memory_space<hbm>>)
      tpu.yield
    }) : () -> ()
    return
  }
}

#map = affine_map<(d0, d1) -> (0, 0)>
#map1 = affine_map<(d0, d1) -> (0, 0, 0)>
module attributes {stable_mosaic.version = 14 : i64} {
  func.func @_sc_layer(%arg0: i32, %arg1: i32, %arg2: memref<5000x128xf32, #tpu.memory_space<hbm>>, %arg3: memref<160000x128xf32, #tpu.memory_space<hbm>>, %arg4: memref<1280x128xi32, #tpu.memory_space<hbm>>, %arg5: memref<1280x128xi32, #tpu.memory_space<hbm>>, %arg6: memref<2x5120x128xf32, #tpu.memory_space<hbm>>, %arg7: memref<40x128xi32, #tpu.memory_space<vmem>>, %arg8: memref<40x128xi32, #tpu.memory_space<vmem>>, %arg9: memref<128x128xf32, #tpu.memory_space<vmem>>, %arg10: memref<128x128xf32, #tpu.memory_space<vmem>>, %arg11: memref<128x128xf32, #tpu.memory_space<vmem>>, %arg12: memref<128x128xf32, #tpu.memory_space<vmem>>, %arg13: memref<5120x128xf32, #tpu.memory_space<vmem_shared>>, %arg14: memref<!tpu.dma_semaphore, #tpu.memory_space<semaphore_mem>>, %arg15: memref<!tpu.dma_semaphore, #tpu.memory_space<semaphore_mem>>) attributes {dimension_semantics = [#tpu.dimension_semantics<core_parallel>, #tpu.dimension_semantics<subcore_parallel>], iteration_bounds = array<i64: 2, 16>, scalar_prefetch = 0 : i64, scratch_operands = 9 : i64, tpu.core_type = #tpu.core_type<sc_vector_subcore>, window_params = [{transform_indices = #map}, {transform_indices = #map}, {transform_indices = #map}, {transform_indices = #map}, {transform_indices = #map1}]} {
    %mul3A = arith.constant 2 : i32
    %mul3A_0 = arith.muli %arg1, %mul3A : i32
    %add3A = arith.addi %mul3A_0, %arg0 : i32
    %lt3A = arith.constant 2 : i32
    %lt3A_1 = arith.cmpi slt, %add3A, %lt3A : i32
    %jit3A = arith.constant 40 : i32
    %jit3A_2 = arith.constant 39 : i32
    %select_n3A = arith.select %lt3A_1, %jit3A, %jit3A_2 : i32
    %mul3A_3 = arith.constant 39 : i32
    %mul3A_4 = arith.muli %mul3A_3, %add3A : i32
    %min3A = arith.constant 2 : i32
    %min3A_5 = arith.minsi %add3A, %min3A : i32
    %add3A_6 = arith.addi %mul3A_4, %min3A_5 : i32
    %mul3A_7 = arith.constant 320 : i32
    %mul3A_8 = arith.muli %arg1, %mul3A_7 : i32
    %mul3A_9 = arith.constant 40 : i32
    %mul3A_10 = arith.muli %add3A, %mul3A_9 : i32
    "tpu.region"() ({
      %run_scoped3A = tpu.sem_alloc : memref<!tpu.dma_semaphore, #tpu.memory_space<semaphore_mem>>
      %dma_start3A_49 = arith.constant 0 : i32
      %dma_start3A_50 = tpu.memref_slice %arg4[%mul3A_10, %dma_start3A_49] : memref<1280x128xi32, #tpu.memory_space<hbm>> -> memref<40x128xi32, #tpu.memory_space<hbm>>
      %dma_start3A_51 = arith.constant 0 : i32
      %dma_start3A_52 = tpu.memref_slice %arg4[%mul3A_10, %dma_start3A_51] : memref<1280x128xi32, #tpu.memory_space<hbm>> -> memref<40x128xi32, #tpu.memory_space<hbm>>
      tpu.enqueue_dma source(%dma_start3A_52 : memref<40x128xi32, #tpu.memory_space<hbm>>) target(%arg7 : memref<40x128xi32, #tpu.memory_space<vmem>>) target_semaphore(%run_scoped3A : memref<!tpu.dma_semaphore, #tpu.memory_space<semaphore_mem>>)
      %dma_wait3A = arith.constant 0 : i32
      %dma_wait3A_53 = tpu.memref_slice %arg4[%mul3A_10, %dma_wait3A] : memref<1280x128xi32, #tpu.memory_space<hbm>> -> memref<40x128xi32, #tpu.memory_space<hbm>>
      %dma_wait3A_54 = arith.constant 0 : i32
      %dma_wait3A_55 = tpu.memref_slice %arg4[%mul3A_10, %dma_wait3A_54] : memref<1280x128xi32, #tpu.memory_space<hbm>> -> memref<40x128xi32, #tpu.memory_space<hbm>>
      tpu.wait_dma2 semaphore(%run_scoped3A : memref<!tpu.dma_semaphore, #tpu.memory_space<semaphore_mem>>) src(%dma_wait3A_55 : memref<40x128xi32, #tpu.memory_space<hbm>>) dst(%arg7 : memref<40x128xi32, #tpu.memory_space<vmem>>)
      tpu.yield
    }) : () -> ()
    %mul3A_11 = arith.constant 40 : i32
    %mul3A_12 = arith.muli %add3A, %mul3A_11 : i32
    "tpu.region"() ({
      %run_scoped3A = tpu.sem_alloc : memref<!tpu.dma_semaphore, #tpu.memory_space<semaphore_mem>>
      %dma_start3A_49 = arith.constant 0 : i32
      %dma_start3A_50 = tpu.memref_slice %arg5[%mul3A_12, %dma_start3A_49] : memref<1280x128xi32, #tpu.memory_space<hbm>> -> memref<40x128xi32, #tpu.memory_space<hbm>>
      %dma_start3A_51 = arith.constant 0 : i32
      %dma_start3A_52 = tpu.memref_slice %arg5[%mul3A_12, %dma_start3A_51] : memref<1280x128xi32, #tpu.memory_space<hbm>> -> memref<40x128xi32, #tpu.memory_space<hbm>>
      tpu.enqueue_dma source(%dma_start3A_52 : memref<40x128xi32, #tpu.memory_space<hbm>>) target(%arg8 : memref<40x128xi32, #tpu.memory_space<vmem>>) target_semaphore(%run_scoped3A : memref<!tpu.dma_semaphore, #tpu.memory_space<semaphore_mem>>)
      %dma_wait3A = arith.constant 0 : i32
      %dma_wait3A_53 = tpu.memref_slice %arg5[%mul3A_12, %dma_wait3A] : memref<1280x128xi32, #tpu.memory_space<hbm>> -> memref<40x128xi32, #tpu.memory_space<hbm>>
      %dma_wait3A_54 = arith.constant 0 : i32
      %dma_wait3A_55 = tpu.memref_slice %arg5[%mul3A_12, %dma_wait3A_54] : memref<1280x128xi32, #tpu.memory_space<hbm>> -> memref<40x128xi32, #tpu.memory_space<hbm>>
      tpu.wait_dma2 semaphore(%run_scoped3A : memref<!tpu.dma_semaphore, #tpu.memory_space<semaphore_mem>>) src(%dma_wait3A_55 : memref<40x128xi32, #tpu.memory_space<hbm>>) dst(%arg8 : memref<40x128xi32, #tpu.memory_space<vmem>>)
      tpu.yield
    }) : () -> ()
    %scan3A = arith.constant 0 : i32
    %scan3A_13 = arith.constant 0 : i32
    %scan3A_14 = arith.constant 128 : i32
    %scan3A_15 = arith.addi %scan3A_13, %scan3A_14 : i32
    %scan3A_16 = arith.constant 1 : i32
    scf.for %scan3A_49 = %scan3A_13 to %scan3A_15 step %scan3A_16  : i32 {
      %broadcast_in_dim3A = arith.constant 0.000000e+00 : f32
      %broadcast_in_dim3A_50 = vector.broadcast %broadcast_in_dim3A : f32 to vector<16xf32>
      %swap3A = arith.index_cast %scan3A_49 : i32 to index
      %swap3A_51 = arith.constant 0 : index
      %swap3A_52 = tpu.vector_load %arg9[%swap3A, %swap3A_51] {strides = array<i32>} : memref<128x128xf32, #tpu.memory_space<vmem>>, vector<1x16xf32>,
      %swap3A_53 = vector.shape_cast %swap3A_52 : vector<1x16xf32> to vector<16xf32>
      %swap3A_54 = vector.shape_cast %broadcast_in_dim3A_50 : vector<16xf32> to vector<1x16xf32>
      tpu.vector_store %arg9[%swap3A, %swap3A_51], %swap3A_54 {strides = array<i32>} : memref<128x128xf32, #tpu.memory_space<vmem>>, vector<1x16xf32>,
      %broadcast_in_dim3A_55 = arith.constant 0.000000e+00 : f32
      %broadcast_in_dim3A_56 = vector.broadcast %broadcast_in_dim3A_55 : f32 to vector<16xf32>
      %swap3A_57 = arith.index_cast %scan3A_49 : i32 to index
      %swap3A_58 = arith.constant 16 : index
      %swap3A_59 = tpu.vector_load %arg9[%swap3A_57, %swap3A_58] {strides = array<i32>} : memref<128x128xf32, #tpu.memory_space<vmem>>, vector<1x16xf32>,
      %swap3A_60 = vector.shape_cast %swap3A_59 : vector<1x16xf32> to vector<16xf32>
      %swap3A_61 = vector.shape_cast %broadcast_in_dim3A_56 : vector<16xf32> to vector<1x16xf32>
      tpu.vector_store %arg9[%swap3A_57, %swap3A_58], %swap3A_61 {strides = array<i32>} : memref<128x128xf32, #tpu.memory_space<vmem>>, vector<1x16xf32>,
      %broadcast_in_dim3A_62 = arith.constant 0.000000e+00 : f32
      %broadcast_in_dim3A_63 = vector.broadcast %broadcast_in_dim3A_62 : f32 to vector<16xf32>
      %swap3A_64 = arith.index_cast %scan3A_49 : i32 to index
      %swap3A_65 = arith.constant 32 : index
      %swap3A_66 = tpu.vector_load %arg9[%swap3A_64, %swap3A_65] {strides = array<i32>} : memref<128x128xf32, #tpu.memory_space<vmem>>, vector<1x16xf32>,
      %swap3A_67 = vector.shape_cast %swap3A_66 : vector<1x16xf32> to vector<16xf32>
      %swap3A_68 = vector.shape_cast %broadcast_in_dim3A_63 : vector<16xf32> to vector<1x16xf32>
      tpu.vector_store %arg9[%swap3A_64, %swap3A_65], %swap3A_68 {strides = array<i32>} : memref<128x128xf32, #tpu.memory_space<vmem>>, vector<1x16xf32>,
      %broadcast_in_dim3A_69 = arith.constant 0.000000e+00 : f32
      %broadcast_in_dim3A_70 = vector.broadcast %broadcast_in_dim3A_69 : f32 to vector<16xf32>
      %swap3A_71 = arith.index_cast %scan3A_49 : i32 to index
      %swap3A_72 = arith.constant 48 : index
      %swap3A_73 = tpu.vector_load %arg9[%swap3A_71, %swap3A_72] {strides = array<i32>} : memref<128x128xf32, #tpu.memory_space<vmem>>, vector<1x16xf32>,
      %swap3A_74 = vector.shape_cast %swap3A_73 : vector<1x16xf32> to vector<16xf32>
      %swap3A_75 = vector.shape_cast %broadcast_in_dim3A_70 : vector<16xf32> to vector<1x16xf32>
      tpu.vector_store %arg9[%swap3A_71, %swap3A_72], %swap3A_75 {strides = array<i32>} : memref<128x128xf32, #tpu.memory_space<vmem>>, vector<1x16xf32>,
      %broadcast_in_dim3A_76 = arith.constant 0.000000e+00 : f32
      %broadcast_in_dim3A_77 = vector.broadcast %broadcast_in_dim3A_76 : f32 to vector<16xf32>
      %swap3A_78 = arith.index_cast %scan3A_49 : i32 to index
      %swap3A_79 = arith.constant 64 : index
      %swap3A_80 = tpu.vector_load %arg9[%swap3A_78, %swap3A_79] {strides = array<i32>} : memref<128x128xf32, #tpu.memory_space<vmem>>, vector<1x16xf32>,
      %swap3A_81 = vector.shape_cast %swap3A_80 : vector<1x16xf32> to vector<16xf32>
      %swap3A_82 = vector.shape_cast %broadcast_in_dim3A_77 : vector<16xf32> to vector<1x16xf32>
      tpu.vector_store %arg9[%swap3A_78, %swap3A_79], %swap3A_82 {strides = array<i32>} : memref<128x128xf32, #tpu.memory_space<vmem>>, vector<1x16xf32>,
      %broadcast_in_dim3A_83 = arith.constant 0.000000e+00 : f32
      %broadcast_in_dim3A_84 = vector.broadcast %broadcast_in_dim3A_83 : f32 to vector<16xf32>
      %swap3A_85 = arith.index_cast %scan3A_49 : i32 to index
      %swap3A_86 = arith.constant 80 : index
      %swap3A_87 = tpu.vector_load %arg9[%swap3A_85, %swap3A_86] {strides = array<i32>} : memref<128x128xf32, #tpu.memory_space<vmem>>, vector<1x16xf32>,
      %swap3A_88 = vector.shape_cast %swap3A_87 : vector<1x16xf32> to vector<16xf32>
      %swap3A_89 = vector.shape_cast %broadcast_in_dim3A_84 : vector<16xf32> to vector<1x16xf32>
      tpu.vector_store %arg9[%swap3A_85, %swap3A_86], %swap3A_89 {strides = array<i32>} : memref<128x128xf32, #tpu.memory_space<vmem>>, vector<1x16xf32>,
      %broadcast_in_dim3A_90 = arith.constant 0.000000e+00 : f32
      %broadcast_in_dim3A_91 = vector.broadcast %broadcast_in_dim3A_90 : f32 to vector<16xf32>
      %swap3A_92 = arith.index_cast %scan3A_49 : i32 to index
      %swap3A_93 = arith.constant 96 : index
      %swap3A_94 = tpu.vector_load %arg9[%swap3A_92, %swap3A_93] {strides = array<i32>} : memref<128x128xf32, #tpu.memory_space<vmem>>, vector<1x16xf32>,
      %swap3A_95 = vector.shape_cast %swap3A_94 : vector<1x16xf32> to vector<16xf32>
      %swap3A_96 = vector.shape_cast %broadcast_in_dim3A_91 : vector<16xf32> to vector<1x16xf32>
      tpu.vector_store %arg9[%swap3A_92, %swap3A_93], %swap3A_96 {strides = array<i32>} : memref<128x128xf32, #tpu.memory_space<vmem>>, vector<1x16xf32>,
      %broadcast_in_dim3A_97 = arith.constant 0.000000e+00 : f32
      %broadcast_in_dim3A_98 = vector.broadcast %broadcast_in_dim3A_97 : f32 to vector<16xf32>
      %swap3A_99 = arith.index_cast %scan3A_49 : i32 to index
      %swap3A_100 = arith.constant 112 : index
      %swap3A_101 = tpu.vector_load %arg9[%swap3A_99, %swap3A_100] {strides = array<i32>} : memref<128x128xf32, #tpu.memory_space<vmem>>, vector<1x16xf32>,
      %swap3A_102 = vector.shape_cast %swap3A_101 : vector<1x16xf32> to vector<16xf32>
      %swap3A_103 = vector.shape_cast %broadcast_in_dim3A_98 : vector<16xf32> to vector<1x16xf32>
      tpu.vector_store %arg9[%swap3A_99, %swap3A_100], %swap3A_103 {strides = array<i32>} : memref<128x128xf32, #tpu.memory_space<vmem>>, vector<1x16xf32>,
    }
    %scan3A_17 = arith.constant 128 : i32
    %mul3A_18 = arith.constant 320 : i32
    %mul3A_19 = arith.muli %arg1, %mul3A_18 : i32
    %add3A_20 = arith.constant 0 : i32
    %add3A_21 = arith.addi %mul3A_19, %add3A_20 : i32
    "tpu.region"() ({
      %run_scoped3A = tpu.sem_alloc : memref<!tpu.dma_semaphore, #tpu.memory_space<semaphore_mem>>
      %dma_start3A_49 = arith.constant 0 : i32
      %dma_start3A_50 = tpu.memref_slice %arg13[%add3A_21, %dma_start3A_49] : memref<5120x128xf32, #tpu.memory_space<vmem_shared>> -> memref<128x128xf32, #tpu.memory_space<vmem_shared>>
      %dma_start3A_51 = arith.constant 0 : i32
      %dma_start3A_52 = tpu.memref_slice %arg13[%add3A_21, %dma_start3A_51] : memref<5120x128xf32, #tpu.memory_space<vmem_shared>> -> memref<128x128xf32, #tpu.memory_space<vmem_shared>>
      tpu.enqueue_dma source(%arg9 : memref<128x128xf32, #tpu.memory_space<vmem>>) target(%dma_start3A_52 : memref<128x128xf32, #tpu.memory_space<vmem_shared>>) target_semaphore(%run_scoped3A : memref<!tpu.dma_semaphore, #tpu.memory_space<semaphore_mem>>)
      %dma_wait3A = arith.constant 0 : i32
      %dma_wait3A_53 = tpu.memref_slice %arg13[%add3A_21, %dma_wait3A] : memref<5120x128xf32, #tpu.memory_space<vmem_shared>> -> memref<128x128xf32, #tpu.memory_space<vmem_shared>>
      %dma_wait3A_54 = arith.constant 0 : i32
      %dma_wait3A_55 = tpu.memref_slice %arg13[%add3A_21, %dma_wait3A_54] : memref<5120x128xf32, #tpu.memory_space<vmem_shared>> -> memref<128x128xf32, #tpu.memory_space<vmem_shared>>
      tpu.wait_dma2 semaphore(%run_scoped3A : memref<!tpu.dma_semaphore, #tpu.memory_space<semaphore_mem>>) src(%arg9 : memref<128x128xf32, #tpu.memory_space<vmem>>) dst(%dma_wait3A_55 : memref<128x128xf32, #tpu.memory_space<vmem_shared>>)
      tpu.yield
    }) : () -> ()
    %mul3A_22 = arith.constant 320 : i32
    %mul3A_23 = arith.muli %arg1, %mul3A_22 : i32
    %add3A_24 = arith.constant 128 : i32
    %add3A_25 = arith.addi %mul3A_23, %add3A_24 : i32
    "tpu.region"() ({
      %run_scoped3A = tpu.sem_alloc : memref<!tpu.dma_semaphore, #tpu.memory_space<semaphore_mem>>
      %dma_start3A_49 = arith.constant 0 : i32
      %dma_start3A_50 = tpu.memref_slice %arg13[%add3A_25, %dma_start3A_49] : memref<5120x128xf32, #tpu.memory_space<vmem_shared>> -> memref<128x128xf32, #tpu.memory_space<vmem_shared>>
      %dma_start3A_51 = arith.constant 0 : i32
      %dma_start3A_52 = tpu.memref_slice %arg13[%add3A_25, %dma_start3A_51] : memref<5120x128xf32, #tpu.memory_space<vmem_shared>> -> memref<128x128xf32, #tpu.memory_space<vmem_shared>>
      tpu.enqueue_dma source(%arg9 : memref<128x128xf32, #tpu.memory_space<vmem>>) target(%dma_start3A_52 : memref<128x128xf32, #tpu.memory_space<vmem_shared>>) target_semaphore(%run_scoped3A : memref<!tpu.dma_semaphore, #tpu.memory_space<semaphore_mem>>)
      %dma_wait3A = arith.constant 0 : i32
      %dma_wait3A_53 = tpu.memref_slice %arg13[%add3A_25, %dma_wait3A] : memref<5120x128xf32, #tpu.memory_space<vmem_shared>> -> memref<128x128xf32, #tpu.memory_space<vmem_shared>>
      %dma_wait3A_54 = arith.constant 0 : i32
      %dma_wait3A_55 = tpu.memref_slice %arg13[%add3A_25, %dma_wait3A_54] : memref<5120x128xf32, #tpu.memory_space<vmem_shared>> -> memref<128x128xf32, #tpu.memory_space<vmem_shared>>
      tpu.wait_dma2 semaphore(%run_scoped3A : memref<!tpu.dma_semaphore, #tpu.memory_space<semaphore_mem>>) src(%arg9 : memref<128x128xf32, #tpu.memory_space<vmem>>) dst(%dma_wait3A_55 : memref<128x128xf32, #tpu.memory_space<vmem_shared>>)
      tpu.yield
    }) : () -> ()
    %mul3A_26 = arith.constant 320 : i32
    %mul3A_27 = arith.muli %arg1, %mul3A_26 : i32
    %add3A_28 = arith.constant 256 : i32
    %add3A_29 = arith.addi %mul3A_27, %add3A_28 : i32
    "tpu.region"() ({
      %run_scoped3A = tpu.sem_alloc : memref<!tpu.dma_semaphore, #tpu.memory_space<semaphore_mem>>
      %dma_start3A_49 = arith.constant 0 : i32
      %dma_start3A_50 = arith.constant 0 : i32
      %dma_start3A_51 = tpu.memref_slice %arg9[%dma_start3A_49, %dma_start3A_50] : memref<128x128xf32, #tpu.memory_space<vmem>> -> memref<64x128xf32, #tpu.memory_space<vmem>>
      %dma_start3A_52 = arith.constant 0 : i32
      %dma_start3A_53 = tpu.memref_slice %arg13[%add3A_29, %dma_start3A_52] : memref<5120x128xf32, #tpu.memory_space<vmem_shared>> -> memref<64x128xf32, #tpu.memory_space<vmem_shared>>
      %dma_start3A_54 = arith.constant 0 : i32
      %dma_start3A_55 = tpu.memref_slice %arg13[%add3A_29, %dma_start3A_54] : memref<5120x128xf32, #tpu.memory_space<vmem_shared>> -> memref<64x128xf32, #tpu.memory_space<vmem_shared>>
      %dma_start3A_56 = arith.constant 0 : i32
      %dma_start3A_57 = arith.constant 0 : i32
      %dma_start3A_58 = tpu.memref_slice %arg9[%dma_start3A_56, %dma_start3A_57] : memref<128x128xf32, #tpu.memory_space<vmem>> -> memref<64x128xf32, #tpu.memory_space<vmem>>
      tpu.enqueue_dma source(%dma_start3A_58 : memref<64x128xf32, #tpu.memory_space<vmem>>) target(%dma_start3A_55 : memref<64x128xf32, #tpu.memory_space<vmem_shared>>) target_semaphore(%run_scoped3A : memref<!tpu.dma_semaphore, #tpu.memory_space<semaphore_mem>>)
      %dma_wait3A = arith.constant 0 : i32
      %dma_wait3A_59 = arith.constant 0 : i32
      %dma_wait3A_60 = tpu.memref_slice %arg9[%dma_wait3A, %dma_wait3A_59] : memref<128x128xf32, #tpu.memory_space<vmem>> -> memref<64x128xf32, #tpu.memory_space<vmem>>
      %dma_wait3A_61 = arith.constant 0 : i32
      %dma_wait3A_62 = tpu.memref_slice %arg13[%add3A_29, %dma_wait3A_61] : memref<5120x128xf32, #tpu.memory_space<vmem_shared>> -> memref<64x128xf32, #tpu.memory_space<vmem_shared>>
      %dma_wait3A_63 = arith.constant 0 : i32
      %dma_wait3A_64 = tpu.memref_slice %arg13[%add3A_29, %dma_wait3A_63] : memref<5120x128xf32, #tpu.memory_space<vmem_shared>> -> memref<64x128xf32, #tpu.memory_space<vmem_shared>>
      %dma_wait3A_65 = arith.constant 0 : i32
      %dma_wait3A_66 = arith.constant 0 : i32
      %dma_wait3A_67 = tpu.memref_slice %arg9[%dma_wait3A_65, %dma_wait3A_66] : memref<128x128xf32, #tpu.memory_space<vmem>> -> memref<64x128xf32, #tpu.memory_space<vmem>>
      tpu.wait_dma2 semaphore(%run_scoped3A : memref<!tpu.dma_semaphore, #tpu.memory_space<semaphore_mem>>) src(%dma_wait3A_67 : memref<64x128xf32, #tpu.memory_space<vmem>>) dst(%dma_wait3A_64 : memref<64x128xf32, #tpu.memory_space<vmem_shared>>)
      tpu.yield
    }) : () -> ()
    %scan3A_30 = arith.constant 0 : i32
    %scan3A_31 = arith.constant 0 : i32
    %scan3A_32 = arith.constant 128 : i32
    %scan3A_33 = arith.addi %scan3A_31, %scan3A_32 : i32
    %scan3A_34 = arith.constant 1 : i32
    scf.for %scan3A_49 = %scan3A_31 to %scan3A_33 step %scan3A_34  : i32 {
      %broadcast_in_dim3A = arith.constant 1.000000e+00 : f32
      %broadcast_in_dim3A_50 = vector.broadcast %broadcast_in_dim3A : f32 to vector<16xf32>
      %swap3A = arith.index_cast %scan3A_49 : i32 to index
      %swap3A_51 = arith.constant 64 : index
      %swap3A_52 = tpu.vector_load %arg12[%swap3A, %swap3A_51] {strides = array<i32>} : memref<128x128xf32, #tpu.memory_space<vmem>>, vector<1x16xf32>,
      %swap3A_53 = vector.shape_cast %swap3A_52 : vector<1x16xf32> to vector<16xf32>
      %swap3A_54 = vector.shape_cast %broadcast_in_dim3A_50 : vector<16xf32> to vector<1x16xf32>
      tpu.vector_store %arg12[%swap3A, %swap3A_51], %swap3A_54 {strides = array<i32>} : memref<128x128xf32, #tpu.memory_space<vmem>>, vector<1x16xf32>,
      %broadcast_in_dim3A_55 = arith.constant 0.000000e+00 : f32
      %broadcast_in_dim3A_56 = vector.broadcast %broadcast_in_dim3A_55 : f32 to vector<16xf32>
      %swap3A_57 = arith.index_cast %scan3A_49 : i32 to index
      %swap3A_58 = arith.constant 80 : index
      %swap3A_59 = tpu.vector_load %arg12[%swap3A_57, %swap3A_58] {strides = array<i32>} : memref<128x128xf32, #tpu.memory_space<vmem>>, vector<1x16xf32>,
      %swap3A_60 = vector.shape_cast %swap3A_59 : vector<1x16xf32> to vector<16xf32>
      %swap3A_61 = vector.shape_cast %broadcast_in_dim3A_56 : vector<16xf32> to vector<1x16xf32>
      tpu.vector_store %arg12[%swap3A_57, %swap3A_58], %swap3A_61 {strides = array<i32>} : memref<128x128xf32, #tpu.memory_space<vmem>>, vector<1x16xf32>,
      %broadcast_in_dim3A_62 = arith.constant 0.000000e+00 : f32
      %broadcast_in_dim3A_63 = vector.broadcast %broadcast_in_dim3A_62 : f32 to vector<16xf32>
      %swap3A_64 = arith.index_cast %scan3A_49 : i32 to index
      %swap3A_65 = arith.constant 96 : index
      %swap3A_66 = tpu.vector_load %arg12[%swap3A_64, %swap3A_65] {strides = array<i32>} : memref<128x128xf32, #tpu.memory_space<vmem>>, vector<1x16xf32>,
      %swap3A_67 = vector.shape_cast %swap3A_66 : vector<1x16xf32> to vector<16xf32>
      %swap3A_68 = vector.shape_cast %broadcast_in_dim3A_63 : vector<16xf32> to vector<1x16xf32>
      tpu.vector_store %arg12[%swap3A_64, %swap3A_65], %swap3A_68 {strides = array<i32>} : memref<128x128xf32, #tpu.memory_space<vmem>>, vector<1x16xf32>,
      %broadcast_in_dim3A_69 = arith.constant 0.000000e+00 : f32
      %broadcast_in_dim3A_70 = vector.broadcast %broadcast_in_dim3A_69 : f32 to vector<16xf32>
      %swap3A_71 = arith.index_cast %scan3A_49 : i32 to index
      %swap3A_72 = arith.constant 112 : index
      %swap3A_73 = tpu.vector_load %arg12[%swap3A_71, %swap3A_72] {strides = array<i32>} : memref<128x128xf32, #tpu.memory_space<vmem>>, vector<1x16xf32>,
      %swap3A_74 = vector.shape_cast %swap3A_73 : vector<1x16xf32> to vector<16xf32>
      %swap3A_75 = vector.shape_cast %broadcast_in_dim3A_70 : vector<16xf32> to vector<1x16xf32>
      tpu.vector_store %arg12[%swap3A_71, %swap3A_72], %swap3A_75 {strides = array<i32>} : memref<128x128xf32, #tpu.memory_space<vmem>>, vector<1x16xf32>,
    }
    %scan3A_35 = arith.constant 128 : i32
    %barrier3A = arith.constant 0 : index
    tpu.barrier barrier_id(%barrier3A)
    %dma_start3A = arith.constant 0 : i32
    %dma_start3A_36 = arith.constant 0 : i32
    %dma_start3A_37 = tpu.memref_slice %arg7[%dma_start3A, %dma_start3A_36] : memref<40x128xi32, #tpu.memory_space<vmem>> -> memref<1x128xi32, #tpu.memory_space<vmem>>
    %dma_start3A_38 = tpu.memref_squeeze %dma_start3A_37 : memref<1x128xi32, #tpu.memory_space<vmem>> -> memref<128xi32, #tpu.memory_space<vmem>>
    %dma_start3A_39 = arith.constant 0 : i32
    %dma_start3A_40 = arith.constant 0 : i32
    %dma_start3A_41 = tpu.memref_slice %arg2[%dma_start3A_39, %dma_start3A_40] : memref<5000x128xf32, #tpu.memory_space<hbm>> -> memref<5000x128xf32, #tpu.memory_space<hbm>>
    tpu.enqueue_indirect_dma source(%dma_start3A_41 : memref<5000x128xf32, #tpu.memory_space<hbm>>) target(%arg10 : memref<128x128xf32, #tpu.memory_space<vmem>>) offsets(%dma_start3A_38 : memref<128xi32, #tpu.memory_space<vmem>>) semaphore(%arg14 : memref<!tpu.dma_semaphore, #tpu.memory_space<semaphore_mem>>)
    %scan3A_42 = arith.constant 0 : i32
    %scan3A_43 = arith.constant 0 : i32
    %scan3A_44 = arith.constant 20 : i32
    %scan3A_45 = arith.addi %scan3A_43, %scan3A_44 : i32
    %scan3A_46 = arith.constant 1 : i32
    scf.for %scan3A_49 = %scan3A_43 to %scan3A_45 step %scan3A_46  : i32 {
      %mul3A_50 = arith.constant 2 : i32
      %mul3A_51 = arith.muli %mul3A_50, %scan3A_49 : i32
      %mul3A_52 = arith.constant 2 : i32
      %mul3A_53 = arith.muli %mul3A_52, %scan3A_49 : i32
      %add3A_54 = arith.constant 1 : i32
      %add3A_55 = arith.addi %mul3A_53, %add3A_54 : i32
      %lt3A_56 = arith.cmpi slt, %add3A_55, %select_n3A : i32
      %convert_element_type3A = arith.extui %lt3A_56 : i1 to i32
      %cond3A = arith.constant 0 : i32
      %cond3A_57 = arith.cmpi ne, %convert_element_type3A, %cond3A : i32
      scf.if %cond3A_57 {
        %dma_start3A_72 = arith.constant 0 : i32
        %dma_start3A_73 = tpu.memref_slice %arg7[%add3A_55, %dma_start3A_72] : memref<40x128xi32, #tpu.memory_space<vmem>> -> memref<1x128xi32, #tpu.memory_space<vmem>>
        %dma_start3A_74 = tpu.memref_squeeze %dma_start3A_73 : memref<1x128xi32, #tpu.memory_space<vmem>> -> memref<128xi32, #tpu.memory_space<vmem>>
        %dma_start3A_75 = arith.constant 0 : i32
        %dma_start3A_76 = arith.constant 0 : i32
        %dma_start3A_77 = tpu.memref_slice %arg2[%dma_start3A_75, %dma_start3A_76] : memref<5000x128xf32, #tpu.memory_space<hbm>> -> memref<5000x128xf32, #tpu.memory_space<hbm>>
        tpu.enqueue_indirect_dma source(%dma_start3A_77 : memref<5000x128xf32, #tpu.memory_space<hbm>>) target(%arg11 : memref<128x128xf32, #tpu.memory_space<vmem>>) offsets(%dma_start3A_74 : memref<128xi32, #tpu.memory_space<vmem>>) semaphore(%arg15 : memref<!tpu.dma_semaphore, #tpu.memory_space<semaphore_mem>>)
      } else {
      }
      %lt3A_58 = arith.cmpi slt, %mul3A_51, %select_n3A : i32
      %convert_element_type3A_59 = arith.extui %lt3A_58 : i1 to i32
      %cond3A_60 = arith.constant 0 : i32
      %cond3A_61 = arith.cmpi ne, %convert_element_type3A_59, %cond3A_60 : i32
      scf.if %cond3A_61 {
        %dma_wait3A = arith.constant 0 : i32
        %dma_wait3A_72 = tpu.memref_slice %arg7[%mul3A_51, %dma_wait3A] : memref<40x128xi32, #tpu.memory_space<vmem>> -> memref<1x128xi32, #tpu.memory_space<vmem>>
        %dma_wait3A_73 = tpu.memref_squeeze %dma_wait3A_72 : memref<1x128xi32, #tpu.memory_space<vmem>> -> memref<128xi32, #tpu.memory_space<vmem>>
        %dma_wait3A_74 = arith.constant 0 : i32
        %dma_wait3A_75 = arith.constant 0 : i32
        %dma_wait3A_76 = tpu.memref_slice %arg2[%dma_wait3A_74, %dma_wait3A_75] : memref<5000x128xf32, #tpu.memory_space<hbm>> -> memref<5000x128xf32, #tpu.memory_space<hbm>>
        tpu.wait_indirect_dma semaphore(%arg14 : memref<!tpu.dma_semaphore, #tpu.memory_space<semaphore_mem>>) src(%dma_wait3A_76 : memref<5000x128xf32, #tpu.memory_space<hbm>>) dst(%arg10 : memref<128x128xf32, #tpu.memory_space<vmem>>)
        %add3A_77 = arith.addi %add3A_6, %mul3A_51 : i32
        %mul3A_78 = arith.constant 128 : i32
        %mul3A_79 = arith.muli %add3A_77, %mul3A_78 : i32
        "tpu.region"() ({
          %run_scoped3A = tpu.sem_alloc : memref<!tpu.dma_semaphore, #tpu.memory_space<semaphore_mem>>
          %dma_start3A_86 = arith.constant 0 : i32
          %dma_start3A_87 = tpu.memref_slice %arg3[%mul3A_79, %dma_start3A_86] : memref<160000x128xf32, #tpu.memory_space<hbm>> -> memref<128x128xf32, #tpu.memory_space<hbm>>
          %dma_start3A_88 = arith.constant 0 : i32
          %dma_start3A_89 = tpu.memref_slice %arg3[%mul3A_79, %dma_start3A_88] : memref<160000x128xf32, #tpu.memory_space<hbm>> -> memref<128x128xf32, #tpu.memory_space<hbm>>
          tpu.enqueue_dma source(%dma_start3A_89 : memref<128x128xf32, #tpu.memory_space<hbm>>) target(%arg9 : memref<128x128xf32, #tpu.memory_space<vmem>>) target_semaphore(%run_scoped3A : memref<!tpu.dma_semaphore, #tpu.memory_space<semaphore_mem>>)
          %dma_wait3A_90 = arith.constant 0 : i32
          %dma_wait3A_91 = tpu.memref_slice %arg3[%mul3A_79, %dma_wait3A_90] : memref<160000x128xf32, #tpu.memory_space<hbm>> -> memref<128x128xf32, #tpu.memory_space<hbm>>
          %dma_wait3A_92 = arith.constant 0 : i32
          %dma_wait3A_93 = tpu.memref_slice %arg3[%mul3A_79, %dma_wait3A_92] : memref<160000x128xf32, #tpu.memory_space<hbm>> -> memref<128x128xf32, #tpu.memory_space<hbm>>
          tpu.wait_dma2 semaphore(%run_scoped3A : memref<!tpu.dma_semaphore, #tpu.memory_space<semaphore_mem>>) src(%dma_wait3A_93 : memref<128x128xf32, #tpu.memory_space<hbm>>) dst(%arg9 : memref<128x128xf32, #tpu.memory_space<vmem>>)
          tpu.yield
        }) : () -> ()
        %scan3A_80 = arith.constant 0 : i32
        %scan3A_81 = arith.constant 0 : i32
        %scan3A_82 = arith.constant 128 : i32
        %scan3A_83 = arith.addi %scan3A_81, %scan3A_82 : i32
        %scan3A_84 = arith.constant 1 : i32
        scf.for %scan3A_86 = %scan3A_81 to %scan3A_83 step %scan3A_84  : i32 {
          %get3A = arith.index_cast %scan3A_86 : i32 to index
          %get3A_87 = arith.constant 0 : index
          %get3A_88 = tpu.vector_load %arg10[%get3A, %get3A_87] {strides = array<i32>} : memref<128x128xf32, #tpu.memory_space<vmem>>, vector<1x16xf32>,
          %get3A_89 = vector.shape_cast %get3A_88 : vector<1x16xf32> to vector<16xf32>
          %get3A_90 = arith.index_cast %scan3A_86 : i32 to index
          %get3A_91 = arith.constant 64 : index
          %get3A_92 = tpu.vector_load %arg9[%get3A_90, %get3A_91] {strides = array<i32>} : memref<128x128xf32, #tpu.memory_space<vmem>>, vector<1x16xf32>,
          %get3A_93 = vector.shape_cast %get3A_92 : vector<1x16xf32> to vector<16xf32>
          %add3A_94 = arith.addf %get3A_89, %get3A_93 : vector<16xf32>
          %max3A = arith.constant 0.000000e+00 : f32
          %max3A_95 = vector.broadcast %max3A : f32 to vector<16xf32>
          %max3A_96 = arith.maximumf %add3A_94, %max3A_95 : vector<16xf32>
          %bitcast_convert_type3A = tpu.bitcast %max3A_96 : vector<16xf32> -> vector<16xi32>
          %add3A_97 = arith.constant 32767 : i32
          %add3A_98 = vector.broadcast %add3A_97 : i32 to vector<16xi32>
          %add3A_99 = arith.addi %bitcast_convert_type3A, %add3A_98 : vector<16xi32>
          %shift_right_arithmetic3A = arith.constant 16 : i32
          %shift_right_arithmetic3A_100 = vector.broadcast %shift_right_arithmetic3A : i32 to vector<16xi32>
          %shift_right_arithmetic3A_101 = arith.shrsi %bitcast_convert_type3A, %shift_right_arithmetic3A_100 : vector<16xi32>
          %and3A = arith.constant 1 : i32
          %and3A_102 = vector.broadcast %and3A : i32 to vector<16xi32>
          %and3A_103 = arith.andi %shift_right_arithmetic3A_101, %and3A_102 : vector<16xi32>
          %add3A_104 = arith.addi %add3A_99, %and3A_103 : vector<16xi32>
          %and3A_105 = arith.constant -65536 : i32
          %and3A_106 = vector.broadcast %and3A_105 : i32 to vector<16xi32>
          %and3A_107 = arith.andi %add3A_104, %and3A_106 : vector<16xi32>
          %bitcast_convert_type3A_108 = tpu.bitcast %and3A_107 : vector<16xi32> -> vector<16xf32>
          %swap3A = arith.index_cast %scan3A_86 : i32 to index
          %swap3A_109 = arith.constant 0 : index
          %swap3A_110 = tpu.vector_load %arg12[%swap3A, %swap3A_109] {strides = array<i32>} : memref<128x128xf32, #tpu.memory_space<vmem>>, vector<1x16xf32>,
          %swap3A_111 = vector.shape_cast %swap3A_110 : vector<1x16xf32> to vector<16xf32>
          %swap3A_112 = vector.shape_cast %bitcast_convert_type3A_108 : vector<16xf32> to vector<1x16xf32>
          tpu.vector_store %arg12[%swap3A, %swap3A_109], %swap3A_112 {strides = array<i32>} : memref<128x128xf32, #tpu.memory_space<vmem>>, vector<1x16xf32>,
          %get3A_113 = arith.index_cast %scan3A_86 : i32 to index
          %get3A_114 = arith.constant 16 : index
          %get3A_115 = tpu.vector_load %arg10[%get3A_113, %get3A_114] {strides = array<i32>} : memref<128x128xf32, #tpu.memory_space<vmem>>, vector<1x16xf32>,
          %get3A_116 = vector.shape_cast %get3A_115 : vector<1x16xf32> to vector<16xf32>
          %get3A_117 = arith.index_cast %scan3A_86 : i32 to index
          %get3A_118 = arith.constant 80 : index
          %get3A_119 = tpu.vector_load %arg9[%get3A_117, %get3A_118] {strides = array<i32>} : memref<128x128xf32, #tpu.memory_space<vmem>>, vector<1x16xf32>,
          %get3A_120 = vector.shape_cast %get3A_119 : vector<1x16xf32> to vector<16xf32>
          %add3A_121 = arith.addf %get3A_116, %get3A_120 : vector<16xf32>
          %max3A_122 = arith.constant 0.000000e+00 : f32
          %max3A_123 = vector.broadcast %max3A_122 : f32 to vector<16xf32>
          %max3A_124 = arith.maximumf %add3A_121, %max3A_123 : vector<16xf32>
          %bitcast_convert_type3A_125 = tpu.bitcast %max3A_124 : vector<16xf32> -> vector<16xi32>
          %add3A_126 = arith.constant 32767 : i32
          %add3A_127 = vector.broadcast %add3A_126 : i32 to vector<16xi32>
          %add3A_128 = arith.addi %bitcast_convert_type3A_125, %add3A_127 : vector<16xi32>
          %shift_right_arithmetic3A_129 = arith.constant 16 : i32
          %shift_right_arithmetic3A_130 = vector.broadcast %shift_right_arithmetic3A_129 : i32 to vector<16xi32>
          %shift_right_arithmetic3A_131 = arith.shrsi %bitcast_convert_type3A_125, %shift_right_arithmetic3A_130 : vector<16xi32>
          %and3A_132 = arith.constant 1 : i32
          %and3A_133 = vector.broadcast %and3A_132 : i32 to vector<16xi32>
          %and3A_134 = arith.andi %shift_right_arithmetic3A_131, %and3A_133 : vector<16xi32>
          %add3A_135 = arith.addi %add3A_128, %and3A_134 : vector<16xi32>
          %and3A_136 = arith.constant -65536 : i32
          %and3A_137 = vector.broadcast %and3A_136 : i32 to vector<16xi32>
          %and3A_138 = arith.andi %add3A_135, %and3A_137 : vector<16xi32>
          %bitcast_convert_type3A_139 = tpu.bitcast %and3A_138 : vector<16xi32> -> vector<16xf32>
          %swap3A_140 = arith.index_cast %scan3A_86 : i32 to index
          %swap3A_141 = arith.constant 16 : index
          %swap3A_142 = tpu.vector_load %arg12[%swap3A_140, %swap3A_141] {strides = array<i32>} : memref<128x128xf32, #tpu.memory_space<vmem>>, vector<1x16xf32>,
          %swap3A_143 = vector.shape_cast %swap3A_142 : vector<1x16xf32> to vector<16xf32>
          %swap3A_144 = vector.shape_cast %bitcast_convert_type3A_139 : vector<16xf32> to vector<1x16xf32>
          tpu.vector_store %arg12[%swap3A_140, %swap3A_141], %swap3A_144 {strides = array<i32>} : memref<128x128xf32, #tpu.memory_space<vmem>>, vector<1x16xf32>,
          %get3A_145 = arith.index_cast %scan3A_86 : i32 to index
          %get3A_146 = arith.constant 32 : index
          %get3A_147 = tpu.vector_load %arg10[%get3A_145, %get3A_146] {strides = array<i32>} : memref<128x128xf32, #tpu.memory_space<vmem>>, vector<1x16xf32>,
          %get3A_148 = vector.shape_cast %get3A_147 : vector<1x16xf32> to vector<16xf32>
          %get3A_149 = arith.index_cast %scan3A_86 : i32 to index
          %get3A_150 = arith.constant 96 : index
          %get3A_151 = tpu.vector_load %arg9[%get3A_149, %get3A_150] {strides = array<i32>} : memref<128x128xf32, #tpu.memory_space<vmem>>, vector<1x16xf32>,
          %get3A_152 = vector.shape_cast %get3A_151 : vector<1x16xf32> to vector<16xf32>
          %add3A_153 = arith.addf %get3A_148, %get3A_152 : vector<16xf32>
          %max3A_154 = arith.constant 0.000000e+00 : f32
          %max3A_155 = vector.broadcast %max3A_154 : f32 to vector<16xf32>
          %max3A_156 = arith.maximumf %add3A_153, %max3A_155 : vector<16xf32>
          %bitcast_convert_type3A_157 = tpu.bitcast %max3A_156 : vector<16xf32> -> vector<16xi32>
          %add3A_158 = arith.constant 32767 : i32
          %add3A_159 = vector.broadcast %add3A_158 : i32 to vector<16xi32>
          %add3A_160 = arith.addi %bitcast_convert_type3A_157, %add3A_159 : vector<16xi32>
          %shift_right_arithmetic3A_161 = arith.constant 16 : i32
          %shift_right_arithmetic3A_162 = vector.broadcast %shift_right_arithmetic3A_161 : i32 to vector<16xi32>
          %shift_right_arithmetic3A_163 = arith.shrsi %bitcast_convert_type3A_157, %shift_right_arithmetic3A_162 : vector<16xi32>
          %and3A_164 = arith.constant 1 : i32
          %and3A_165 = vector.broadcast %and3A_164 : i32 to vector<16xi32>
          %and3A_166 = arith.andi %shift_right_arithmetic3A_163, %and3A_165 : vector<16xi32>
          %add3A_167 = arith.addi %add3A_160, %and3A_166 : vector<16xi32>
          %and3A_168 = arith.constant -65536 : i32
          %and3A_169 = vector.broadcast %and3A_168 : i32 to vector<16xi32>
          %and3A_170 = arith.andi %add3A_167, %and3A_169 : vector<16xi32>
          %bitcast_convert_type3A_171 = tpu.bitcast %and3A_170 : vector<16xi32> -> vector<16xf32>
          %swap3A_172 = arith.index_cast %scan3A_86 : i32 to index
          %swap3A_173 = arith.constant 32 : index
          %swap3A_174 = tpu.vector_load %arg12[%swap3A_172, %swap3A_173] {strides = array<i32>} : memref<128x128xf32, #tpu.memory_space<vmem>>, vector<1x16xf32>,
          %swap3A_175 = vector.shape_cast %swap3A_174 : vector<1x16xf32> to vector<16xf32>
          %swap3A_176 = vector.shape_cast %bitcast_convert_type3A_171 : vector<16xf32> to vector<1x16xf32>
          tpu.vector_store %arg12[%swap3A_172, %swap3A_173], %swap3A_176 {strides = array<i32>} : memref<128x128xf32, #tpu.memory_space<vmem>>, vector<1x16xf32>,
          %get3A_177 = arith.index_cast %scan3A_86 : i32 to index
          %get3A_178 = arith.constant 48 : index
          %get3A_179 = tpu.vector_load %arg10[%get3A_177, %get3A_178] {strides = array<i32>} : memref<128x128xf32, #tpu.memory_space<vmem>>, vector<1x16xf32>,
          %get3A_180 = vector.shape_cast %get3A_179 : vector<1x16xf32> to vector<16xf32>
          %get3A_181 = arith.index_cast %scan3A_86 : i32 to index
          %get3A_182 = arith.constant 112 : index
          %get3A_183 = tpu.vector_load %arg9[%get3A_181, %get3A_182] {strides = array<i32>} : memref<128x128xf32, #tpu.memory_space<vmem>>, vector<1x16xf32>,
          %get3A_184 = vector.shape_cast %get3A_183 : vector<1x16xf32> to vector<16xf32>
          %add3A_185 = arith.addf %get3A_180, %get3A_184 : vector<16xf32>
          %max3A_186 = arith.constant 0.000000e+00 : f32
          %max3A_187 = vector.broadcast %max3A_186 : f32 to vector<16xf32>
          %max3A_188 = arith.maximumf %add3A_185, %max3A_187 : vector<16xf32>
          %bitcast_convert_type3A_189 = tpu.bitcast %max3A_188 : vector<16xf32> -> vector<16xi32>
          %add3A_190 = arith.constant 32767 : i32
          %add3A_191 = vector.broadcast %add3A_190 : i32 to vector<16xi32>
          %add3A_192 = arith.addi %bitcast_convert_type3A_189, %add3A_191 : vector<16xi32>
          %shift_right_arithmetic3A_193 = arith.constant 16 : i32
          %shift_right_arithmetic3A_194 = vector.broadcast %shift_right_arithmetic3A_193 : i32 to vector<16xi32>
          %shift_right_arithmetic3A_195 = arith.shrsi %bitcast_convert_type3A_189, %shift_right_arithmetic3A_194 : vector<16xi32>
          %and3A_196 = arith.constant 1 : i32
          %and3A_197 = vector.broadcast %and3A_196 : i32 to vector<16xi32>
          %and3A_198 = arith.andi %shift_right_arithmetic3A_195, %and3A_197 : vector<16xi32>
          %add3A_199 = arith.addi %add3A_192, %and3A_198 : vector<16xi32>
          %and3A_200 = arith.constant -65536 : i32
          %and3A_201 = vector.broadcast %and3A_200 : i32 to vector<16xi32>
          %and3A_202 = arith.andi %add3A_199, %and3A_201 : vector<16xi32>
          %bitcast_convert_type3A_203 = tpu.bitcast %and3A_202 : vector<16xi32> -> vector<16xf32>
          %swap3A_204 = arith.index_cast %scan3A_86 : i32 to index
          %swap3A_205 = arith.constant 48 : index
          %swap3A_206 = tpu.vector_load %arg12[%swap3A_204, %swap3A_205] {strides = array<i32>} : memref<128x128xf32, #tpu.memory_space<vmem>>, vector<1x16xf32>,
          %swap3A_207 = vector.shape_cast %swap3A_206 : vector<1x16xf32> to vector<16xf32>
          %swap3A_208 = vector.shape_cast %bitcast_convert_type3A_203 : vector<16xf32> to vector<1x16xf32>
          tpu.vector_store %arg12[%swap3A_204, %swap3A_205], %swap3A_208 {strides = array<i32>} : memref<128x128xf32, #tpu.memory_space<vmem>>, vector<1x16xf32>,
        }
        %scan3A_85 = arith.constant 128 : i32
        "tpu.region"() ({
          %run_scoped3A = tpu.sem_alloc : memref<!tpu.dma_semaphore, #tpu.memory_space<semaphore_mem>>
          %dma_start3A_86 = arith.constant 0 : i32
          %dma_start3A_87 = tpu.memref_slice %arg8[%mul3A_51, %dma_start3A_86] : memref<40x128xi32, #tpu.memory_space<vmem>> -> memref<1x128xi32, #tpu.memory_space<vmem>>
          %dma_start3A_88 = tpu.memref_squeeze %dma_start3A_87 : memref<1x128xi32, #tpu.memory_space<vmem>> -> memref<128xi32, #tpu.memory_space<vmem>>
          %dma_start3A_89 = arith.constant 0 : i32
          %dma_start3A_90 = arith.constant 0 : i32
          %dma_start3A_91 = tpu.memref_slice %arg13[%dma_start3A_89, %dma_start3A_90] : memref<5120x128xf32, #tpu.memory_space<vmem_shared>> -> memref<5120x128xf32, #tpu.memory_space<vmem_shared>>
          tpu.enqueue_indirect_dma source(%arg12 : memref<128x128xf32, #tpu.memory_space<vmem>>) target(%dma_start3A_91 : memref<5120x128xf32, #tpu.memory_space<vmem_shared>>) offsets(%dma_start3A_88 : memref<128xi32, #tpu.memory_space<vmem>>) semaphore(%run_scoped3A : memref<!tpu.dma_semaphore, #tpu.memory_space<semaphore_mem>>) {add = true}
          %dma_wait3A_92 = arith.constant 0 : i32
          %dma_wait3A_93 = tpu.memref_slice %arg8[%mul3A_51, %dma_wait3A_92] : memref<40x128xi32, #tpu.memory_space<vmem>> -> memref<1x128xi32, #tpu.memory_space<vmem>>
          %dma_wait3A_94 = tpu.memref_squeeze %dma_wait3A_93 : memref<1x128xi32, #tpu.memory_space<vmem>> -> memref<128xi32, #tpu.memory_space<vmem>>
          %dma_wait3A_95 = arith.constant 0 : i32
          %dma_wait3A_96 = arith.constant 0 : i32
          %dma_wait3A_97 = tpu.memref_slice %arg13[%dma_wait3A_95, %dma_wait3A_96] : memref<5120x128xf32, #tpu.memory_space<vmem_shared>> -> memref<5120x128xf32, #tpu.memory_space<vmem_shared>>
          tpu.wait_indirect_dma semaphore(%run_scoped3A : memref<!tpu.dma_semaphore, #tpu.memory_space<semaphore_mem>>) src(%arg12 : memref<128x128xf32, #tpu.memory_space<vmem>>) dst(%dma_wait3A_97 : memref<5120x128xf32, #tpu.memory_space<vmem_shared>>)
          tpu.yield
        }) : () -> ()
      } else {
      }
      %add3A_62 = arith.constant 2 : i32
      %add3A_63 = arith.addi %mul3A_51, %add3A_62 : i32
      %lt3A_64 = arith.cmpi slt, %add3A_63, %select_n3A : i32
      %convert_element_type3A_65 = arith.extui %lt3A_64 : i1 to i32
      %cond3A_66 = arith.constant 0 : i32
      %cond3A_67 = arith.cmpi ne, %convert_element_type3A_65, %cond3A_66 : i32
      scf.if %cond3A_67 {
        %add3A_72 = arith.constant 2 : i32
        %add3A_73 = arith.addi %mul3A_51, %add3A_72 : i32
        %dma_start3A_74 = arith.constant 0 : i32
        %dma_start3A_75 = tpu.memref_slice %arg7[%add3A_73, %dma_start3A_74] : memref<40x128xi32, #tpu.memory_space<vmem>> -> memref<1x128xi32, #tpu.memory_space<vmem>>
        %dma_start3A_76 = tpu.memref_squeeze %dma_start3A_75 : memref<1x128xi32, #tpu.memory_space<vmem>> -> memref<128xi32, #tpu.memory_space<vmem>>
        %dma_start3A_77 = arith.constant 0 : i32
        %dma_start3A_78 = arith.constant 0 : i32
        %dma_start3A_79 = tpu.memref_slice %arg2[%dma_start3A_77, %dma_start3A_78] : memref<5000x128xf32, #tpu.memory_space<hbm>> -> memref<5000x128xf32, #tpu.memory_space<hbm>>
        tpu.enqueue_indirect_dma source(%dma_start3A_79 : memref<5000x128xf32, #tpu.memory_space<hbm>>) target(%arg10 : memref<128x128xf32, #tpu.memory_space<vmem>>) offsets(%dma_start3A_76 : memref<128xi32, #tpu.memory_space<vmem>>) semaphore(%arg14 : memref<!tpu.dma_semaphore, #tpu.memory_space<semaphore_mem>>)
      } else {
      }
      %lt3A_68 = arith.cmpi slt, %add3A_55, %select_n3A : i32
      %convert_element_type3A_69 = arith.extui %lt3A_68 : i1 to i32
      %cond3A_70 = arith.constant 0 : i32
      %cond3A_71 = arith.cmpi ne, %convert_element_type3A_69, %cond3A_70 : i32
      scf.if %cond3A_71 {
        %dma_wait3A = arith.constant 0 : i32
        %dma_wait3A_72 = tpu.memref_slice %arg7[%add3A_55, %dma_wait3A] : memref<40x128xi32, #tpu.memory_space<vmem>> -> memref<1x128xi32, #tpu.memory_space<vmem>>
        %dma_wait3A_73 = tpu.memref_squeeze %dma_wait3A_72 : memref<1x128xi32, #tpu.memory_space<vmem>> -> memref<128xi32, #tpu.memory_space<vmem>>
        %dma_wait3A_74 = arith.constant 0 : i32
        %dma_wait3A_75 = arith.constant 0 : i32
        %dma_wait3A_76 = tpu.memref_slice %arg2[%dma_wait3A_74, %dma_wait3A_75] : memref<5000x128xf32, #tpu.memory_space<hbm>> -> memref<5000x128xf32, #tpu.memory_space<hbm>>
        tpu.wait_indirect_dma semaphore(%arg15 : memref<!tpu.dma_semaphore, #tpu.memory_space<semaphore_mem>>) src(%dma_wait3A_76 : memref<5000x128xf32, #tpu.memory_space<hbm>>) dst(%arg11 : memref<128x128xf32, #tpu.memory_space<vmem>>)
        %add3A_77 = arith.addi %add3A_6, %add3A_55 : i32
        %mul3A_78 = arith.constant 128 : i32
        %mul3A_79 = arith.muli %add3A_77, %mul3A_78 : i32
        "tpu.region"() ({
          %run_scoped3A = tpu.sem_alloc : memref<!tpu.dma_semaphore, #tpu.memory_space<semaphore_mem>>
          %dma_start3A_86 = arith.constant 0 : i32
          %dma_start3A_87 = tpu.memref_slice %arg3[%mul3A_79, %dma_start3A_86] : memref<160000x128xf32, #tpu.memory_space<hbm>> -> memref<128x128xf32, #tpu.memory_space<hbm>>
          %dma_start3A_88 = arith.constant 0 : i32
          %dma_start3A_89 = tpu.memref_slice %arg3[%mul3A_79, %dma_start3A_88] : memref<160000x128xf32, #tpu.memory_space<hbm>> -> memref<128x128xf32, #tpu.memory_space<hbm>>
          tpu.enqueue_dma source(%dma_start3A_89 : memref<128x128xf32, #tpu.memory_space<hbm>>) target(%arg9 : memref<128x128xf32, #tpu.memory_space<vmem>>) target_semaphore(%run_scoped3A : memref<!tpu.dma_semaphore, #tpu.memory_space<semaphore_mem>>)
          %dma_wait3A_90 = arith.constant 0 : i32
          %dma_wait3A_91 = tpu.memref_slice %arg3[%mul3A_79, %dma_wait3A_90] : memref<160000x128xf32, #tpu.memory_space<hbm>> -> memref<128x128xf32, #tpu.memory_space<hbm>>
          %dma_wait3A_92 = arith.constant 0 : i32
          %dma_wait3A_93 = tpu.memref_slice %arg3[%mul3A_79, %dma_wait3A_92] : memref<160000x128xf32, #tpu.memory_space<hbm>> -> memref<128x128xf32, #tpu.memory_space<hbm>>
          tpu.wait_dma2 semaphore(%run_scoped3A : memref<!tpu.dma_semaphore, #tpu.memory_space<semaphore_mem>>) src(%dma_wait3A_93 : memref<128x128xf32, #tpu.memory_space<hbm>>) dst(%arg9 : memref<128x128xf32, #tpu.memory_space<vmem>>)
          tpu.yield
        }) : () -> ()
        %scan3A_80 = arith.constant 0 : i32
        %scan3A_81 = arith.constant 0 : i32
        %scan3A_82 = arith.constant 128 : i32
        %scan3A_83 = arith.addi %scan3A_81, %scan3A_82 : i32
        %scan3A_84 = arith.constant 1 : i32
        scf.for %scan3A_86 = %scan3A_81 to %scan3A_83 step %scan3A_84  : i32 {
          %get3A = arith.index_cast %scan3A_86 : i32 to index
          %get3A_87 = arith.constant 0 : index
          %get3A_88 = tpu.vector_load %arg11[%get3A, %get3A_87] {strides = array<i32>} : memref<128x128xf32, #tpu.memory_space<vmem>>, vector<1x16xf32>,
          %get3A_89 = vector.shape_cast %get3A_88 : vector<1x16xf32> to vector<16xf32>
          %get3A_90 = arith.index_cast %scan3A_86 : i32 to index
          %get3A_91 = arith.constant 64 : index
          %get3A_92 = tpu.vector_load %arg9[%get3A_90, %get3A_91] {strides = array<i32>} : memref<128x128xf32, #tpu.memory_space<vmem>>, vector<1x16xf32>,
          %get3A_93 = vector.shape_cast %get3A_92 : vector<1x16xf32> to vector<16xf32>
          %add3A_94 = arith.addf %get3A_89, %get3A_93 : vector<16xf32>
          %max3A = arith.constant 0.000000e+00 : f32
          %max3A_95 = vector.broadcast %max3A : f32 to vector<16xf32>
          %max3A_96 = arith.maximumf %add3A_94, %max3A_95 : vector<16xf32>
          %bitcast_convert_type3A = tpu.bitcast %max3A_96 : vector<16xf32> -> vector<16xi32>
          %add3A_97 = arith.constant 32767 : i32
          %add3A_98 = vector.broadcast %add3A_97 : i32 to vector<16xi32>
          %add3A_99 = arith.addi %bitcast_convert_type3A, %add3A_98 : vector<16xi32>
          %shift_right_arithmetic3A = arith.constant 16 : i32
          %shift_right_arithmetic3A_100 = vector.broadcast %shift_right_arithmetic3A : i32 to vector<16xi32>
          %shift_right_arithmetic3A_101 = arith.shrsi %bitcast_convert_type3A, %shift_right_arithmetic3A_100 : vector<16xi32>
          %and3A = arith.constant 1 : i32
          %and3A_102 = vector.broadcast %and3A : i32 to vector<16xi32>
          %and3A_103 = arith.andi %shift_right_arithmetic3A_101, %and3A_102 : vector<16xi32>
          %add3A_104 = arith.addi %add3A_99, %and3A_103 : vector<16xi32>
          %and3A_105 = arith.constant -65536 : i32
          %and3A_106 = vector.broadcast %and3A_105 : i32 to vector<16xi32>
          %and3A_107 = arith.andi %add3A_104, %and3A_106 : vector<16xi32>
          %bitcast_convert_type3A_108 = tpu.bitcast %and3A_107 : vector<16xi32> -> vector<16xf32>
          %swap3A = arith.index_cast %scan3A_86 : i32 to index
          %swap3A_109 = arith.constant 0 : index
          %swap3A_110 = tpu.vector_load %arg12[%swap3A, %swap3A_109] {strides = array<i32>} : memref<128x128xf32, #tpu.memory_space<vmem>>, vector<1x16xf32>,
          %swap3A_111 = vector.shape_cast %swap3A_110 : vector<1x16xf32> to vector<16xf32>
          %swap3A_112 = vector.shape_cast %bitcast_convert_type3A_108 : vector<16xf32> to vector<1x16xf32>
          tpu.vector_store %arg12[%swap3A, %swap3A_109], %swap3A_112 {strides = array<i32>} : memref<128x128xf32, #tpu.memory_space<vmem>>, vector<1x16xf32>,
          %get3A_113 = arith.index_cast %scan3A_86 : i32 to index
          %get3A_114 = arith.constant 16 : index
          %get3A_115 = tpu.vector_load %arg11[%get3A_113, %get3A_114] {strides = array<i32>} : memref<128x128xf32, #tpu.memory_space<vmem>>, vector<1x16xf32>,
          %get3A_116 = vector.shape_cast %get3A_115 : vector<1x16xf32> to vector<16xf32>
          %get3A_117 = arith.index_cast %scan3A_86 : i32 to index
          %get3A_118 = arith.constant 80 : index
          %get3A_119 = tpu.vector_load %arg9[%get3A_117, %get3A_118] {strides = array<i32>} : memref<128x128xf32, #tpu.memory_space<vmem>>, vector<1x16xf32>,
          %get3A_120 = vector.shape_cast %get3A_119 : vector<1x16xf32> to vector<16xf32>
          %add3A_121 = arith.addf %get3A_116, %get3A_120 : vector<16xf32>
          %max3A_122 = arith.constant 0.000000e+00 : f32
          %max3A_123 = vector.broadcast %max3A_122 : f32 to vector<16xf32>
          %max3A_124 = arith.maximumf %add3A_121, %max3A_123 : vector<16xf32>
          %bitcast_convert_type3A_125 = tpu.bitcast %max3A_124 : vector<16xf32> -> vector<16xi32>
          %add3A_126 = arith.constant 32767 : i32
          %add3A_127 = vector.broadcast %add3A_126 : i32 to vector<16xi32>
          %add3A_128 = arith.addi %bitcast_convert_type3A_125, %add3A_127 : vector<16xi32>
          %shift_right_arithmetic3A_129 = arith.constant 16 : i32
          %shift_right_arithmetic3A_130 = vector.broadcast %shift_right_arithmetic3A_129 : i32 to vector<16xi32>
          %shift_right_arithmetic3A_131 = arith.shrsi %bitcast_convert_type3A_125, %shift_right_arithmetic3A_130 : vector<16xi32>
          %and3A_132 = arith.constant 1 : i32
          %and3A_133 = vector.broadcast %and3A_132 : i32 to vector<16xi32>
          %and3A_134 = arith.andi %shift_right_arithmetic3A_131, %and3A_133 : vector<16xi32>
          %add3A_135 = arith.addi %add3A_128, %and3A_134 : vector<16xi32>
          %and3A_136 = arith.constant -65536 : i32
          %and3A_137 = vector.broadcast %and3A_136 : i32 to vector<16xi32>
          %and3A_138 = arith.andi %add3A_135, %and3A_137 : vector<16xi32>
          %bitcast_convert_type3A_139 = tpu.bitcast %and3A_138 : vector<16xi32> -> vector<16xf32>
          %swap3A_140 = arith.index_cast %scan3A_86 : i32 to index
          %swap3A_141 = arith.constant 16 : index
          %swap3A_142 = tpu.vector_load %arg12[%swap3A_140, %swap3A_141] {strides = array<i32>} : memref<128x128xf32, #tpu.memory_space<vmem>>, vector<1x16xf32>,
          %swap3A_143 = vector.shape_cast %swap3A_142 : vector<1x16xf32> to vector<16xf32>
          %swap3A_144 = vector.shape_cast %bitcast_convert_type3A_139 : vector<16xf32> to vector<1x16xf32>
          tpu.vector_store %arg12[%swap3A_140, %swap3A_141], %swap3A_144 {strides = array<i32>} : memref<128x128xf32, #tpu.memory_space<vmem>>, vector<1x16xf32>,
          %get3A_145 = arith.index_cast %scan3A_86 : i32 to index
          %get3A_146 = arith.constant 32 : index
          %get3A_147 = tpu.vector_load %arg11[%get3A_145, %get3A_146] {strides = array<i32>} : memref<128x128xf32, #tpu.memory_space<vmem>>, vector<1x16xf32>,
          %get3A_148 = vector.shape_cast %get3A_147 : vector<1x16xf32> to vector<16xf32>
          %get3A_149 = arith.index_cast %scan3A_86 : i32 to index
          %get3A_150 = arith.constant 96 : index
          %get3A_151 = tpu.vector_load %arg9[%get3A_149, %get3A_150] {strides = array<i32>} : memref<128x128xf32, #tpu.memory_space<vmem>>, vector<1x16xf32>,
          %get3A_152 = vector.shape_cast %get3A_151 : vector<1x16xf32> to vector<16xf32>
          %add3A_153 = arith.addf %get3A_148, %get3A_152 : vector<16xf32>
          %max3A_154 = arith.constant 0.000000e+00 : f32
          %max3A_155 = vector.broadcast %max3A_154 : f32 to vector<16xf32>
          %max3A_156 = arith.maximumf %add3A_153, %max3A_155 : vector<16xf32>
          %bitcast_convert_type3A_157 = tpu.bitcast %max3A_156 : vector<16xf32> -> vector<16xi32>
          %add3A_158 = arith.constant 32767 : i32
          %add3A_159 = vector.broadcast %add3A_158 : i32 to vector<16xi32>
          %add3A_160 = arith.addi %bitcast_convert_type3A_157, %add3A_159 : vector<16xi32>
          %shift_right_arithmetic3A_161 = arith.constant 16 : i32
          %shift_right_arithmetic3A_162 = vector.broadcast %shift_right_arithmetic3A_161 : i32 to vector<16xi32>
          %shift_right_arithmetic3A_163 = arith.shrsi %bitcast_convert_type3A_157, %shift_right_arithmetic3A_162 : vector<16xi32>
          %and3A_164 = arith.constant 1 : i32
          %and3A_165 = vector.broadcast %and3A_164 : i32 to vector<16xi32>
          %and3A_166 = arith.andi %shift_right_arithmetic3A_163, %and3A_165 : vector<16xi32>
          %add3A_167 = arith.addi %add3A_160, %and3A_166 : vector<16xi32>
          %and3A_168 = arith.constant -65536 : i32
          %and3A_169 = vector.broadcast %and3A_168 : i32 to vector<16xi32>
          %and3A_170 = arith.andi %add3A_167, %and3A_169 : vector<16xi32>
          %bitcast_convert_type3A_171 = tpu.bitcast %and3A_170 : vector<16xi32> -> vector<16xf32>
          %swap3A_172 = arith.index_cast %scan3A_86 : i32 to index
          %swap3A_173 = arith.constant 32 : index
          %swap3A_174 = tpu.vector_load %arg12[%swap3A_172, %swap3A_173] {strides = array<i32>} : memref<128x128xf32, #tpu.memory_space<vmem>>, vector<1x16xf32>,
          %swap3A_175 = vector.shape_cast %swap3A_174 : vector<1x16xf32> to vector<16xf32>
          %swap3A_176 = vector.shape_cast %bitcast_convert_type3A_171 : vector<16xf32> to vector<1x16xf32>
          tpu.vector_store %arg12[%swap3A_172, %swap3A_173], %swap3A_176 {strides = array<i32>} : memref<128x128xf32, #tpu.memory_space<vmem>>, vector<1x16xf32>,
          %get3A_177 = arith.index_cast %scan3A_86 : i32 to index
          %get3A_178 = arith.constant 48 : index
          %get3A_179 = tpu.vector_load %arg11[%get3A_177, %get3A_178] {strides = array<i32>} : memref<128x128xf32, #tpu.memory_space<vmem>>, vector<1x16xf32>,
          %get3A_180 = vector.shape_cast %get3A_179 : vector<1x16xf32> to vector<16xf32>
          %get3A_181 = arith.index_cast %scan3A_86 : i32 to index
          %get3A_182 = arith.constant 112 : index
          %get3A_183 = tpu.vector_load %arg9[%get3A_181, %get3A_182] {strides = array<i32>} : memref<128x128xf32, #tpu.memory_space<vmem>>, vector<1x16xf32>,
          %get3A_184 = vector.shape_cast %get3A_183 : vector<1x16xf32> to vector<16xf32>
          %add3A_185 = arith.addf %get3A_180, %get3A_184 : vector<16xf32>
          %max3A_186 = arith.constant 0.000000e+00 : f32
          %max3A_187 = vector.broadcast %max3A_186 : f32 to vector<16xf32>
          %max3A_188 = arith.maximumf %add3A_185, %max3A_187 : vector<16xf32>
          %bitcast_convert_type3A_189 = tpu.bitcast %max3A_188 : vector<16xf32> -> vector<16xi32>
          %add3A_190 = arith.constant 32767 : i32
          %add3A_191 = vector.broadcast %add3A_190 : i32 to vector<16xi32>
          %add3A_192 = arith.addi %bitcast_convert_type3A_189, %add3A_191 : vector<16xi32>
          %shift_right_arithmetic3A_193 = arith.constant 16 : i32
          %shift_right_arithmetic3A_194 = vector.broadcast %shift_right_arithmetic3A_193 : i32 to vector<16xi32>
          %shift_right_arithmetic3A_195 = arith.shrsi %bitcast_convert_type3A_189, %shift_right_arithmetic3A_194 : vector<16xi32>
          %and3A_196 = arith.constant 1 : i32
          %and3A_197 = vector.broadcast %and3A_196 : i32 to vector<16xi32>
          %and3A_198 = arith.andi %shift_right_arithmetic3A_195, %and3A_197 : vector<16xi32>
          %add3A_199 = arith.addi %add3A_192, %and3A_198 : vector<16xi32>
          %and3A_200 = arith.constant -65536 : i32
          %and3A_201 = vector.broadcast %and3A_200 : i32 to vector<16xi32>
          %and3A_202 = arith.andi %add3A_199, %and3A_201 : vector<16xi32>
          %bitcast_convert_type3A_203 = tpu.bitcast %and3A_202 : vector<16xi32> -> vector<16xf32>
          %swap3A_204 = arith.index_cast %scan3A_86 : i32 to index
          %swap3A_205 = arith.constant 48 : index
          %swap3A_206 = tpu.vector_load %arg12[%swap3A_204, %swap3A_205] {strides = array<i32>} : memref<128x128xf32, #tpu.memory_space<vmem>>, vector<1x16xf32>,
          %swap3A_207 = vector.shape_cast %swap3A_206 : vector<1x16xf32> to vector<16xf32>
          %swap3A_208 = vector.shape_cast %bitcast_convert_type3A_203 : vector<16xf32> to vector<1x16xf32>
          tpu.vector_store %arg12[%swap3A_204, %swap3A_205], %swap3A_208 {strides = array<i32>} : memref<128x128xf32, #tpu.memory_space<vmem>>, vector<1x16xf32>,
        }
        %scan3A_85 = arith.constant 128 : i32
        "tpu.region"() ({
          %run_scoped3A = tpu.sem_alloc : memref<!tpu.dma_semaphore, #tpu.memory_space<semaphore_mem>>
          %dma_start3A_86 = arith.constant 0 : i32
          %dma_start3A_87 = tpu.memref_slice %arg8[%add3A_55, %dma_start3A_86] : memref<40x128xi32, #tpu.memory_space<vmem>> -> memref<1x128xi32, #tpu.memory_space<vmem>>
          %dma_start3A_88 = tpu.memref_squeeze %dma_start3A_87 : memref<1x128xi32, #tpu.memory_space<vmem>> -> memref<128xi32, #tpu.memory_space<vmem>>
          %dma_start3A_89 = arith.constant 0 : i32
          %dma_start3A_90 = arith.constant 0 : i32
          %dma_start3A_91 = tpu.memref_slice %arg13[%dma_start3A_89, %dma_start3A_90] : memref<5120x128xf32, #tpu.memory_space<vmem_shared>> -> memref<5120x128xf32, #tpu.memory_space<vmem_shared>>
          tpu.enqueue_indirect_dma source(%arg12 : memref<128x128xf32, #tpu.memory_space<vmem>>) target(%dma_start3A_91 : memref<5120x128xf32, #tpu.memory_space<vmem_shared>>) offsets(%dma_start3A_88 : memref<128xi32, #tpu.memory_space<vmem>>) semaphore(%run_scoped3A : memref<!tpu.dma_semaphore, #tpu.memory_space<semaphore_mem>>) {add = true}
          %dma_wait3A_92 = arith.constant 0 : i32
          %dma_wait3A_93 = tpu.memref_slice %arg8[%add3A_55, %dma_wait3A_92] : memref<40x128xi32, #tpu.memory_space<vmem>> -> memref<1x128xi32, #tpu.memory_space<vmem>>
          %dma_wait3A_94 = tpu.memref_squeeze %dma_wait3A_93 : memref<1x128xi32, #tpu.memory_space<vmem>> -> memref<128xi32, #tpu.memory_space<vmem>>
          %dma_wait3A_95 = arith.constant 0 : i32
          %dma_wait3A_96 = arith.constant 0 : i32
          %dma_wait3A_97 = tpu.memref_slice %arg13[%dma_wait3A_95, %dma_wait3A_96] : memref<5120x128xf32, #tpu.memory_space<vmem_shared>> -> memref<5120x128xf32, #tpu.memory_space<vmem_shared>>
          tpu.wait_indirect_dma semaphore(%run_scoped3A : memref<!tpu.dma_semaphore, #tpu.memory_space<semaphore_mem>>) src(%arg12 : memref<128x128xf32, #tpu.memory_space<vmem>>) dst(%dma_wait3A_97 : memref<5120x128xf32, #tpu.memory_space<vmem_shared>>)
          tpu.yield
        }) : () -> ()
      } else {
      }
    }
    %scan3A_47 = arith.constant 20 : i32
    %barrier3A_48 = arith.constant 0 : index
    tpu.barrier barrier_id(%barrier3A_48)
    "tpu.region"() ({
      %run_scoped3A = tpu.sem_alloc : memref<!tpu.dma_semaphore, #tpu.memory_space<semaphore_mem>>
      %dma_start3A_49 = arith.constant 0 : i32
      %dma_start3A_50 = tpu.memref_slice %arg6[%arg0, %mul3A_8, %dma_start3A_49] : memref<2x5120x128xf32, #tpu.memory_space<hbm>> -> memref<1x320x128xf32, #tpu.memory_space<hbm>>
      %dma_start3A_51 = tpu.memref_squeeze %dma_start3A_50 : memref<1x320x128xf32, #tpu.memory_space<hbm>> -> memref<320x128xf32, #tpu.memory_space<hbm>>
      %dma_start3A_52 = arith.constant 0 : i32
      %dma_start3A_53 = tpu.memref_slice %arg13[%mul3A_8, %dma_start3A_52] : memref<5120x128xf32, #tpu.memory_space<vmem_shared>> -> memref<320x128xf32, #tpu.memory_space<vmem_shared>>
      tpu.enqueue_dma source(%dma_start3A_53 : memref<320x128xf32, #tpu.memory_space<vmem_shared>>) target(%dma_start3A_51 : memref<320x128xf32, #tpu.memory_space<hbm>>) target_semaphore(%run_scoped3A : memref<!tpu.dma_semaphore, #tpu.memory_space<semaphore_mem>>)
      %dma_wait3A = arith.constant 0 : i32
      %dma_wait3A_54 = tpu.memref_slice %arg6[%arg0, %mul3A_8, %dma_wait3A] : memref<2x5120x128xf32, #tpu.memory_space<hbm>> -> memref<1x320x128xf32, #tpu.memory_space<hbm>>
      %dma_wait3A_55 = tpu.memref_squeeze %dma_wait3A_54 : memref<1x320x128xf32, #tpu.memory_space<hbm>> -> memref<320x128xf32, #tpu.memory_space<hbm>>
      %dma_wait3A_56 = arith.constant 0 : i32
      %dma_wait3A_57 = tpu.memref_slice %arg13[%mul3A_8, %dma_wait3A_56] : memref<5120x128xf32, #tpu.memory_space<vmem_shared>> -> memref<320x128xf32, #tpu.memory_space<vmem_shared>>
      tpu.wait_dma2 semaphore(%run_scoped3A : memref<!tpu.dma_semaphore, #tpu.memory_space<semaphore_mem>>) src(%dma_wait3A_57 : memref<320x128xf32, #tpu.memory_space<vmem_shared>>) dst(%dma_wait3A_55 : memref<320x128xf32, #tpu.memory_space<hbm>>)
      tpu.yield
    }) : () -> ()
    return
  }
}

module attributes {stable_mosaic.version = 14 : i64} {
  func.func @_nodes_body(%arg0: memref<5000x128xf32, #tpu.memory_space<vmem>>, %arg1: memref<128x64xf32, #tpu.memory_space<vmem>>, %arg2: memref<1x64xf32, #tpu.memory_space<vmem>>, %arg3: memref<64x64xf32, #tpu.memory_space<vmem>>, %arg4: memref<1x64xf32, #tpu.memory_space<vmem>>, %arg5: memref<64x64xf32, #tpu.memory_space<vmem>>, %arg6: memref<5000x64xf32, #tpu.memory_space<vmem>>, %arg7: memref<5000x128xf32, #tpu.memory_space<vmem>>) attributes {dimension_semantics = [], scalar_prefetch = 0 : i64, scratch_operands = 0 : i64, tpu.core_type = #tpu.core_type<tc>} {
    %get3A = arith.constant 0 : index
    %get3A_0 = arith.constant 0 : index
    %get3A_1 = vector.load %arg0[%get3A, %get3A_0] : memref<5000x128xf32, #tpu.memory_space<vmem>>, vector<5000x128xf32>
    %get3A_2 = arith.constant 0 : index
    %get3A_3 = arith.constant 0 : index
    %get3A_4 = vector.load %arg1[%get3A_2, %get3A_3] : memref<128x64xf32, #tpu.memory_space<vmem>>, vector<128x64xf32>
    %dot_general3A = arith.constant dense<0.000000e+00> : vector<5000x64xf32>
    %dot_general3A_5 = tpu.matmul %get3A_1, %get3A_4, %dot_general3A {dimension_numbers = #tpu.dot_dimension_numbers<[1], [0], [0], [1], [0, 0, 1, 1], [], []>, transpose_lhs_hint = false} : vector<5000x128xf32>, vector<128x64xf32>, vector<5000x64xf32> -> vector<5000x64xf32>
    %get3A_6 = arith.constant 0 : index
    %get3A_7 = arith.constant 0 : index
    %get3A_8 = vector.load %arg2[%get3A_6, %get3A_7] : memref<1x64xf32, #tpu.memory_space<vmem>>, vector<1x64xf32>
    %add3A = vector.broadcast %get3A_8 : vector<1x64xf32> to vector<5000x64xf32>
    %add3A_9 = arith.addf %dot_general3A_5, %add3A : vector<5000x64xf32>
    %max3A = arith.constant 0.000000e+00 : f32
    %max3A_10 = vector.broadcast %max3A : f32 to vector<5000x64xf32>
    %max3A_11 = arith.maximumf %add3A_9, %max3A_10 : vector<5000x64xf32>
    %get3A_12 = arith.constant 0 : index
    %get3A_13 = arith.constant 0 : index
    %get3A_14 = vector.load %arg3[%get3A_12, %get3A_13] : memref<64x64xf32, #tpu.memory_space<vmem>>, vector<64x64xf32>
    %dot_general3A_15 = arith.constant dense<0.000000e+00> : vector<5000x64xf32>
    %dot_general3A_16 = tpu.matmul %max3A_11, %get3A_14, %dot_general3A_15 {dimension_numbers = #tpu.dot_dimension_numbers<[1], [0], [0], [1], [0, 0, 1, 1], [], []>, transpose_lhs_hint = false} : vector<5000x64xf32>, vector<64x64xf32>, vector<5000x64xf32> -> vector<5000x64xf32>
    %get3A_17 = arith.constant 0 : index
    %get3A_18 = arith.constant 0 : index
    %get3A_19 = vector.load %arg4[%get3A_17, %get3A_18] : memref<1x64xf32, #tpu.memory_space<vmem>>, vector<1x64xf32>
    %add3A_20 = vector.broadcast %get3A_19 : vector<1x64xf32> to vector<5000x64xf32>
    %add3A_21 = arith.addf %dot_general3A_16, %add3A_20 : vector<5000x64xf32>
    %swap3A = arith.constant 0 : index
    %swap3A_22 = arith.constant 0 : index
    %swap3A_23 = vector.load %arg6[%swap3A, %swap3A_22] : memref<5000x64xf32, #tpu.memory_space<vmem>>, vector<5000x64xf32>
    tpu.vector_store %arg6[%swap3A, %swap3A_22], %add3A_21 {strides = array<i32>} : memref<5000x64xf32, #tpu.memory_space<vmem>>, vector<5000x64xf32>,
    %get3A_24 = arith.constant 0 : index
    %get3A_25 = arith.constant 0 : index
    %get3A_26 = vector.load %arg5[%get3A_24, %get3A_25] : memref<64x64xf32, #tpu.memory_space<vmem>>, vector<64x64xf32>
    %dot_general3A_27 = arith.constant dense<0.000000e+00> : vector<5000x64xf32>
    %dot_general3A_28 = tpu.matmul %add3A_21, %get3A_26, %dot_general3A_27 {dimension_numbers = #tpu.dot_dimension_numbers<[1], [0], [0], [1], [0, 0, 1, 1], [], []>, transpose_lhs_hint = false} : vector<5000x64xf32>, vector<64x64xf32>, vector<5000x64xf32> -> vector<5000x64xf32>
    %broadcast_in_dim3A = arith.constant 0.000000e+00 : f32
    %broadcast_in_dim3A_29 = vector.broadcast %broadcast_in_dim3A : f32 to vector<5000x64xf32>
    %concatenate3A = tpu.concatenate %dot_general3A_28, %broadcast_in_dim3A_29 in 1 : vector<5000x64xf32>, vector<5000x64xf32> -> vector<5000x128xf32>
    %swap3A_30 = arith.constant 0 : index
    %swap3A_31 = arith.constant 0 : index
    %swap3A_32 = vector.load %arg7[%swap3A_30, %swap3A_31] : memref<5000x128xf32, #tpu.memory_space<vmem>>, vector<5000x128xf32>
    tpu.vector_store %arg7[%swap3A_30, %swap3A_31], %concatenate3A {strides = array<i32>} : memref<5000x128xf32, #tpu.memory_space<vmem>>, vector<5000x128xf32>,
    return
  }
}

module attributes {stable_mosaic.version = 14 : i64} {
  func.func @_edges_body(%arg0: i32, %arg1: memref<8000x16xf32, #tpu.memory_space<vmem>>, %arg2: memref<16x64xf32, #tpu.memory_space<vmem>>, %arg3: memref<1x64xf32, #tpu.memory_space<vmem>>, %arg4: memref<64x64xf32, #tpu.memory_space<vmem>>, %arg5: memref<1x64xf32, #tpu.memory_space<vmem>>, %arg6: memref<64x64xf32, #tpu.memory_space<vmem>>, %arg7: memref<1x64xf32, #tpu.memory_space<vmem>>, %arg8: memref<64x64xf32, #tpu.memory_space<vmem>>, %arg9: memref<1x64xf32, #tpu.memory_space<vmem>>, %arg10: memref<8000x128xf32, #tpu.memory_space<vmem>>) attributes {dimension_semantics = [#tpu.dimension_semantics<arbitrary>], iteration_bounds = array<i64: 20>, scalar_prefetch = 0 : i64, scratch_operands = 0 : i64, tpu.core_type = #tpu.core_type<tc>, window_params = [{transform_indices = @transform_0, window_bounds = array<i64: 8000, 16>}, {pipeline_mode = #tpu.pipeline_mode<synchronous>, transform_indices = @transform_1, window_bounds = array<i64: 16, 64>}, {pipeline_mode = #tpu.pipeline_mode<synchronous>, transform_indices = @transform_2, window_bounds = array<i64: 1, 64>}, {pipeline_mode = #tpu.pipeline_mode<synchronous>, transform_indices = @transform_3, window_bounds = array<i64: 64, 64>}, {pipeline_mode = #tpu.pipeline_mode<synchronous>, transform_indices = @transform_4, window_bounds = array<i64: 1, 64>}, {pipeline_mode = #tpu.pipeline_mode<synchronous>, transform_indices = @transform_5, window_bounds = array<i64: 64, 64>}, {pipeline_mode = #tpu.pipeline_mode<synchronous>, transform_indices = @transform_6, window_bounds = array<i64: 1, 64>}, {pipeline_mode = #tpu.pipeline_mode<synchronous>, transform_indices = @transform_7, window_bounds = array<i64: 64, 64>}, {pipeline_mode = #tpu.pipeline_mode<synchronous>, transform_indices = @transform_8, window_bounds = array<i64: 1, 64>}, {transform_indices = @transform_9, window_bounds = array<i64: 8000, 128>}]} {
    %get3A = arith.constant 0 : index
    %get3A_0 = arith.constant 0 : index
    %get3A_1 = vector.load %arg1[%get3A, %get3A_0] : memref<8000x16xf32, #tpu.memory_space<vmem>>, vector<8000x16xf32>
    %get3A_2 = arith.constant 0 : index
    %get3A_3 = arith.constant 0 : index
    %get3A_4 = vector.load %arg2[%get3A_2, %get3A_3] : memref<16x64xf32, #tpu.memory_space<vmem>>, vector<16x64xf32>
    %dot_general3A = arith.constant dense<0.000000e+00> : vector<8000x64xf32>
    %dot_general3A_5 = tpu.matmul %get3A_1, %get3A_4, %dot_general3A {dimension_numbers = #tpu.dot_dimension_numbers<[1], [0], [0], [1], [0, 0, 1, 1], [], []>, transpose_lhs_hint = false} : vector<8000x16xf32>, vector<16x64xf32>, vector<8000x64xf32> -> vector<8000x64xf32>
    %get3A_6 = arith.constant 0 : index
    %get3A_7 = arith.constant 0 : index
    %get3A_8 = vector.load %arg3[%get3A_6, %get3A_7] : memref<1x64xf32, #tpu.memory_space<vmem>>, vector<1x64xf32>
    %add3A = vector.broadcast %get3A_8 : vector<1x64xf32> to vector<8000x64xf32>
    %add3A_9 = arith.addf %dot_general3A_5, %add3A : vector<8000x64xf32>
    %max3A = arith.constant 0.000000e+00 : f32
    %max3A_10 = vector.broadcast %max3A : f32 to vector<8000x64xf32>
    %max3A_11 = arith.maximumf %add3A_9, %max3A_10 : vector<8000x64xf32>
    %get3A_12 = arith.constant 0 : index
    %get3A_13 = arith.constant 0 : index
    %get3A_14 = vector.load %arg4[%get3A_12, %get3A_13] : memref<64x64xf32, #tpu.memory_space<vmem>>, vector<64x64xf32>
    %dot_general3A_15 = arith.constant dense<0.000000e+00> : vector<8000x64xf32>
    %dot_general3A_16 = tpu.matmul %max3A_11, %get3A_14, %dot_general3A_15 {dimension_numbers = #tpu.dot_dimension_numbers<[1], [0], [0], [1], [0, 0, 1, 1], [], []>, transpose_lhs_hint = false} : vector<8000x64xf32>, vector<64x64xf32>, vector<8000x64xf32> -> vector<8000x64xf32>
    %get3A_17 = arith.constant 0 : index
    %get3A_18 = arith.constant 0 : index
    %get3A_19 = vector.load %arg5[%get3A_17, %get3A_18] : memref<1x64xf32, #tpu.memory_space<vmem>>, vector<1x64xf32>
    %add3A_20 = vector.broadcast %get3A_19 : vector<1x64xf32> to vector<8000x64xf32>
    %add3A_21 = arith.addf %dot_general3A_16, %add3A_20 : vector<8000x64xf32>
    %get3A_22 = arith.constant 0 : index
    %get3A_23 = arith.constant 0 : index
    %get3A_24 = vector.load %arg6[%get3A_22, %get3A_23] : memref<64x64xf32, #tpu.memory_space<vmem>>, vector<64x64xf32>
    %dot_general3A_25 = arith.constant dense<0.000000e+00> : vector<8000x64xf32>
    %dot_general3A_26 = tpu.matmul %add3A_21, %get3A_24, %dot_general3A_25 {dimension_numbers = #tpu.dot_dimension_numbers<[1], [0], [0], [1], [0, 0, 1, 1], [], []>, transpose_lhs_hint = false} : vector<8000x64xf32>, vector<64x64xf32>, vector<8000x64xf32> -> vector<8000x64xf32>
    %get3A_27 = arith.constant 0 : index
    %get3A_28 = arith.constant 0 : index
    %get3A_29 = vector.load %arg7[%get3A_27, %get3A_28] : memref<1x64xf32, #tpu.memory_space<vmem>>, vector<1x64xf32>
    %add3A_30 = vector.broadcast %get3A_29 : vector<1x64xf32> to vector<8000x64xf32>
    %add3A_31 = arith.addf %dot_general3A_26, %add3A_30 : vector<8000x64xf32>
    %get3A_32 = arith.constant 0 : index
    %get3A_33 = arith.constant 0 : index
    %get3A_34 = vector.load %arg8[%get3A_32, %get3A_33] : memref<64x64xf32, #tpu.memory_space<vmem>>, vector<64x64xf32>
    %dot_general3A_35 = arith.constant dense<0.000000e+00> : vector<8000x64xf32>
    %dot_general3A_36 = tpu.matmul %add3A_21, %get3A_34, %dot_general3A_35 {dimension_numbers = #tpu.dot_dimension_numbers<[1], [0], [0], [1], [0, 0, 1, 1], [], []>, transpose_lhs_hint = false} : vector<8000x64xf32>, vector<64x64xf32>, vector<8000x64xf32> -> vector<8000x64xf32>
    %get3A_37 = arith.constant 0 : index
    %get3A_38 = arith.constant 0 : index
    %get3A_39 = vector.load %arg9[%get3A_37, %get3A_38] : memref<1x64xf32, #tpu.memory_space<vmem>>, vector<1x64xf32>
    %add3A_40 = vector.broadcast %get3A_39 : vector<1x64xf32> to vector<8000x64xf32>
    %add3A_41 = arith.addf %dot_general3A_36, %add3A_40 : vector<8000x64xf32>
    %concatenate3A = tpu.concatenate %add3A_31, %add3A_41 in 1 : vector<8000x64xf32>, vector<8000x64xf32> -> vector<8000x128xf32>
    %swap3A = arith.constant 0 : index
    %swap3A_42 = arith.constant 0 : index
    %swap3A_43 = vector.load %arg10[%swap3A, %swap3A_42] : memref<8000x128xf32, #tpu.memory_space<vmem>>, vector<8000x128xf32>
    tpu.vector_store %arg10[%swap3A, %swap3A_42], %concatenate3A {strides = array<i32>} : memref<8000x128xf32, #tpu.memory_space<vmem>>, vector<8000x128xf32>,
    return
  }
  func.func @transform_0(%arg0: i32) -> (i32, i32) {
    %c0_i32 = arith.constant 0 : i32
    %c0_i32_0 = arith.constant 0 : i32
    return %arg0, %c0_i32 : i32, i32
  }
  func.func @transform_1(%arg0: i32) -> (i32, i32) {
    %c0_i32 = arith.constant 0 : i32
    %c0_i32_0 = arith.constant 0 : i32
    %c0_i32_1 = arith.constant 0 : i32
    return %c0_i32, %c0_i32_0 : i32, i32
  }
  func.func @transform_2(%arg0: i32) -> (i32, i32) {
    %c0_i32 = arith.constant 0 : i32
    %c0_i32_0 = arith.constant 0 : i32
    %c0_i32_1 = arith.constant 0 : i32
    return %c0_i32, %c0_i32_0 : i32, i32
  }
  func.func @transform_3(%arg0: i32) -> (i32, i32) {
    %c0_i32 = arith.constant 0 : i32
    %c0_i32_0 = arith.constant 0 : i32
    %c0_i32_1 = arith.constant 0 : i32
    return %c0_i32, %c0_i32_0 : i32, i32
  }
  func.func @transform_4(%arg0: i32) -> (i32, i32) {
    %c0_i32 = arith.constant 0 : i32
    %c0_i32_0 = arith.constant 0 : i32
    %c0_i32_1 = arith.constant 0 : i32
    return %c0_i32, %c0_i32_0 : i32, i32
  }
  func.func @transform_5(%arg0: i32) -> (i32, i32) {
    %c0_i32 = arith.constant 0 : i32
    %c0_i32_0 = arith.constant 0 : i32
    %c0_i32_1 = arith.constant 0 : i32
    return %c0_i32, %c0_i32_0 : i32, i32
  }
  func.func @transform_6(%arg0: i32) -> (i32, i32) {
    %c0_i32 = arith.constant 0 : i32
    %c0_i32_0 = arith.constant 0 : i32
    %c0_i32_1 = arith.constant 0 : i32
    return %c0_i32, %c0_i32_0 : i32, i32
  }
  func.func @transform_7(%arg0: i32) -> (i32, i32) {
    %c0_i32 = arith.constant 0 : i32
    %c0_i32_0 = arith.constant 0 : i32
    %c0_i32_1 = arith.constant 0 : i32
    return %c0_i32, %c0_i32_0 : i32, i32
  }
  func.func @transform_8(%arg0: i32) -> (i32, i32) {
    %c0_i32 = arith.constant 0 : i32
    %c0_i32_0 = arith.constant 0 : i32
    %c0_i32_1 = arith.constant 0 : i32
    return %c0_i32, %c0_i32_0 : i32, i32
  }
  func.func @transform_9(%arg0: i32) -> (i32, i32) {
    %c0_i32 = arith.constant 0 : i32
    %c0_i32_0 = arith.constant 0 : i32
    return %arg0, %c0_i32 : i32, i32
  }
}

module attributes {stable_mosaic.version = 14 : i64} {
  func.func @_update_body(%arg0: memref<2x5120x128xf32, #tpu.memory_space<vmem>>, %arg1: memref<5000x64xf32, #tpu.memory_space<vmem>>, %arg2: memref<64x64xf32, #tpu.memory_space<vmem>>, %arg3: memref<1x64xf32, #tpu.memory_space<vmem>>, %arg4: memref<64x64xf32, #tpu.memory_space<vmem>>, %arg5: memref<1x64xf32, #tpu.memory_space<vmem>>, %arg6: memref<64x64xf32, #tpu.memory_space<vmem>>, %arg7: memref<1x64xf32, #tpu.memory_space<vmem>>, %arg8: memref<64x64xf32, #tpu.memory_space<vmem>>, %arg9: memref<5000x64xf32, #tpu.memory_space<vmem>>, %arg10: memref<5000x128xf32, #tpu.memory_space<vmem>>) attributes {dimension_semantics = [], scalar_prefetch = 0 : i64, scratch_operands = 0 : i64, tpu.core_type = #tpu.core_type<tc>} {
    %get3A = arith.constant 0 : index
    %get3A_0 = arith.constant 0 : index
    %get3A_1 = arith.constant 0 : index
    %get3A_2 = vector.load %arg0[%get3A, %get3A_0, %get3A_1] : memref<2x5120x128xf32, #tpu.memory_space<vmem>>, vector<2x5120x128xf32>
    %slice3A = vector.extract_strided_slice %get3A_2 {offsets = [0, 0, 0], sizes = [1, 5000, 64], strides = [1, 1, 1]} : vector<2x5120x128xf32> to vector<1x5000x64xf32>
    %squeeze3A = vector.shape_cast %slice3A : vector<1x5000x64xf32> to vector<5000x64xf32>
    %slice3A_3 = vector.extract_strided_slice %get3A_2 {offsets = [1, 0, 0], sizes = [1, 5000, 64], strides = [1, 1, 1]} : vector<2x5120x128xf32> to vector<1x5000x64xf32>
    %squeeze3A_4 = vector.shape_cast %slice3A_3 : vector<1x5000x64xf32> to vector<5000x64xf32>
    %add3A = arith.addf %squeeze3A, %squeeze3A_4 : vector<5000x64xf32>
    %slice3A_5 = vector.extract_strided_slice %get3A_2 {offsets = [0, 0, 64], sizes = [1, 5000, 1], strides = [1, 1, 1]} : vector<2x5120x128xf32> to vector<1x5000x1xf32>
    %squeeze3A_6 = vector.shape_cast %slice3A_5 : vector<1x5000x1xf32> to vector<5000x1xf32>
    %slice3A_7 = vector.extract_strided_slice %get3A_2 {offsets = [1, 0, 64], sizes = [1, 5000, 1], strides = [1, 1, 1]} : vector<2x5120x128xf32> to vector<1x5000x1xf32>
    %squeeze3A_8 = vector.shape_cast %slice3A_7 : vector<1x5000x1xf32> to vector<5000x1xf32>
    %add3A_9 = arith.addf %squeeze3A_6, %squeeze3A_8 : vector<5000x1xf32>
    %get3A_10 = arith.constant 0 : index
    %get3A_11 = arith.constant 0 : index
    %get3A_12 = vector.load %arg2[%get3A_10, %get3A_11] : memref<64x64xf32, #tpu.memory_space<vmem>>, vector<64x64xf32>
    %convert_element_type3A = arith.truncf %get3A_12 : vector<64x64xf32> to vector<64x64xbf16>
    %convert_element_type3A_13 = arith.extf %convert_element_type3A : vector<64x64xbf16> to vector<64x64xf32>
    %dot_general3A = arith.constant dense<0.000000e+00> : vector<5000x64xf32>
    %dot_general3A_14 = tpu.matmul %add3A, %convert_element_type3A_13, %dot_general3A {dimension_numbers = #tpu.dot_dimension_numbers<[1], [0], [0], [1], [0, 0, 1, 1], [], []>, precision = #tpu.contract_precision<fp32>, transpose_lhs_hint = false} : vector<5000x64xf32>, vector<64x64xf32>, vector<5000x64xf32> -> vector<5000x64xf32>
    %get3A_15 = arith.constant 0 : index
    %get3A_16 = arith.constant 0 : index
    %get3A_17 = vector.load %arg3[%get3A_15, %get3A_16] : memref<1x64xf32, #tpu.memory_space<vmem>>, vector<1x64xf32>
    %mul3A = vector.broadcast %add3A_9 : vector<5000x1xf32> to vector<5000x64xf32>
    %mul3A_18 = vector.broadcast %get3A_17 : vector<1x64xf32> to vector<5000x64xf32>
    %mul3A_19 = arith.mulf %mul3A, %mul3A_18 : vector<5000x64xf32>
    %add3A_20 = arith.addf %dot_general3A_14, %mul3A_19 : vector<5000x64xf32>
    %get3A_21 = arith.constant 0 : index
    %get3A_22 = arith.constant 0 : index
    %get3A_23 = vector.load %arg1[%get3A_21, %get3A_22] : memref<5000x64xf32, #tpu.memory_space<vmem>>, vector<5000x64xf32>
    %add3A_24 = arith.addf %add3A_20, %get3A_23 : vector<5000x64xf32>
    %get3A_25 = arith.constant 0 : index
    %get3A_26 = arith.constant 0 : index
    %get3A_27 = vector.load %arg4[%get3A_25, %get3A_26] : memref<64x64xf32, #tpu.memory_space<vmem>>, vector<64x64xf32>
    %dot_general3A_28 = arith.constant dense<0.000000e+00> : vector<5000x64xf32>
    %dot_general3A_29 = tpu.matmul %add3A_24, %get3A_27, %dot_general3A_28 {dimension_numbers = #tpu.dot_dimension_numbers<[1], [0], [0], [1], [0, 0, 1, 1], [], []>, transpose_lhs_hint = false} : vector<5000x64xf32>, vector<64x64xf32>, vector<5000x64xf32> -> vector<5000x64xf32>
    %get3A_30 = arith.constant 0 : index
    %get3A_31 = arith.constant 0 : index
    %get3A_32 = vector.load %arg5[%get3A_30, %get3A_31] : memref<1x64xf32, #tpu.memory_space<vmem>>, vector<1x64xf32>
    %add3A_33 = vector.broadcast %get3A_32 : vector<1x64xf32> to vector<5000x64xf32>
    %add3A_34 = arith.addf %dot_general3A_29, %add3A_33 : vector<5000x64xf32>
    %max3A = arith.constant 0.000000e+00 : f32
    %max3A_35 = vector.broadcast %max3A : f32 to vector<5000x64xf32>
    %max3A_36 = arith.maximumf %add3A_34, %max3A_35 : vector<5000x64xf32>
    %get3A_37 = arith.constant 0 : index
    %get3A_38 = arith.constant 0 : index
    %get3A_39 = vector.load %arg6[%get3A_37, %get3A_38] : memref<64x64xf32, #tpu.memory_space<vmem>>, vector<64x64xf32>
    %dot_general3A_40 = arith.constant dense<0.000000e+00> : vector<5000x64xf32>
    %dot_general3A_41 = tpu.matmul %max3A_36, %get3A_39, %dot_general3A_40 {dimension_numbers = #tpu.dot_dimension_numbers<[1], [0], [0], [1], [0, 0, 1, 1], [], []>, transpose_lhs_hint = false} : vector<5000x64xf32>, vector<64x64xf32>, vector<5000x64xf32> -> vector<5000x64xf32>
    %get3A_42 = arith.constant 0 : index
    %get3A_43 = arith.constant 0 : index
    %get3A_44 = vector.load %arg7[%get3A_42, %get3A_43] : memref<1x64xf32, #tpu.memory_space<vmem>>, vector<1x64xf32>
    %add3A_45 = vector.broadcast %get3A_44 : vector<1x64xf32> to vector<5000x64xf32>
    %add3A_46 = arith.addf %dot_general3A_41, %add3A_45 : vector<5000x64xf32>
    %add3A_47 = arith.addf %add3A_46, %get3A_23 : vector<5000x64xf32>
    %swap3A = arith.constant 0 : index
    %swap3A_48 = arith.constant 0 : index
    %swap3A_49 = vector.load %arg9[%swap3A, %swap3A_48] : memref<5000x64xf32, #tpu.memory_space<vmem>>, vector<5000x64xf32>
    tpu.vector_store %arg9[%swap3A, %swap3A_48], %add3A_47 {strides = array<i32>} : memref<5000x64xf32, #tpu.memory_space<vmem>>, vector<5000x64xf32>,
    %get3A_50 = arith.constant 0 : index
    %get3A_51 = arith.constant 0 : index
    %get3A_52 = vector.load %arg8[%get3A_50, %get3A_51] : memref<64x64xf32, #tpu.memory_space<vmem>>, vector<64x64xf32>
    %dot_general3A_53 = arith.constant dense<0.000000e+00> : vector<5000x64xf32>
    %dot_general3A_54 = tpu.matmul %add3A_47, %get3A_52, %dot_general3A_53 {dimension_numbers = #tpu.dot_dimension_numbers<[1], [0], [0], [1], [0, 0, 1, 1], [], []>, transpose_lhs_hint = false} : vector<5000x64xf32>, vector<64x64xf32>, vector<5000x64xf32> -> vector<5000x64xf32>
    %broadcast_in_dim3A = arith.constant 0.000000e+00 : f32
    %broadcast_in_dim3A_55 = vector.broadcast %broadcast_in_dim3A : f32 to vector<5000x64xf32>
    %concatenate3A = tpu.concatenate %dot_general3A_54, %broadcast_in_dim3A_55 in 1 : vector<5000x64xf32>, vector<5000x64xf32> -> vector<5000x128xf32>
    %swap3A_56 = arith.constant 0 : index
    %swap3A_57 = arith.constant 0 : index
    %swap3A_58 = vector.load %arg10[%swap3A_56, %swap3A_57] : memref<5000x128xf32, #tpu.memory_space<vmem>>, vector<5000x128xf32>
    tpu.vector_store %arg10[%swap3A_56, %swap3A_57], %concatenate3A {strides = array<i32>} : memref<5000x128xf32, #tpu.memory_space<vmem>>, vector<5000x128xf32>,
    return
  }
}

module attributes {stable_mosaic.version = 14 : i64} {
  func.func @_final_body(%arg0: memref<2x5120x128xf32, #tpu.memory_space<vmem>>, %arg1: memref<5000x64xf32, #tpu.memory_space<vmem>>, %arg2: memref<64x64xf32, #tpu.memory_space<vmem>>, %arg3: memref<1x64xf32, #tpu.memory_space<vmem>>, %arg4: memref<64x64xf32, #tpu.memory_space<vmem>>, %arg5: memref<1x64xf32, #tpu.memory_space<vmem>>, %arg6: memref<64x64xf32, #tpu.memory_space<vmem>>, %arg7: memref<1x64xf32, #tpu.memory_space<vmem>>, %arg8: memref<64x64xf32, #tpu.memory_space<vmem>>, %arg9: memref<1x64xf32, #tpu.memory_space<vmem>>, %arg10: memref<64x64xf32, #tpu.memory_space<vmem>>, %arg11: memref<1x64xf32, #tpu.memory_space<vmem>>, %arg12: memref<64x64xf32, #tpu.memory_space<vmem>>, %arg13: memref<1x64xf32, #tpu.memory_space<vmem>>, %arg14: memref<5000x64xf32, #tpu.memory_space<vmem>>, %arg15: memref<5000x64xf32, #tpu.memory_space<vmem>>) attributes {dimension_semantics = [], scalar_prefetch = 0 : i64, scratch_operands = 0 : i64, tpu.core_type = #tpu.core_type<tc>} {
    %get3A = arith.constant 0 : index
    %get3A_0 = arith.constant 0 : index
    %get3A_1 = arith.constant 0 : index
    %get3A_2 = vector.load %arg0[%get3A, %get3A_0, %get3A_1] : memref<2x5120x128xf32, #tpu.memory_space<vmem>>, vector<2x5120x128xf32>
    %slice3A = vector.extract_strided_slice %get3A_2 {offsets = [0, 0, 0], sizes = [1, 5000, 64], strides = [1, 1, 1]} : vector<2x5120x128xf32> to vector<1x5000x64xf32>
    %squeeze3A = vector.shape_cast %slice3A : vector<1x5000x64xf32> to vector<5000x64xf32>
    %slice3A_3 = vector.extract_strided_slice %get3A_2 {offsets = [1, 0, 0], sizes = [1, 5000, 64], strides = [1, 1, 1]} : vector<2x5120x128xf32> to vector<1x5000x64xf32>
    %squeeze3A_4 = vector.shape_cast %slice3A_3 : vector<1x5000x64xf32> to vector<5000x64xf32>
    %add3A = arith.addf %squeeze3A, %squeeze3A_4 : vector<5000x64xf32>
    %slice3A_5 = vector.extract_strided_slice %get3A_2 {offsets = [0, 0, 64], sizes = [1, 5000, 1], strides = [1, 1, 1]} : vector<2x5120x128xf32> to vector<1x5000x1xf32>
    %squeeze3A_6 = vector.shape_cast %slice3A_5 : vector<1x5000x1xf32> to vector<5000x1xf32>
    %slice3A_7 = vector.extract_strided_slice %get3A_2 {offsets = [1, 0, 64], sizes = [1, 5000, 1], strides = [1, 1, 1]} : vector<2x5120x128xf32> to vector<1x5000x1xf32>
    %squeeze3A_8 = vector.shape_cast %slice3A_7 : vector<1x5000x1xf32> to vector<5000x1xf32>
    %add3A_9 = arith.addf %squeeze3A_6, %squeeze3A_8 : vector<5000x1xf32>
    %get3A_10 = arith.constant 0 : index
    %get3A_11 = arith.constant 0 : index
    %get3A_12 = vector.load %arg2[%get3A_10, %get3A_11] : memref<64x64xf32, #tpu.memory_space<vmem>>, vector<64x64xf32>
    %convert_element_type3A = arith.truncf %get3A_12 : vector<64x64xf32> to vector<64x64xbf16>
    %convert_element_type3A_13 = arith.extf %convert_element_type3A : vector<64x64xbf16> to vector<64x64xf32>
    %dot_general3A = arith.constant dense<0.000000e+00> : vector<5000x64xf32>
    %dot_general3A_14 = tpu.matmul %add3A, %convert_element_type3A_13, %dot_general3A {dimension_numbers = #tpu.dot_dimension_numbers<[1], [0], [0], [1], [0, 0, 1, 1], [], []>, precision = #tpu.contract_precision<fp32>, transpose_lhs_hint = false} : vector<5000x64xf32>, vector<64x64xf32>, vector<5000x64xf32> -> vector<5000x64xf32>
    %get3A_15 = arith.constant 0 : index
    %get3A_16 = arith.constant 0 : index
    %get3A_17 = vector.load %arg3[%get3A_15, %get3A_16] : memref<1x64xf32, #tpu.memory_space<vmem>>, vector<1x64xf32>
    %mul3A = vector.broadcast %add3A_9 : vector<5000x1xf32> to vector<5000x64xf32>
    %mul3A_18 = vector.broadcast %get3A_17 : vector<1x64xf32> to vector<5000x64xf32>
    %mul3A_19 = arith.mulf %mul3A, %mul3A_18 : vector<5000x64xf32>
    %add3A_20 = arith.addf %dot_general3A_14, %mul3A_19 : vector<5000x64xf32>
    %get3A_21 = arith.constant 0 : index
    %get3A_22 = arith.constant 0 : index
    %get3A_23 = vector.load %arg1[%get3A_21, %get3A_22] : memref<5000x64xf32, #tpu.memory_space<vmem>>, vector<5000x64xf32>
    %add3A_24 = arith.addf %add3A_20, %get3A_23 : vector<5000x64xf32>
    %get3A_25 = arith.constant 0 : index
    %get3A_26 = arith.constant 0 : index
    %get3A_27 = vector.load %arg4[%get3A_25, %get3A_26] : memref<64x64xf32, #tpu.memory_space<vmem>>, vector<64x64xf32>
    %dot_general3A_28 = arith.constant dense<0.000000e+00> : vector<5000x64xf32>
    %dot_general3A_29 = tpu.matmul %add3A_24, %get3A_27, %dot_general3A_28 {dimension_numbers = #tpu.dot_dimension_numbers<[1], [0], [0], [1], [0, 0, 1, 1], [], []>, transpose_lhs_hint = false} : vector<5000x64xf32>, vector<64x64xf32>, vector<5000x64xf32> -> vector<5000x64xf32>
    %get3A_30 = arith.constant 0 : index
    %get3A_31 = arith.constant 0 : index
    %get3A_32 = vector.load %arg5[%get3A_30, %get3A_31] : memref<1x64xf32, #tpu.memory_space<vmem>>, vector<1x64xf32>
    %add3A_33 = vector.broadcast %get3A_32 : vector<1x64xf32> to vector<5000x64xf32>
    %add3A_34 = arith.addf %dot_general3A_29, %add3A_33 : vector<5000x64xf32>
    %max3A = arith.constant 0.000000e+00 : f32
    %max3A_35 = vector.broadcast %max3A : f32 to vector<5000x64xf32>
    %max3A_36 = arith.maximumf %add3A_34, %max3A_35 : vector<5000x64xf32>
    %get3A_37 = arith.constant 0 : index
    %get3A_38 = arith.constant 0 : index
    %get3A_39 = vector.load %arg6[%get3A_37, %get3A_38] : memref<64x64xf32, #tpu.memory_space<vmem>>, vector<64x64xf32>
    %dot_general3A_40 = arith.constant dense<0.000000e+00> : vector<5000x64xf32>
    %dot_general3A_41 = tpu.matmul %max3A_36, %get3A_39, %dot_general3A_40 {dimension_numbers = #tpu.dot_dimension_numbers<[1], [0], [0], [1], [0, 0, 1, 1], [], []>, transpose_lhs_hint = false} : vector<5000x64xf32>, vector<64x64xf32>, vector<5000x64xf32> -> vector<5000x64xf32>
    %get3A_42 = arith.constant 0 : index
    %get3A_43 = arith.constant 0 : index
    %get3A_44 = vector.load %arg7[%get3A_42, %get3A_43] : memref<1x64xf32, #tpu.memory_space<vmem>>, vector<1x64xf32>
    %add3A_45 = vector.broadcast %get3A_44 : vector<1x64xf32> to vector<5000x64xf32>
    %add3A_46 = arith.addf %dot_general3A_41, %add3A_45 : vector<5000x64xf32>
    %add3A_47 = arith.addf %add3A_46, %get3A_23 : vector<5000x64xf32>
    %get3A_48 = arith.constant 0 : index
    %get3A_49 = arith.constant 0 : index
    %get3A_50 = vector.load %arg8[%get3A_48, %get3A_49] : memref<64x64xf32, #tpu.memory_space<vmem>>, vector<64x64xf32>
    %dot_general3A_51 = arith.constant dense<0.000000e+00> : vector<5000x64xf32>
    %dot_general3A_52 = tpu.matmul %add3A_47, %get3A_50, %dot_general3A_51 {dimension_numbers = #tpu.dot_dimension_numbers<[1], [0], [0], [1], [0, 0, 1, 1], [], []>, transpose_lhs_hint = false} : vector<5000x64xf32>, vector<64x64xf32>, vector<5000x64xf32> -> vector<5000x64xf32>
    %get3A_53 = arith.constant 0 : index
    %get3A_54 = arith.constant 0 : index
    %get3A_55 = vector.load %arg9[%get3A_53, %get3A_54] : memref<1x64xf32, #tpu.memory_space<vmem>>, vector<1x64xf32>
    %add3A_56 = vector.broadcast %get3A_55 : vector<1x64xf32> to vector<5000x64xf32>
    %add3A_57 = arith.addf %dot_general3A_52, %add3A_56 : vector<5000x64xf32>
    %max3A_58 = arith.constant 0.000000e+00 : f32
    %max3A_59 = vector.broadcast %max3A_58 : f32 to vector<5000x64xf32>
    %max3A_60 = arith.maximumf %add3A_57, %max3A_59 : vector<5000x64xf32>
    %get3A_61 = arith.constant 0 : index
    %get3A_62 = arith.constant 0 : index
    %get3A_63 = vector.load %arg10[%get3A_61, %get3A_62] : memref<64x64xf32, #tpu.memory_space<vmem>>, vector<64x64xf32>
    %dot_general3A_64 = arith.constant dense<0.000000e+00> : vector<5000x64xf32>
    %dot_general3A_65 = tpu.matmul %max3A_60, %get3A_63, %dot_general3A_64 {dimension_numbers = #tpu.dot_dimension_numbers<[1], [0], [0], [1], [0, 0, 1, 1], [], []>, transpose_lhs_hint = false} : vector<5000x64xf32>, vector<64x64xf32>, vector<5000x64xf32> -> vector<5000x64xf32>
    %get3A_66 = arith.constant 0 : index
    %get3A_67 = arith.constant 0 : index
    %get3A_68 = vector.load %arg11[%get3A_66, %get3A_67] : memref<1x64xf32, #tpu.memory_space<vmem>>, vector<1x64xf32>
    %add3A_69 = vector.broadcast %get3A_68 : vector<1x64xf32> to vector<5000x64xf32>
    %add3A_70 = arith.addf %dot_general3A_65, %add3A_69 : vector<5000x64xf32>
    %swap3A = arith.constant 0 : index
    %swap3A_71 = arith.constant 0 : index
    %swap3A_72 = vector.load %arg15[%swap3A, %swap3A_71] : memref<5000x64xf32, #tpu.memory_space<vmem>>, vector<5000x64xf32>
    tpu.vector_store %arg15[%swap3A, %swap3A_71], %add3A_70 {strides = array<i32>} : memref<5000x64xf32, #tpu.memory_space<vmem>>, vector<5000x64xf32>,
    %get3A_73 = arith.constant 0 : index
    %get3A_74 = arith.constant 0 : index
    %get3A_75 = vector.load %arg12[%get3A_73, %get3A_74] : memref<64x64xf32, #tpu.memory_space<vmem>>, vector<64x64xf32>
    %dot_general3A_76 = arith.constant dense<0.000000e+00> : vector<5000x64xf32>
    %dot_general3A_77 = tpu.matmul %add3A_70, %get3A_75, %dot_general3A_76 {dimension_numbers = #tpu.dot_dimension_numbers<[1], [0], [0], [1], [0, 0, 1, 1], [], []>, transpose_lhs_hint = false} : vector<5000x64xf32>, vector<64x64xf32>, vector<5000x64xf32> -> vector<5000x64xf32>
    %get3A_78 = arith.constant 0 : index
    %get3A_79 = arith.constant 0 : index
    %get3A_80 = vector.load %arg13[%get3A_78, %get3A_79] : memref<1x64xf32, #tpu.memory_space<vmem>>, vector<1x64xf32>
    %add3A_81 = vector.broadcast %get3A_80 : vector<1x64xf32> to vector<5000x64xf32>
    %add3A_82 = arith.addf %dot_general3A_77, %add3A_81 : vector<5000x64xf32>
    %swap3A_83 = arith.constant 0 : index
    %swap3A_84 = arith.constant 0 : index
    %swap3A_85 = vector.load %arg14[%swap3A_83, %swap3A_84] : memref<5000x64xf32, #tpu.memory_space<vmem>>, vector<5000x64xf32>
    tpu.vector_store %arg14[%swap3A_83, %swap3A_84], %add3A_82 {strides = array<i32>} : memref<5000x64xf32, #tpu.memory_space<vmem>>, vector<5000x64xf32>,
    return
  }
}

module attributes {stable_mosaic.version = 14 : i64} {
  func.func @_head_body(%arg0: i32, %arg1: i32, %arg2: memref<640x64xf32, #tpu.memory_space<vmem>>, %arg3: memref<640x64xf32, #tpu.memory_space<vmem>>, %arg4: memref<640x640xf32, #tpu.memory_space<vmem>>) attributes {dimension_semantics = [#tpu.dimension_semantics<arbitrary>, #tpu.dimension_semantics<arbitrary>], iteration_bounds = array<i64: 8, 8>, scalar_prefetch = 0 : i64, scratch_operands = 0 : i64, tpu.core_type = #tpu.core_type<tc>, window_params = [{transform_indices = @transform_0, window_bounds = array<i64: 640, 64>}, {transform_indices = @transform_1, window_bounds = array<i64: 640, 64>}, {transform_indices = @transform_2, window_bounds = array<i64: 640, 640>}]} {
    %get3A = arith.constant 0 : index
    %get3A_0 = arith.constant 0 : index
    %get3A_1 = vector.load %arg2[%get3A, %get3A_0] : memref<640x64xf32, #tpu.memory_space<vmem>>, vector<640x64xf32>
    %get3A_2 = arith.constant 0 : index
    %get3A_3 = arith.constant 0 : index
    %get3A_4 = vector.load %arg3[%get3A_2, %get3A_3] : memref<640x64xf32, #tpu.memory_space<vmem>>, vector<640x64xf32>
    %dot_general3A = arith.constant dense<0.000000e+00> : vector<640x640xf32>
    %dot_general3A_5 = tpu.matmul %get3A_1, %get3A_4, %dot_general3A {dimension_numbers = #tpu.dot_dimension_numbers<[1], [1], [0], [0], [0, 0, 1, 0], [], []>, transpose_lhs_hint = false} : vector<640x64xf32>, vector<640x64xf32>, vector<640x640xf32> -> vector<640x640xf32>
    %swap3A = arith.constant 0 : index
    %swap3A_6 = arith.constant 0 : index
    %swap3A_7 = vector.load %arg4[%swap3A, %swap3A_6] : memref<640x640xf32, #tpu.memory_space<vmem>>, vector<640x640xf32>
    tpu.vector_store %arg4[%swap3A, %swap3A_6], %dot_general3A_5 {strides = array<i32>} : memref<640x640xf32, #tpu.memory_space<vmem>>, vector<640x640xf32>,
    return
  }
  func.func @transform_0(%arg0: i32, %arg1: i32) -> (i32, i32) {
    %c0_i32 = arith.constant 0 : i32
    %c0_i32_0 = arith.constant 0 : i32
    return %arg0, %c0_i32 : i32, i32
  }
  func.func @transform_1(%arg0: i32, %arg1: i32) -> (i32, i32) {
    %c0_i32 = arith.constant 0 : i32
    %c0_i32_0 = arith.constant 0 : i32
    return %arg1, %c0_i32 : i32, i32
  }
  func.func @transform_2(%arg0: i32, %arg1: i32) -> (i32, i32) {
    %c0_i32 = arith.constant 0 : i32
    return %arg0, %arg1 : i32, i32
  }
}

</mosaic_0001>

<sc_bundles>
// kernel: gather_offload_async_start.1
scs
__scs_entry_jumppad:
0x0: {  	(pc) =	sbr.rel $0x88, $3  }
0x1: {  	(tag) =	ssettag $0x0;
	lr =	simm.s32 $0x1  }
0x2: {  	[smem:$0x3F80] =	sst lr;
	_ =	strace $0xD0000000  }
0x3: {  	_ = 	snop  }
0x4: {  	_ = 	snop  }
0x5: {  	_ = 	snop  }
0x6: {  	_ = 	snop  }
0x7: {  	_ = 	snop  }
__scs_overlays_trampoline_lowered:
0x8: {  	[smem:$0x3F8F] =	sst s0  }
0x9: {  	[smem:$0x3F90] =	sst s1  }
0xa: {  	[smem:$0x3F91] =	sst s2  }
0xb: {  	[smem:$0x3F92] =	sst s3  }
0xc: {  	[smem:$0x3F93] =	sst s4  }
0xd: {  	[smem:$0x3F94] =	sst s5  }
0xe: {  	[smem:$0x3F95] =	sst s6  }
0xf: {  	[smem:$0x3F96] =	sst s7  }
0x10: {  	[smem:$0x3F97] =	sst s8  }
0x11: {  	[smem:$0x3F98] =	sst s9;
	s0 =	simm.s32 @!p0 $0x0  }
0x12: {  	s1 =	sld [smem:$0x3F7E];
	s0 =	simm.s32 @p0 $0x1  }
0x13: {  	[smem:$0x3F99] =	sst s0;
	s0 =	simm.s32 @!p1 $0x0  }
0x14: {  	s2 =	sld [smem:$0x3F7D];
	s0 =	simm.s32 @p1 $0x1  }
0x15: {  	[smem:$0x3F9A] =	sst s0;
	s0 =	simm.s32 @!p2 $0x0  }
0x16: {  	s3 =	sld [smem:$0x3FDB];
	s0 =	simm.s32 @p2 $0x1  }
0x17: {  	s4 =	simm.s32 $0x1BF5;
	[smem:$0x3F9C] =	sst s0  }
0x18: {  	s0 =	sld [smem:$0x3F7F];
	_ =	swait.ge [sflag:s4], $0x0  }
0x19: {  	s7 =	sld [smem:$0x3F80]  }
0x1a: {  	s8 =	sadd.s32 $0xFFFFE003, lr  }
0x1b: {  	s9 =	sadd.s32 $0xFFFFFEF7, lr;
	s5 =	simm.s32 $0xFFFFFFFF;
	p2 =	slt.u32 s8, $0xFFFFF086  }
0x1c: {  	p1 =	slt.u32 s9, $0xF7A;
	s5 =	simm.s32 @!p2 $0x0  }
0x1d: {  	s5 =	simm.s32 @p1 $0x1;
	p0 =	seq.s32 s7, s2  }
0x1e: {  	s7 =	smul.u32 @!p0 $0xF7A, s2;
	p2 =	seq.s32 @!p0 s5, $0x0  }
0x1f: {  	s9 =	smul.u32 $0xF7A, s1;
	s8 =	simm.s32 @!p0 $0x1BF5;
	p2 =	por !p2, p0  }
0x20: {  	[sflag:s8] =	ssyncset.s32 @!p0 $0xFFFFF086;
	s6 =	sadd.s32 @!p0 s3, s7;
	s7 =	simm.s32 @!p0 $0x108  }
0x21: {  	s3 =	sadd.s32 s3, s9;
	s6 =	sadd.s32 @!p0 $0x88, s6;
	s7 =	simm.s32 @p2 $0x1082  }
0x22: {  	[simem:s7], [sflag:s8] =	dma.local @!p0 [hbm:s6], $0xF7A  }
0x23: {  	s9 =	sor.u32 $0xD0000000, s2;
	s6 =	simm.s32 $0x108;
	_ =	swait.ge @!p0 [sflag:s8], $0x0  }
0x24: {  	s3 =	sadd.s32 $0x88, s3;
	s6 =	simm.s32 @!p1 $0x1082;
	[sflag:s4] =	ssyncset.s32 $0xFFFFF086  }
0x25: {  	[simem:s6], [sflag:s4] =	dma.local [hbm:s3], $0xF7A  }
0x26: {  	[smem:$0x3F80] =	sst s1;
	(tag) =	ssettag s2;
	_ =	strace s9  }
0x27: {  	s1 =	sld [smem:$0x3F90]  }
0x28: {  	s2 =	sld [smem:$0x3F91]  }
0x29: {  	s4 =	sld [smem:$0x3F93]  }
0x2a: {  	p0 =	seq.s32 s5, $0x0;
	s5 =	sld [smem:$0x3F94]  }
0x2b: {  	s6 =	sld [smem:$0x3F95]  }
0x2c: {  	s7 =	sld [smem:$0x3F96]  }
0x2d: {  	s3 =	simm.s32 $0x108;
	s8 =	sld [smem:$0x3F97]  }
0x2e: {  	s3 =	simm.s32 @!p0 $0x1082;
	s9 =	sld [smem:$0x3F98]  }
0x2f: {  	lr =	sadd.s32 s0, s3;
	s0 =	sld [smem:$0x3F8F]  }
0x30: {  	s3 =	sld [smem:$0x3F92]  }
0x31: {  	[smem:$0x3F9B] =	sst s10  }
0x32: {  	s10 =	sld [smem:$0x3F99];
	_ =	sdelay $0x3  }
0x33: {  	p0 =	seq.s32 s10, $0x1;
	s10 =	sld [smem:$0x3F9B];
	_ =	sdelay $0x3  }
0x34: {  	[smem:$0x3F9B] =	sst s10  }
0x35: {  	s10 =	sld [smem:$0x3F9A];
	_ =	sdelay $0x3  }
0x36: {  	p1 =	seq.s32 s10, $0x1;
	s10 =	sld [smem:$0x3F9B];
	_ =	sdelay $0x3  }
0x37: {  	[smem:$0x3F9B] =	sst s10  }
0x38: {  	s10 =	sld [smem:$0x3F9C]  }
0x39: {  	_ = 	snop;
	(pc) =	sbr.ind lr, $3  }
0x3a: {  	_ = 	snop  }
0x3b: {  	_ = 	snop  }
0x3c: {  	p2 =	seq.s32 s10, $0x1;
	s10 =	sld [smem:$0x3F9B]  }
0x3d: {  	_ =	shalt  }
0x3e: {  	_ =	shalt  }
0x3f: {  	_ =	shalt  }
0x40: {  	_ =	shalt  }
0x41: {  	_ =	shalt  }
0x42: {  	_ =	shalt  }
0x43: {  	_ =	shalt  }
0x44: {  	_ =	shalt  }
0x45: {  	_ =	shalt  }
0x46: {  	_ =	shalt  }
0x47: {  	_ =	shalt  }
0x48: {  	_ =	shalt  }
0x49: {  	_ =	shalt  }
0x4a: {  	_ =	shalt  }
0x4b: {  	_ =	shalt  }
0x4c: {  	_ =	shalt  }
0x4d: {  	_ =	shalt  }
0x4e: {  	_ =	shalt  }
0x4f: {  	_ =	shalt  }
0x50: {  	_ =	shalt  }
0x51: {  	_ =	shalt  }
0x52: {  	_ =	shalt  }
0x53: {  	_ =	shalt  }
0x54: {  	_ =	shalt  }
0x55: {  	_ =	shalt  }
0x56: {  	_ =	shalt  }
0x57: {  	_ =	shalt  }
0x58: {  	_ =	shalt  }
0x59: {  	_ =	shalt  }
0x5a: {  	_ =	shalt  }
0x5b: {  	_ =	shalt  }
0x5c: {  	_ =	shalt  }
0x5d: {  	_ =	shalt  }
0x5e: {  	_ =	shalt  }
0x5f: {  	_ =	shalt  }
0x60: {  	_ =	shalt  }
0x61: {  	_ =	shalt  }
0x62: {  	_ =	shalt  }
0x63: {  	_ =	shalt  }
0x64: {  	_ =	shalt  }
0x65: {  	_ =	shalt  }
0x66: {  	_ =	shalt  }
0x67: {  	_ =	shalt  }
0x68: {  	_ =	shalt  }
0x69: {  	_ =	shalt  }
0x6a: {  	_ =	shalt  }
0x6b: {  	_ =	shalt  }
0x6c: {  	_ =	shalt  }
0x6d: {  	_ =	shalt  }
0x6e: {  	_ =	shalt  }
0x6f: {  	_ =	shalt  }
0x70: {  	_ =	shalt  }
0x71: {  	_ =	shalt  }
0x72: {  	_ =	shalt  }
0x73: {  	_ =	shalt  }
0x74: {  	_ =	shalt  }
0x75: {  	_ =	shalt  }
0x76: {  	_ =	shalt  }
0x77: {  	_ =	shalt  }
0x78: {  	_ =	shalt  }
0x79: {  	_ =	shalt  }
0x7a: {  	_ =	shalt  }
0x7b: {  	_ =	shalt  }
0x7c: {  	_ =	shalt  }
0x7d: {  	_ =	shalt  }
0x7e: {  	_ =	shalt  }
0x7f: {  	_ =	shalt  }
0x80: {  	_ =	shalt  }
0x81: {  	_ =	shalt  }
0x82: {  	_ =	shalt  }
0x83: {  	_ =	shalt  }
0x84: {  	_ =	shalt  }
0x85: {  	_ =	shalt  }
0x86: {  	_ =	shalt  }
0x87: {  	_ =	shalt  }
.Lfunc_end0:
.L_simem_size_0:
called_computation.2_lowered:
.L_overlay_start_0:
0x88: {  	s2 =	sld [smem:$0x3FD9]  }
0x89: {  	s3 =	sld [smem:$0x3FFE];
	_ =	sdelay $0x1  }
0x8a: {  	s1 =	srdreg.scid  }
0x8b: {  	s0 =	sand.u32 $0x1, s1  }
0x8c: {  	s17 =	sshll.u32 s0, $0xA;
	s2 =	sadd.s32 s3, s2  }
0x8d: {  	s2 =	sadd.s32 s2, s17  }
0x8e: {  	[smem:$0x3FA7] =	sst s2  }
0x8f: {  	_ = 	snop  }
0x90: {  	(tm) =	ssettm $0x1  }
0x91: {  	s18 =	sld [smem:$0x3FFB];
	_ =	sdelay $0x3  }
0x92: {  	_ =	strace s18  }
0x93: {  	s2 =	sld [smem:$0x3FFC];
	_ =	sdelay $0x3  }
0x94: {  	_ =	strace s2  }
0x95: {  	s2 =	sld [smem:$0x3FFD];
	_ =	sdelay $0x3  }
0x96: {  	_ =	strace s2  }
0x97: {  	_ =	strace $0x8FFFFFFF  }
0x98: {  	s19 =	sld [smem:$0x3FDB];
	_ =	sdelay $0x1  }
0x99: {  	s20 =	simm.s32 $_scs_section_size  }
0x9a: {  	s4 =	simm.s32 $_size__tile_overlayer_lowered;
	s5 =	simm.s32 $_tile_overlayer_lowered  }
0x9b: {  	s6 =	simm.s32 $0x1BFF;
	s21 =	sshll.u32 s5, $0x1;
	s3 =	sadd.s32 s20, s19  }
0x9c: {  	s22 =	simm.s32 $0x0;
	s4 =	sshll.u32 s4, $0x1;
	s5 =	sadd.s32 s21, s3  }
0x9d: {  	[timem:s22], [sflag:s6] =	dma.local [hbm:s5], s4  }
0x9e: {  	_ =	swait.ge [sflag:s6], s4  }
0x9f: {  	s4 =	ssub.s32 $0x0, s4;
	[sflag:s6] =	ssyncset.done $0x0  }
0xa0: {  	[sflag:s6] =	ssyncadd.s32 s4;
	_ =	sdelay $0x1  }
0xa1: {  	s23 =	simm.s32 $0x1B8B  }
0xa2: {  	_ =	swait.ge [sflag:s23], $0x1  }
0xa3: {  	[sflag:s23] =	ssyncset.done $0x0  }
0xa4: {  	[sflag:s23] =	ssyncadd.s32 $0xFFFFFFFF  }
0xa5: {  	s4 =	sld [smem:$0x0]  }
0xa6: {  	s5 =	sand.u32 $0xFFFFFFFE, s1  }
0xa7: {  	p0 =	sne.s32 s1, s5  }
0xa8: {  	s5 =	sshll.u32 @p0 s5, $0xE  }
0xa9: {  	s5 =	sadd.s32 @p0 $0x11B8D, s5;
	s6 =	sshll.u32 @p0 s4, $0x11  }
0xaa: {  	s5 =	sor.u32 @p0 s6, s5  }
0xab: {  	[sflag:s5] =	ssyncadd.remote.s32 @p0 $0x1;
	_ =	sdelay $0x1  }
0xac: {  	s5 =	simm.s32 @p0 $0x1B8D  }
0xad: {  	_ =	swait.eq @p0 [sflag:s5], $0x1  }
0xae: {  	[sflag:s5] =	ssyncadd.s32 @p0 $0xFFFFFFFF  }
0xaf: {  	s6 =	sshll.u32 @!p0 s1, $0xE  }
0xb0: {  	s6 =	sor.u32 @!p0 $0x4000, s6;
	s5 =	simm.s32 @!p0 $0x1B8D  }
0xb1: {  	s4 =	sshll.u32 @!p0 s4, $0x11;
	s6 =	sadd.s32 @!p0 $0x11B8D, s6;
	_ =	swait.eq @!p0 [sflag:s5], $0x1  }
0xb2: {  	s4 =	sor.u32 @!p0 s4, s6;
	[sflag:s5] =	ssyncadd.s32 @!p0 $0xFFFFFFFF  }
0xb3: {  	s25 =	simm.s32 $0x1B8E;
	s24 =	sld [smem:$0x3FFE];
	[sflag:s4] =	ssyncadd.remote.s32 @!p0 $0x1  }
0xb4: {  	s26 =	simm.s32 $execute0_lowered;
	[smem:$0x3FD2] =	sst s25  }
0xb5: {  	s5 =	sshll.u32 s26, $0x1;
	_ =	strace $0x80000049;
	[dreg:$0x1] =	wrdreg $0xFFFFFFFF  }
0xb6: {  	s28 =	simm.s32 $_size_execute0_lowered;
	s3 =	sadd.s32 s3, s5;
	[dreg:$0x0] =	wrdreg $0x0  }
0xb7: {  	s5 =	sshll.u32 s28, $0x1;
	[dreg:$0x2] =	wrdreg s3  }
0xb8: {  	[dreg:$0x3] =	wrdreg s5  }
0xb9: {  	[dreg:$0x4] =	wrdreg $0xC0  }
0xba: {  	_ =	task [dreg:s22], $0x5FFFF  }
0xbb: {  	[dreg:$0x1] =	wrdreg $0xFFFFFFFF  }
0xbc: {  	[dreg:$0x0] =	wrdreg $0x60  }
0xbd: {  	[dreg:$0x2] =	wrdreg s24  }
0xbe: {  	[dreg:$0x3] =	wrdreg $0xA  }
0xbf: {  	_ =	task.clear_ibuf [dreg:s22], $0x4FFFF;
	_ =	strace $0x90000049  }
0xc0: {  	s29 =	simm.s32 $0xA;
	_ =	strace $0x8000004B  }
0xc1: {  	_ =	swait.ge [sflag:s29], $0x1  }
0xc2: {  	[sflag:s29] =	ssyncadd.s32 $0xFFFFFFFF  }
0xc3: {  	_ =	strace $0x9000004B  }
0xc4: {  	_ =	sfence  }
0xc5: {  	s30 =	sld [smem:$0x0];
	_ =	sdelay $0x2  }
0xc6: {  	s31 =	sshll.u32 s1, $0xD;
	s1 =	sshrl.u32 s1, $0x2  }
0xc7: {  	s4 =	sand.u32 $0x4000, s31;
	s1 =	sadd.s32 s1, s30  }
0xc8: {  	s0 =	sor.u32 s4, s0;
	s1 =	sshll.u32 s1, $0x11  }
0xc9: {  	s0 =	sor.u32 s1, s0  }
0xca: {  	s0 =	sadd.s32 $0x8F2B, s0  }
0xcb: {  	[sflag:s0] =	ssyncadd.remote.s32 $0x1  }
0xcc: {  	_ =	sfence.sel $0xFFFF  }
0xcd: {  	[dreg:$0x0] =	wrdreg $0xFFFFFFFF;
	(pc) =	sbr.abs _section_cstart, $3  }
0xce: {  	[dreg:$0x1] =	wrdreg $0xFFFFFFFF  }
0xcf: {  	_ =	task.clear_ibuf [dreg:s22], $0x2FFFF;
	_ =	strace $0x9FFFFFFF  }
0xd0: {  	(tm) =	ssettm $0x7FFFFFFF  }
0xd1: {  	_ =	shalt  }
tec
execute0_lowered:
.L_overlay_start_1:
0x0: {  	(tag) =	ssettag $0x1  }
0x1: {  	s0 =	srdreg.scid  }
0x2: {  	s1 =	sshll.u32 s0, $0x4  }
0x3: {  	s0 =	stileid.u32;
	s1 =	sand.u32 $0x10, s1  }
0x4: {  	s1 =	sor.u32 s0, s1  }
0x5: {  	s9 =	rddreg [dreg:$0x0];
	s6 =	simm.s32 $0x1;
	s2 =	smin.u32 s1, $0x8  }
0x6: {  	p0 =	slt.u32 s1, $0x8;
	s2 =	sadd.s32 s1, s2;
	s1 =	simm.s32 $0x40  }
0x7: {  	s7 =	simm.s32 $0x2;
	s2 =	sshll.u32 s2, $0x5;
	s1 =	simm.s32 @!p0 $0x20  }
0x8: {  	s10 =	simm.s32 $0x3;
	s13 =	simm.s32 $0x0;
	s3 =	sadd.s32 s1, s2  }
0x9: {  	s12 =	simm.s32 $0x0;
	s4 =	sadd.s32 $0xBC00, s9;
	s3 =	smin.u32 s3, $0x500  }
.Ltmp0:
0xa: {  	s5 =	sadd.s32 $0x6A00, s9;
	s8 =	ssub.s32 s3, s2;
	(pc) =	sbr.rel .LBB2_1-.Ltmp0, $4  }
0xb: {  	s1 =	rddreg [dreg:$0x1];
	_ =	strace $0x8000004A;
	p0 =	sgt.s32 s8, $0x0  }
0xc: {  	s9 =	sadd.s32 $0x15C00, s9;
	[sflag:s6] =	ssyncpa.u1 $0x0;
	s8 =	simm.s32 @!p0 $0x0  }
0xd: {  	s11 =	smov.u32 s2;
	[sflag:s7] =	ssyncpa.u1 $0x0;
	s8 =	sshrl.u32 s8, $0x5  }
0xe: {  	vm0 =	vmmov $0xff;
	vm1 =	vcmask $0x3F20;
	[sflag:s10] =	ssyncpa.u1 $0x0;
	p0 =	por $0x0, $0x0;
	s10 =	sadd.s32 $0x1, s8  }
.LBB2_6:
0xf: {  	[hbm:s17] =	stream.linear.scatter [tilespmem:s14], [sflag:$0x3], $0x400, $0x38;
	[tilespmem:$0x2040] =	vst v63  }
.LBB2_7:
0x10: {  	s13 =	sadd.s32 $0x20, s11  }
0x11: {  	s15 =	smov.u32 s2;
	p2 =	slt.s32 s13, s3  }
0x12: {  	s15 =	smov.u32 @p2 s13;
	p2 =	sne.s32 s12, s10  }
.Ltmp1:
0x13: {  	p1 =	slt.u32 s12, $0x2;
	(pc) =	sbr.rel @!p2 .LBB2_8-.Ltmp1, $4  }
0x14: {  	s14 =	simm.s32 @!p1 $0x3  }
0x15: {  	s16 =	sadd.s32 $0x1, s12;
	_ =	swait.ge @!p1 [sflag:s14], $0x1000  }
0x16: {  	p0 =	por !p0, !p0;
	s13 =	smov.u32 s11;
	[sflag:s14] =	ssyncset.done @!p1 $0x0  }
0x17: {  	s12 =	smov.u32 s16;
	s11 =	smov.u32 s15;
	[sflag:s14] =	ssyncadd.s32 @!p1 $0xFFFFF000  }
.LBB2_1:
0x18: {  	p1 =	sge.u32 s12, s8  }
0x19: {  	s14 =	sxor.u32 @!p1 $0xFFFFFFFF, s12  }
0x1a: {  	s31 =	sadd.s32 $0xFFFFFFFF, s12;
	s15 =	sshrl.u32 @!p1 s11, $0x3;
	s14 =	sshll.u32 @!p1 s14, $0x5  }
0x1b: {  	s16 =	sand.u32 @!p1 $0x7, s11;
	s15 =	sadd.s32 @!p1 s5, s15;
	s14 =	sand.u32 @!p1 $0x20, s14  }
0x1c: {  	[tilespmem:s14], [sflag:$0x2] =	stream.linear.gather @!p1 [hbm4b:s15+s16], $0x20, $0x38;
	[tilespmem:$0x2040] =	vst v63  }
0x1d: {  	p1 =	sge.u32 s31, s8  }
.Ltmp2:
0x1e: {  	_ = 	snop;
	(pc) =	sbr.rel @p1 .LBB2_7-.Ltmp2, $1  }
0x1f: {  	_ =	sdelay $0x3  }
0x20: {  	s14 =	simm.s32 $0x1  }
0x21: {  	_ =	swait.ge [sflag:s7], $0x20;
	s16 =	sand.u32 $0x1, s12;
	s17 =	simm.s32 $0x0  }
0x22: {  	p1 =	por $0x1, $0x1;
	s14 =	simm.s32 @!p0 $0x0;
	[sflag:s7] =	ssyncset.done $0x0  }
0x23: {  	s15 =	sshll.u32 s16, $0x5;
	s16 =	sshll.u32 s16, $0xC;
	s14 =	sshll.u32 s14, $0xC  }
0x24: {  	[sflag:s7] =	ssyncadd.s32 $0xFFFFFFE0;
	s16 =	sor.u32 $0x40, s16;
	s14 =	sor.u32 $0x40, s14  }
.LBB2_3:
0x25: {  	s18 =	sshll.u32 s17, $0x4  }
0x26: {  	s18 =	sand.u32 $0x3FFFFFF0, s18  }
0x27: {  	s18 =	sadd.s32 s18, s15  }
0x28: {  	v0 =	vld.msk [tilespmem:s18+$0x0 ss:$0x1], $0xffff;
	_ =	sdelay $0x4  }
0x29: {  	vm2 =	vgt.s32 v0, $0x0  }
0x2a: {  	v0 =	vnsel vm2, $0x0, v0  }
0x2b: {  	v0 =	vmin.u32 v0, $0x4E1  }
0x2c: {  	v0 =	vshll.u32 v0, $0x4;
	_ =	sdelay $0x1  }
0x2d: {  	s31 =	sshll.u32 s17, $0xB  }
0x2e: {  	p2 =	por p1, p1;
	s17 =	sand.u32 $0x3FFFF800, s31  }
.Ltmp3:
0x2f: {  	s17 =	sadd.s32 s17, s16;
	(pc) =	sbr.rel @p2 .LBB2_3-.Ltmp3, $4  }
0x30: {  	[tilespmem:s17], [sflag:$0x1] =	stream.indirect_vreg.gather [hbm:s4], $0x80, v0, vm0, $0x38;
	[tilespmem:$0x2040] =	vst v63  }
0x31: {  	s17 =	sadd.s32 $0x400, s17  }
0x32: {  	[tilespmem:s17], [sflag:$0x1] =	stream.indirect_vreg.gather [hbm:s4], $0x80, v0, vm1, $0x38;
	[tilespmem:$0x2040] =	vst v63  }
0x33: {  	p1 =	por $0x0, $0x0;
	s17 =	simm.s32 $0x1  }
0x34: {  	_ =	swait.ge [sflag:s6], $0x1000;
	s13 =	sshll.u32 s13, $0x4  }
0x35: {  	s15 =	simm.s32 $0x80;
	[sflag:s6] =	ssyncset.done $0x0;
	s13 =	sadd.s32 s13, s9  }
0x36: {  	s16 =	sadd.s32 $0x400, s14;
	[sflag:s6] =	ssyncadd.s32 $0xFFFFF000;
	s17 =	sadd.s32 $0x0, s13  }
.LBB2_5:
0x37: {  	[hbm:s17] =	stream.linear.scatter [tilespmem:s14], [sflag:$0x3], $0x400, $0x38;
	[tilespmem:$0x2040] =	vst v63  }
0x38: {  	s17 =	smov.u32 s15;
	s14 =	smov.u32 s16;
	p1 =	sne.s32 s15, $0x180  }
.Ltmp4:
0x39: {  	s15 =	sadd.s32 $0x80, s15;
	(pc) =	sbr.rel @p1 .LBB2_5-.Ltmp4, $2  }
0x3a: {  	_ =	sdelay $0x2  }
0x3b: {  	s16 =	sadd.s32 $0x400, s16;
	s17 =	sadd.s32 s17, s13  }
.Ltmp5:
0x3c: {  	_ = 	snop;
	(pc) =	sbr.rel .LBB2_6-.Ltmp5, $1  }
0x3d: {  	_ =	sdelay $0x3  }
.LBB2_8:
0x3e: {  	_ =	sfence.sel $0x180000  }
0x3f: {  	s2 =	simm.s32 $0x2;
	[bflag:$0x0] =	sbarrier.arrive $0xFFFF  }
0x40: {  	s30 =	simm.s32 $0x3;
	[sflag:s2] =	ssyncpa.u1 $0x1  }
0x41: {  	s31 =	simm.s32 $0x1;
	[sflag:s30] =	ssyncpa.u1 $0x1  }
0x42: {  	[sflag:s31] =	ssyncpa.u1 $0x1  }
0x43: {  	p0 =	sne.s32 s0, $0x0;
	_ =	strace $0x9000004A  }
0x44: {  	s0 =	sadd.s32 @!p0 $0x100000, s1;
	[bflag:$0x2] =	sbarrier.arrive $0xFFFF  }
0x45: {  	[sflag:s0] =	ssyncadd.tile.s32 @!p0 $0x1;
	_ =	shalt  }
.Lfunc_end2:
_tile_overlayer_lowered:
.L_overlay_start_2:
0x46: {  	(tag) =	ssettag $0x2  }
0x47: {  	s0 =	rddreg [dreg:$0x0];
	s2 =	stileid.u32  }
0x48: {  	s1 =	rddreg [dreg:$0x1];
	p0 =	sne.s32 s2, $0x0  }
0x49: {  	s3 =	rddreg [dreg:$0x2];
	[bflag:$0x3] =	sbarrier.arrive $0xFFFF;
	s2 =	simm.s32 @!p0 $0x1C01  }
0x4a: {  	[timem:s3], [sflag:s2] =	dma.local @!p0 [hbm:s0], s1  }
0x4b: {  	s0 =	simm.s32 @!p0 $0x1  }
0x4c: {  	_ =	swait.ge @!p0 [sflag:s0], s1  }
0x4d: {  	s1 =	ssub.s32 @!p0 $0x0, s1;
	[sflag:s0] =	ssyncset.done @!p0 $0x0  }
0x4e: {  	[sflag:s0] =	ssyncadd.s32 @!p0 s1  }
0x4f: {  	[bflag:$0x3] =	sbarrier.arrive $0xFFFF  }
0x50: {  	_ =	shalt  }

// kernel: gather_offload_async_start
scs
__scs_entry_jumppad:
0x0: {  	(pc) =	sbr.rel $0x88, $3  }
0x1: {  	(tag) =	ssettag $0x0;
	lr =	simm.s32 $0x1  }
0x2: {  	[smem:$0x3F80] =	sst lr;
	_ =	strace $0xD0000000  }
0x3: {  	_ = 	snop  }
0x4: {  	_ = 	snop  }
0x5: {  	_ = 	snop  }
0x6: {  	_ = 	snop  }
0x7: {  	_ = 	snop  }
__scs_overlays_trampoline_lowered:
0x8: {  	[smem:$0x3F8F] =	sst s0  }
0x9: {  	[smem:$0x3F90] =	sst s1  }
0xa: {  	[smem:$0x3F91] =	sst s2  }
0xb: {  	[smem:$0x3F92] =	sst s3  }
0xc: {  	[smem:$0x3F93] =	sst s4  }
0xd: {  	[smem:$0x3F94] =	sst s5  }
0xe: {  	[smem:$0x3F95] =	sst s6  }
0xf: {  	[smem:$0x3F96] =	sst s7  }
0x10: {  	[smem:$0x3F97] =	sst s8  }
0x11: {  	[smem:$0x3F98] =	sst s9;
	s0 =	simm.s32 @!p0 $0x0  }
0x12: {  	s1 =	sld [smem:$0x3F7E];
	s0 =	simm.s32 @p0 $0x1  }
0x13: {  	[smem:$0x3F99] =	sst s0;
	s0 =	simm.s32 @!p1 $0x0  }
0x14: {  	s2 =	sld [smem:$0x3F7D];
	s0 =	simm.s32 @p1 $0x1  }
0x15: {  	[smem:$0x3F9A] =	sst s0;
	s0 =	simm.s32 @!p2 $0x0  }
0x16: {  	s3 =	sld [smem:$0x3FDB];
	s0 =	simm.s32 @p2 $0x1  }
0x17: {  	s4 =	simm.s32 $0x1BF5;
	[smem:$0x3F9C] =	sst s0  }
0x18: {  	s0 =	sld [smem:$0x3F7F];
	_ =	swait.ge [sflag:s4], $0x0  }
0x19: {  	s7 =	sld [smem:$0x3F80]  }
0x1a: {  	s8 =	sadd.s32 $0xFFFFE003, lr  }
0x1b: {  	s9 =	sadd.s32 $0xFFFFFEF7, lr;
	s5 =	simm.s32 $0xFFFFFFFF;
	p2 =	slt.u32 s8, $0xFFFFF086  }
0x1c: {  	p1 =	slt.u32 s9, $0xF7A;
	s5 =	simm.s32 @!p2 $0x0  }
0x1d: {  	s5 =	simm.s32 @p1 $0x1;
	p0 =	seq.s32 s7, s2  }
0x1e: {  	s7 =	smul.u32 @!p0 $0xF7A, s2;
	p2 =	seq.s32 @!p0 s5, $0x0  }
0x1f: {  	s9 =	smul.u32 $0xF7A, s1;
	s8 =	simm.s32 @!p0 $0x1BF5;
	p2 =	por !p2, p0  }
0x20: {  	[sflag:s8] =	ssyncset.s32 @!p0 $0xFFFFF086;
	s6 =	sadd.s32 @!p0 s3, s7;
	s7 =	simm.s32 @!p0 $0x108  }
0x21: {  	s3 =	sadd.s32 s3, s9;
	s6 =	sadd.s32 @!p0 $0x88, s6;
	s7 =	simm.s32 @p2 $0x1082  }
0x22: {  	[simem:s7], [sflag:s8] =	dma.local @!p0 [hbm:s6], $0xF7A  }
0x23: {  	s9 =	sor.u32 $0xD0000000, s2;
	s6 =	simm.s32 $0x108;
	_ =	swait.ge @!p0 [sflag:s8], $0x0  }
0x24: {  	s3 =	sadd.s32 $0x88, s3;
	s6 =	simm.s32 @!p1 $0x1082;
	[sflag:s4] =	ssyncset.s32 $0xFFFFF086  }
0x25: {  	[simem:s6], [sflag:s4] =	dma.local [hbm:s3], $0xF7A  }
0x26: {  	[smem:$0x3F80] =	sst s1;
	(tag) =	ssettag s2;
	_ =	strace s9  }
0x27: {  	s1 =	sld [smem:$0x3F90]  }
0x28: {  	s2 =	sld [smem:$0x3F91]  }
0x29: {  	s4 =	sld [smem:$0x3F93]  }
0x2a: {  	p0 =	seq.s32 s5, $0x0;
	s5 =	sld [smem:$0x3F94]  }
0x2b: {  	s6 =	sld [smem:$0x3F95]  }
0x2c: {  	s7 =	sld [smem:$0x3F96]  }
0x2d: {  	s3 =	simm.s32 $0x108;
	s8 =	sld [smem:$0x3F97]  }
0x2e: {  	s3 =	simm.s32 @!p0 $0x1082;
	s9 =	sld [smem:$0x3F98]  }
0x2f: {  	lr =	sadd.s32 s0, s3;
	s0 =	sld [smem:$0x3F8F]  }
0x30: {  	s3 =	sld [smem:$0x3F92]  }
0x31: {  	[smem:$0x3F9B] =	sst s10  }
0x32: {  	s10 =	sld [smem:$0x3F99];
	_ =	sdelay $0x3  }
0x33: {  	p0 =	seq.s32 s10, $0x1;
	s10 =	sld [smem:$0x3F9B];
	_ =	sdelay $0x3  }
0x34: {  	[smem:$0x3F9B] =	sst s10  }
0x35: {  	s10 =	sld [smem:$0x3F9A];
	_ =	sdelay $0x3  }
0x36: {  	p1 =	seq.s32 s10, $0x1;
	s10 =	sld [smem:$0x3F9B];
	_ =	sdelay $0x3  }
0x37: {  	[smem:$0x3F9B] =	sst s10  }
0x38: {  	s10 =	sld [smem:$0x3F9C]  }
0x39: {  	_ = 	snop;
	(pc) =	sbr.ind lr, $3  }
0x3a: {  	_ = 	snop  }
0x3b: {  	_ = 	snop  }
0x3c: {  	p2 =	seq.s32 s10, $0x1;
	s10 =	sld [smem:$0x3F9B]  }
0x3d: {  	_ =	shalt  }
0x3e: {  	_ =	shalt  }
0x3f: {  	_ =	shalt  }
0x40: {  	_ =	shalt  }
0x41: {  	_ =	shalt  }
0x42: {  	_ =	shalt  }
0x43: {  	_ =	shalt  }
0x44: {  	_ =	shalt  }
0x45: {  	_ =	shalt  }
0x46: {  	_ =	shalt  }
0x47: {  	_ =	shalt  }
0x48: {  	_ =	shalt  }
0x49: {  	_ =	shalt  }
0x4a: {  	_ =	shalt  }
0x4b: {  	_ =	shalt  }
0x4c: {  	_ =	shalt  }
0x4d: {  	_ =	shalt  }
0x4e: {  	_ =	shalt  }
0x4f: {  	_ =	shalt  }
0x50: {  	_ =	shalt  }
0x51: {  	_ =	shalt  }
0x52: {  	_ =	shalt  }
0x53: {  	_ =	shalt  }
0x54: {  	_ =	shalt  }
0x55: {  	_ =	shalt  }
0x56: {  	_ =	shalt  }
0x57: {  	_ =	shalt  }
0x58: {  	_ =	shalt  }
0x59: {  	_ =	shalt  }
0x5a: {  	_ =	shalt  }
0x5b: {  	_ =	shalt  }
0x5c: {  	_ =	shalt  }
0x5d: {  	_ =	shalt  }
0x5e: {  	_ =	shalt  }
0x5f: {  	_ =	shalt  }
0x60: {  	_ =	shalt  }
0x61: {  	_ =	shalt  }
0x62: {  	_ =	shalt  }
0x63: {  	_ =	shalt  }
0x64: {  	_ =	shalt  }
0x65: {  	_ =	shalt  }
0x66: {  	_ =	shalt  }
0x67: {  	_ =	shalt  }
0x68: {  	_ =	shalt  }
0x69: {  	_ =	shalt  }
0x6a: {  	_ =	shalt  }
0x6b: {  	_ =	shalt  }
0x6c: {  	_ =	shalt  }
0x6d: {  	_ =	shalt  }
0x6e: {  	_ =	shalt  }
0x6f: {  	_ =	shalt  }
0x70: {  	_ =	shalt  }
0x71: {  	_ =	shalt  }
0x72: {  	_ =	shalt  }
0x73: {  	_ =	shalt  }
0x74: {  	_ =	shalt  }
0x75: {  	_ =	shalt  }
0x76: {  	_ =	shalt  }
0x77: {  	_ =	shalt  }
0x78: {  	_ =	shalt  }
0x79: {  	_ =	shalt  }
0x7a: {  	_ =	shalt  }
0x7b: {  	_ =	shalt  }
0x7c: {  	_ =	shalt  }
0x7d: {  	_ =	shalt  }
0x7e: {  	_ =	shalt  }
0x7f: {  	_ =	shalt  }
0x80: {  	_ =	shalt  }
0x81: {  	_ =	shalt  }
0x82: {  	_ =	shalt  }
0x83: {  	_ =	shalt  }
0x84: {  	_ =	shalt  }
0x85: {  	_ =	shalt  }
0x86: {  	_ =	shalt  }
0x87: {  	_ =	shalt  }
.Lfunc_end0:
.L_simem_size_0:
called_computation.1_lowered:
.L_overlay_start_0:
0x88: {  	s2 =	sld [smem:$0x3FD9]  }
0x89: {  	s3 =	sld [smem:$0x3FFE];
	_ =	sdelay $0x1  }
0x8a: {  	s1 =	srdreg.scid  }
0x8b: {  	s0 =	sand.u32 $0x1, s1  }
0x8c: {  	s16 =	sshll.u32 s0, $0xA;
	s2 =	sadd.s32 s3, s2  }
0x8d: {  	s2 =	sadd.s32 s2, s16  }
0x8e: {  	[smem:$0x3FA7] =	sst s2  }
0x8f: {  	_ = 	snop  }
0x90: {  	(tm) =	ssettm $0x1  }
0x91: {  	s17 =	sld [smem:$0x3FFB];
	_ =	sdelay $0x3  }
0x92: {  	_ =	strace s17  }
0x93: {  	s2 =	sld [smem:$0x3FFC];
	_ =	sdelay $0x3  }
0x94: {  	_ =	strace s2  }
0x95: {  	s2 =	sld [smem:$0x3FFD];
	_ =	sdelay $0x3  }
0x96: {  	_ =	strace s2  }
0x97: {  	_ =	strace $0x8FFFFFFF  }
0x98: {  	s18 =	sld [smem:$0x3FDB];
	_ =	sdelay $0x1  }
0x99: {  	s19 =	simm.s32 $_scs_section_size  }
0x9a: {  	s4 =	simm.s32 $_size__tile_overlayer_lowered;
	s5 =	simm.s32 $_tile_overlayer_lowered  }
0x9b: {  	s22 =	simm.s32 $0x1BFF;
	s21 =	sshll.u32 s5, $0x1;
	s2 =	sadd.s32 s19, s18  }
0x9c: {  	s6 =	simm.s32 $0x0;
	s20 =	sshll.u32 s4, $0x1;
	s4 =	sadd.s32 s21, s2  }
0x9d: {  	[timem:s6], [sflag:s22] =	dma.local [hbm:s4], s20  }
0x9e: {  	_ =	swait.ge [sflag:s22], s20  }
0x9f: {  	s3 =	ssub.s32 $0x0, s20;
	[sflag:s22] =	ssyncset.done $0x0  }
0xa0: {  	[sflag:s22] =	ssyncadd.s32 s3;
	_ =	sdelay $0x1  }
0xa1: {  	s23 =	simm.s32 $0x1B8B  }
0xa2: {  	_ =	swait.ge [sflag:s23], $0x1  }
0xa3: {  	[sflag:s23] =	ssyncset.done $0x0  }
0xa4: {  	s25 =	simm.s32 $0x1B8E;
	s24 =	sld [smem:$0x3FFE];
	[sflag:s23] =	ssyncadd.s32 $0xFFFFFFFF  }
0xa5: {  	s26 =	simm.s32 $execute0_lowered;
	[smem:$0x3FD2] =	sst s25  }
0xa6: {  	s4 =	sshll.u32 s26, $0x1;
	_ =	strace $0x80000046;
	[dreg:$0x1] =	wrdreg $0xFFFFFFFF  }
0xa7: {  	s28 =	simm.s32 $_size_execute0_lowered;
	s2 =	sadd.s32 s2, s4;
	[dreg:$0x0] =	wrdreg $0x0  }
0xa8: {  	s4 =	sshll.u32 s28, $0x1;
	[dreg:$0x2] =	wrdreg s2  }
0xa9: {  	[dreg:$0x3] =	wrdreg s4  }
0xaa: {  	[dreg:$0x4] =	wrdreg $0xC0  }
0xab: {  	_ =	task [dreg:s6], $0x5FFFF  }
0xac: {  	[dreg:$0x1] =	wrdreg $0xFFFFFFFF  }
0xad: {  	[dreg:$0x0] =	wrdreg $0x60  }
0xae: {  	[dreg:$0x2] =	wrdreg s24  }
0xaf: {  	[dreg:$0x3] =	wrdreg $0x9  }
0xb0: {  	_ =	task.clear_ibuf [dreg:s6], $0x4FFFF;
	_ =	strace $0x90000046  }
0xb1: {  	s29 =	simm.s32 $0x9;
	_ =	strace $0x80000048  }
0xb2: {  	_ =	swait.ge [sflag:s29], $0x1  }
0xb3: {  	[sflag:s29] =	ssyncadd.s32 $0xFFFFFFFF  }
0xb4: {  	_ =	strace $0x90000048  }
0xb5: {  	_ =	sfence  }
0xb6: {  	s30 =	sld [smem:$0x0];
	_ =	sdelay $0x2  }
0xb7: {  	s31 =	sshll.u32 s1, $0xD;
	s1 =	sshrl.u32 s1, $0x2  }
0xb8: {  	s3 =	sand.u32 $0x4000, s31;
	s1 =	sadd.s32 s1, s30  }
0xb9: {  	s0 =	sor.u32 s3, s0;
	s1 =	sshll.u32 s1, $0x11  }
0xba: {  	s0 =	sor.u32 s1, s0  }
0xbb: {  	s0 =	sadd.s32 $0x8F2B, s0  }
0xbc: {  	[sflag:s0] =	ssyncadd.remote.s32 $0x1  }
0xbd: {  	_ =	sfence.sel $0xFFFF  }
0xbe: {  	[dreg:$0x0] =	wrdreg $0xFFFFFFFF;
	(pc) =	sbr.abs _section_cstart, $3  }
0xbf: {  	[dreg:$0x1] =	wrdreg $0xFFFFFFFF  }
0xc0: {  	_ =	task.clear_ibuf [dreg:s6], $0x2FFFF;
	_ =	strace $0x9FFFFFFF  }
0xc1: {  	(tm) =	ssettm $0x7FFFFFFF  }
tec
execute0_lowered:
.L_overlay_start_1:
0x0: {  	(tag) =	ssettag $0x1  }
0x1: {  	s0 =	srdreg.scid  }
0x2: {  	s1 =	sshll.u32 s0, $0x4  }
0x3: {  	s0 =	stileid.u32;
	s1 =	sand.u32 $0x10, s1  }
0x4: {  	s1 =	sor.u32 s0, s1  }
0x5: {  	s9 =	rddreg [dreg:$0x0];
	s6 =	simm.s32 $0x1;
	s2 =	smin.u32 s1, $0x8  }
0x6: {  	p0 =	slt.u32 s1, $0x8;
	s2 =	sadd.s32 s1, s2;
	s1 =	simm.s32 $0x40  }
0x7: {  	s7 =	simm.s32 $0x2;
	s2 =	sshll.u32 s2, $0x5;
	s1 =	simm.s32 @!p0 $0x20  }
0x8: {  	s10 =	simm.s32 $0x3;
	s13 =	simm.s32 $0x0;
	s3 =	sadd.s32 s1, s2  }
0x9: {  	s12 =	simm.s32 $0x0;
	s4 =	sadd.s32 $0x6C00, s9;
	s3 =	smin.u32 s3, $0x500  }
.Ltmp0:
0xa: {  	s5 =	sadd.s32 $0x6A00, s9;
	s8 =	ssub.s32 s3, s2;
	(pc) =	sbr.rel .LBB2_1-.Ltmp0, $4  }
0xb: {  	s1 =	rddreg [dreg:$0x1];
	_ =	strace $0x80000047;
	p0 =	sgt.s32 s8, $0x0  }
0xc: {  	s9 =	sadd.s32 $0x10C00, s9;
	[sflag:s6] =	ssyncpa.u1 $0x0;
	s8 =	simm.s32 @!p0 $0x0  }
0xd: {  	s11 =	smov.u32 s2;
	[sflag:s7] =	ssyncpa.u1 $0x0;
	s8 =	sshrl.u32 s8, $0x5  }
0xe: {  	vm0 =	vmmov $0xff;
	vm1 =	vcmask $0x3F20;
	[sflag:s10] =	ssyncpa.u1 $0x0;
	p0 =	por $0x0, $0x0;
	s10 =	sadd.s32 $0x1, s8  }
.LBB2_6:
0xf: {  	[hbm:s17] =	stream.linear.scatter [tilespmem:s14], [sflag:$0x3], $0x400, $0x38;
	[tilespmem:$0x2040] =	vst v63  }
.LBB2_7:
0x10: {  	s13 =	sadd.s32 $0x20, s11  }
0x11: {  	s15 =	smov.u32 s2;
	p2 =	slt.s32 s13, s3  }
0x12: {  	s15 =	smov.u32 @p2 s13;
	p2 =	sne.s32 s12, s10  }
.Ltmp1:
0x13: {  	p1 =	slt.u32 s12, $0x2;
	(pc) =	sbr.rel @!p2 .LBB2_8-.Ltmp1, $4  }
0x14: {  	s14 =	simm.s32 @!p1 $0x3  }
0x15: {  	s16 =	sadd.s32 $0x1, s12;
	_ =	swait.ge @!p1 [sflag:s14], $0x1000  }
0x16: {  	p0 =	por !p0, !p0;
	s13 =	smov.u32 s11;
	[sflag:s14] =	ssyncset.done @!p1 $0x0  }
0x17: {  	s12 =	smov.u32 s16;
	s11 =	smov.u32 s15;
	[sflag:s14] =	ssyncadd.s32 @!p1 $0xFFFFF000  }
.LBB2_1:
0x18: {  	p1 =	sge.u32 s12, s8  }
0x19: {  	s14 =	sxor.u32 @!p1 $0xFFFFFFFF, s12  }
0x1a: {  	s31 =	sadd.s32 $0xFFFFFFFF, s12;
	s15 =	sshrl.u32 @!p1 s11, $0x3;
	s14 =	sshll.u32 @!p1 s14, $0x5  }
0x1b: {  	s16 =	sand.u32 @!p1 $0x7, s11;
	s15 =	sadd.s32 @!p1 s5, s15;
	s14 =	sand.u32 @!p1 $0x20, s14  }
0x1c: {  	[tilespmem:s14], [sflag:$0x2] =	stream.linear.gather @!p1 [hbm4b:s15+s16], $0x20, $0x38;
	[tilespmem:$0x2040] =	vst v63  }
0x1d: {  	p1 =	sge.u32 s31, s8  }
.Ltmp2:
0x1e: {  	_ = 	snop;
	(pc) =	sbr.rel @p1 .LBB2_7-.Ltmp2, $1  }
0x1f: {  	_ =	sdelay $0x3  }
0x20: {  	s14 =	simm.s32 $0x1  }
0x21: {  	_ =	swait.ge [sflag:s7], $0x20;
	s16 =	sand.u32 $0x1, s12;
	s17 =	simm.s32 $0x0  }
0x22: {  	p1 =	por $0x1, $0x1;
	s14 =	simm.s32 @!p0 $0x0;
	[sflag:s7] =	ssyncset.done $0x0  }
0x23: {  	s15 =	sshll.u32 s16, $0x5;
	s16 =	sshll.u32 s16, $0xC;
	s14 =	sshll.u32 s14, $0xC  }
0x24: {  	[sflag:s7] =	ssyncadd.s32 $0xFFFFFFE0;
	s16 =	sor.u32 $0x40, s16;
	s14 =	sor.u32 $0x40, s14  }
.LBB2_3:
0x25: {  	s18 =	sshll.u32 s17, $0x4  }
0x26: {  	s18 =	sand.u32 $0x3FFFFFF0, s18  }
0x27: {  	s18 =	sadd.s32 s18, s15  }
0x28: {  	v0 =	vld.msk [tilespmem:s18+$0x0 ss:$0x1], $0xffff;
	_ =	sdelay $0x4  }
0x29: {  	vm2 =	vgt.s32 v0, $0x0  }
0x2a: {  	v0 =	vnsel vm2, $0x0, v0  }
0x2b: {  	v0 =	vmin.u32 v0, $0x4E1  }
0x2c: {  	v0 =	vshll.u32 v0, $0x4;
	_ =	sdelay $0x1  }
0x2d: {  	s31 =	sshll.u32 s17, $0xB  }
0x2e: {  	p2 =	por p1, p1;
	s17 =	sand.u32 $0x3FFFF800, s31  }
.Ltmp3:
0x2f: {  	s17 =	sadd.s32 s17, s16;
	(pc) =	sbr.rel @p2 .LBB2_3-.Ltmp3, $4  }
0x30: {  	[tilespmem:s17], [sflag:$0x1] =	stream.indirect_vreg.gather [hbm:s4], $0x80, v0, vm0, $0x38;
	[tilespmem:$0x2040] =	vst v63  }
0x31: {  	s17 =	sadd.s32 $0x400, s17  }
0x32: {  	[tilespmem:s17], [sflag:$0x1] =	stream.indirect_vreg.gather [hbm:s4], $0x80, v0, vm1, $0x38;
	[tilespmem:$0x2040] =	vst v63  }
0x33: {  	p1 =	por $0x0, $0x0;
	s17 =	simm.s32 $0x1  }
0x34: {  	_ =	swait.ge [sflag:s6], $0x1000;
	s13 =	sshll.u32 s13, $0x4  }
0x35: {  	s15 =	simm.s32 $0x80;
	[sflag:s6] =	ssyncset.done $0x0;
	s13 =	sadd.s32 s13, s9  }
0x36: {  	s16 =	sadd.s32 $0x400, s14;
	[sflag:s6] =	ssyncadd.s32 $0xFFFFF000;
	s17 =	sadd.s32 $0x0, s13  }
.LBB2_5:
0x37: {  	[hbm:s17] =	stream.linear.scatter [tilespmem:s14], [sflag:$0x3], $0x400, $0x38;
	[tilespmem:$0x2040] =	vst v63  }
0x38: {  	s17 =	smov.u32 s15;
	s14 =	smov.u32 s16;
	p1 =	sne.s32 s15, $0x180  }
.Ltmp4:
0x39: {  	s15 =	sadd.s32 $0x80, s15;
	(pc) =	sbr.rel @p1 .LBB2_5-.Ltmp4, $2  }
0x3a: {  	_ =	sdelay $0x2  }
0x3b: {  	s16 =	sadd.s32 $0x400, s16;
	s17 =	sadd.s32 s17, s13  }
.Ltmp5:
0x3c: {  	_ = 	snop;
	(pc) =	sbr.rel .LBB2_6-.Ltmp5, $1  }
0x3d: {  	_ =	sdelay $0x3  }
.LBB2_8:
0x3e: {  	_ =	sfence.sel $0x180000  }
0x3f: {  	s2 =	simm.s32 $0x2;
	[bflag:$0x0] =	sbarrier.arrive $0xFFFF  }
0x40: {  	s30 =	simm.s32 $0x3;
	[sflag:s2] =	ssyncpa.u1 $0x1  }
0x41: {  	s31 =	simm.s32 $0x1;
	[sflag:s30] =	ssyncpa.u1 $0x1  }
0x42: {  	[sflag:s31] =	ssyncpa.u1 $0x1  }
0x43: {  	p0 =	sne.s32 s0, $0x0;
	_ =	strace $0x90000047  }
0x44: {  	s0 =	sadd.s32 @!p0 $0x100000, s1;
	[bflag:$0x2] =	sbarrier.arrive $0xFFFF  }
0x45: {  	[sflag:s0] =	ssyncadd.tile.s32 @!p0 $0x1;
	_ =	shalt  }
.Lfunc_end2:
_tile_overlayer_lowered:
.L_overlay_start_2:
0x46: {  	(tag) =	ssettag $0x2  }
0x47: {  	s0 =	rddreg [dreg:$0x0];
	s2 =	stileid.u32  }
0x48: {  	s1 =	rddreg [dreg:$0x1];
	p0 =	sne.s32 s2, $0x0  }
0x49: {  	s3 =	rddreg [dreg:$0x2];
	[bflag:$0x3] =	sbarrier.arrive $0xFFFF;
	s2 =	simm.s32 @!p0 $0x1C01  }
0x4a: {  	[timem:s3], [sflag:s2] =	dma.local @!p0 [hbm:s0], s1  }
0x4b: {  	s0 =	simm.s32 @!p0 $0x1  }
0x4c: {  	_ =	swait.ge @!p0 [sflag:s0], s1  }
0x4d: {  	s1 =	ssub.s32 @!p0 $0x0, s1;
	[sflag:s0] =	ssyncset.done @!p0 $0x0  }
0x4e: {  	[sflag:s0] =	ssyncadd.s32 @!p0 s1  }
0x4f: {  	[bflag:$0x3] =	sbarrier.arrive $0xFFFF  }
0x50: {  	_ =	shalt  }

// kernel: kernel.12.cloned.1.call-start
scs
__scs_entry_jumppad:
0x0: {  	(pc) =	sbr.rel $0x88, $3  }
0x1: {  	(tag) =	ssettag $0x0;
	lr =	simm.s32 $0x1  }
0x2: {  	[smem:$0x3F80] =	sst lr;
	_ =	strace $0xD0000000  }
0x3: {  	_ = 	snop  }
0x4: {  	_ = 	snop  }
0x5: {  	_ = 	snop  }
0x6: {  	_ = 	snop  }
0x7: {  	_ = 	snop  }
__scs_overlays_trampoline_lowered:
0x8: {  	[smem:$0x3F8F] =	sst s0  }
0x9: {  	[smem:$0x3F90] =	sst s1  }
0xa: {  	[smem:$0x3F91] =	sst s2  }
0xb: {  	[smem:$0x3F92] =	sst s3  }
0xc: {  	[smem:$0x3F93] =	sst s4  }
0xd: {  	[smem:$0x3F94] =	sst s5  }
0xe: {  	[smem:$0x3F95] =	sst s6  }
0xf: {  	[smem:$0x3F96] =	sst s7  }
0x10: {  	[smem:$0x3F97] =	sst s8  }
0x11: {  	[smem:$0x3F98] =	sst s9;
	s0 =	simm.s32 @!p0 $0x0  }
0x12: {  	s1 =	sld [smem:$0x3F7E];
	s0 =	simm.s32 @p0 $0x1  }
0x13: {  	[smem:$0x3F99] =	sst s0;
	s0 =	simm.s32 @!p1 $0x0  }
0x14: {  	s2 =	sld [smem:$0x3F7D];
	s0 =	simm.s32 @p1 $0x1  }
0x15: {  	[smem:$0x3F9A] =	sst s0;
	s0 =	simm.s32 @!p2 $0x0  }
0x16: {  	s3 =	sld [smem:$0x3FDB];
	s0 =	simm.s32 @p2 $0x1  }
0x17: {  	s4 =	simm.s32 $0x1BF5;
	[smem:$0x3F9C] =	sst s0  }
0x18: {  	s0 =	sld [smem:$0x3F7F];
	_ =	swait.ge [sflag:s4], $0x0  }
0x19: {  	s7 =	sld [smem:$0x3F80]  }
0x1a: {  	s8 =	sadd.s32 $0xFFFFE003, lr  }
0x1b: {  	s9 =	sadd.s32 $0xFFFFFEF7, lr;
	s5 =	simm.s32 $0xFFFFFFFF;
	p2 =	slt.u32 s8, $0xFFFFF086  }
0x1c: {  	p1 =	slt.u32 s9, $0xF7A;
	s5 =	simm.s32 @!p2 $0x0  }
0x1d: {  	s5 =	simm.s32 @p1 $0x1;
	p0 =	seq.s32 s7, s2  }
0x1e: {  	s7 =	smul.u32 @!p0 $0xF7A, s2;
	p2 =	seq.s32 @!p0 s5, $0x0  }
0x1f: {  	s9 =	smul.u32 $0xF7A, s1;
	s8 =	simm.s32 @!p0 $0x1BF5;
	p2 =	por !p2, p0  }
0x20: {  	[sflag:s8] =	ssyncset.s32 @!p0 $0xFFFFF086;
	s6 =	sadd.s32 @!p0 s3, s7;
	s7 =	simm.s32 @!p0 $0x108  }
0x21: {  	s3 =	sadd.s32 s3, s9;
	s6 =	sadd.s32 @!p0 $0x88, s6;
	s7 =	simm.s32 @p2 $0x1082  }
0x22: {  	[simem:s7], [sflag:s8] =	dma.local @!p0 [hbm:s6], $0xF7A  }
0x23: {  	s9 =	sor.u32 $0xD0000000, s2;
	s6 =	simm.s32 $0x108;
	_ =	swait.ge @!p0 [sflag:s8], $0x0  }
0x24: {  	s3 =	sadd.s32 $0x88, s3;
	s6 =	simm.s32 @!p1 $0x1082;
	[sflag:s4] =	ssyncset.s32 $0xFFFFF086  }
0x25: {  	[simem:s6], [sflag:s4] =	dma.local [hbm:s3], $0xF7A  }
0x26: {  	[smem:$0x3F80] =	sst s1;
	(tag) =	ssettag s2;
	_ =	strace s9  }
0x27: {  	s1 =	sld [smem:$0x3F90]  }
0x28: {  	s2 =	sld [smem:$0x3F91]  }
0x29: {  	s4 =	sld [smem:$0x3F93]  }
0x2a: {  	p0 =	seq.s32 s5, $0x0;
	s5 =	sld [smem:$0x3F94]  }
0x2b: {  	s6 =	sld [smem:$0x3F95]  }
0x2c: {  	s7 =	sld [smem:$0x3F96]  }
0x2d: {  	s3 =	simm.s32 $0x108;
	s8 =	sld [smem:$0x3F97]  }
0x2e: {  	s3 =	simm.s32 @!p0 $0x1082;
	s9 =	sld [smem:$0x3F98]  }
0x2f: {  	lr =	sadd.s32 s0, s3;
	s0 =	sld [smem:$0x3F8F]  }
0x30: {  	s3 =	sld [smem:$0x3F92]  }
0x31: {  	[smem:$0x3F9B] =	sst s10  }
0x32: {  	s10 =	sld [smem:$0x3F99];
	_ =	sdelay $0x3  }
0x33: {  	p0 =	seq.s32 s10, $0x1;
	s10 =	sld [smem:$0x3F9B];
	_ =	sdelay $0x3  }
0x34: {  	[smem:$0x3F9B] =	sst s10  }
0x35: {  	s10 =	sld [smem:$0x3F9A];
	_ =	sdelay $0x3  }
0x36: {  	p1 =	seq.s32 s10, $0x1;
	s10 =	sld [smem:$0x3F9B];
	_ =	sdelay $0x3  }
0x37: {  	[smem:$0x3F9B] =	sst s10  }
0x38: {  	s10 =	sld [smem:$0x3F9C]  }
0x39: {  	_ = 	snop;
	(pc) =	sbr.ind lr, $3  }
0x3a: {  	_ = 	snop  }
0x3b: {  	_ = 	snop  }
0x3c: {  	p2 =	seq.s32 s10, $0x1;
	s10 =	sld [smem:$0x3F9B]  }
0x3d: {  	_ =	shalt  }
0x3e: {  	_ =	shalt  }
0x3f: {  	_ =	shalt  }
0x40: {  	_ =	shalt  }
0x41: {  	_ =	shalt  }
0x42: {  	_ =	shalt  }
0x43: {  	_ =	shalt  }
0x44: {  	_ =	shalt  }
0x45: {  	_ =	shalt  }
0x46: {  	_ =	shalt  }
0x47: {  	_ =	shalt  }
0x48: {  	_ =	shalt  }
0x49: {  	_ =	shalt  }
0x4a: {  	_ =	shalt  }
0x4b: {  	_ =	shalt  }
0x4c: {  	_ =	shalt  }
0x4d: {  	_ =	shalt  }
0x4e: {  	_ =	shalt  }
0x4f: {  	_ =	shalt  }
0x50: {  	_ =	shalt  }
0x51: {  	_ =	shalt  }
0x52: {  	_ =	shalt  }
0x53: {  	_ =	shalt  }
0x54: {  	_ =	shalt  }
0x55: {  	_ =	shalt  }
0x56: {  	_ =	shalt  }
0x57: {  	_ =	shalt  }
0x58: {  	_ =	shalt  }
0x59: {  	_ =	shalt  }
0x5a: {  	_ =	shalt  }
0x5b: {  	_ =	shalt  }
0x5c: {  	_ =	shalt  }
0x5d: {  	_ =	shalt  }
0x5e: {  	_ =	shalt  }
0x5f: {  	_ =	shalt  }
0x60: {  	_ =	shalt  }
0x61: {  	_ =	shalt  }
0x62: {  	_ =	shalt  }
0x63: {  	_ =	shalt  }
0x64: {  	_ =	shalt  }
0x65: {  	_ =	shalt  }
0x66: {  	_ =	shalt  }
0x67: {  	_ =	shalt  }
0x68: {  	_ =	shalt  }
0x69: {  	_ =	shalt  }
0x6a: {  	_ =	shalt  }
0x6b: {  	_ =	shalt  }
0x6c: {  	_ =	shalt  }
0x6d: {  	_ =	shalt  }
0x6e: {  	_ =	shalt  }
0x6f: {  	_ =	shalt  }
0x70: {  	_ =	shalt  }
0x71: {  	_ =	shalt  }
0x72: {  	_ =	shalt  }
0x73: {  	_ =	shalt  }
0x74: {  	_ =	shalt  }
0x75: {  	_ =	shalt  }
0x76: {  	_ =	shalt  }
0x77: {  	_ =	shalt  }
0x78: {  	_ =	shalt  }
0x79: {  	_ =	shalt  }
0x7a: {  	_ =	shalt  }
0x7b: {  	_ =	shalt  }
0x7c: {  	_ =	shalt  }
0x7d: {  	_ =	shalt  }
0x7e: {  	_ =	shalt  }
0x7f: {  	_ =	shalt  }
0x80: {  	_ =	shalt  }
0x81: {  	_ =	shalt  }
0x82: {  	_ =	shalt  }
0x83: {  	_ =	shalt  }
0x84: {  	_ =	shalt  }
0x85: {  	_ =	shalt  }
0x86: {  	_ =	shalt  }
0x87: {  	_ =	shalt  }
.Lfunc_end0:
.L_simem_size_0:
called_computation.4_lowered:
.L_overlay_start_0:
0x88: {  	s2 =	sld [smem:$0x3FD9]  }
0x89: {  	s3 =	sld [smem:$0x3FFE];
	_ =	sdelay $0x1  }
0x8a: {  	s1 =	srdreg.scid  }
0x8b: {  	s0 =	sand.u32 $0x1, s1  }
0x8c: {  	s17 =	sshll.u32 s0, $0xA;
	s2 =	sadd.s32 s3, s2  }
0x8d: {  	s2 =	sadd.s32 s2, s17  }
0x8e: {  	[smem:$0x3FA7] =	sst s2  }
0x8f: {  	_ = 	snop  }
0x90: {  	s2 =	sld [smem:$0x3FD0];
	(tm) =	ssettm $0x1  }
0x91: {  	s18 =	sld [smem:$0x3FFB];
	_ =	sdelay $0x3  }
0x92: {  	_ =	strace s18  }
0x93: {  	s3 =	sld [smem:$0x3FFC];
	_ =	sdelay $0x3  }
0x94: {  	_ =	strace s3  }
0x95: {  	s3 =	sld [smem:$0x3FFD];
	_ =	sdelay $0x3  }
0x96: {  	_ =	strace s3  }
0x97: {  	_ =	strace $0x8FFFFFFF  }
0x98: {  	s19 =	sld [smem:$0x3FDB];
	_ =	sdelay $0x1  }
0x99: {  	s4 =	simm.s32 $_scs_section_size  }
0x9a: {  	s5 =	simm.s32 $_size__tile_overlayer_lowered;
	s6 =	simm.s32 $_tile_overlayer_lowered  }
0x9b: {  	s22 =	simm.s32 $0x1BFF;
	s21 =	sshll.u32 s6, $0x1;
	s3 =	sadd.s32 s4, s19  }
0x9c: {  	s7 =	simm.s32 $0x0;
	s20 =	sshll.u32 s5, $0x1;
	s5 =	sadd.s32 s21, s3  }
0x9d: {  	[timem:s7], [sflag:s22] =	dma.local [hbm:s5], s20  }
0x9e: {  	_ =	swait.ge [sflag:s22], s20  }
0x9f: {  	s4 =	ssub.s32 $0x0, s20;
	[sflag:s22] =	ssyncset.done $0x0  }
0xa0: {  	[sflag:s22] =	ssyncadd.s32 s4;
	_ =	sdelay $0x1  }
0xa1: {  	s23 =	simm.s32 $0x1B8B  }
0xa2: {  	_ =	swait.ge [sflag:s23], $0x1  }
0xa3: {  	[sflag:s23] =	ssyncset.done $0x0  }
0xa4: {  	s25 =	simm.s32 $0x1B8E;
	s24 =	sld [smem:$0x3FFE];
	[sflag:s23] =	ssyncadd.s32 $0xFFFFFFFF  }
0xa5: {  	s26 =	simm.s32 $execute0_lowered;
	[smem:$0x3FD2] =	sst s25  }
0xa6: {  	s5 =	sshll.u32 s26, $0x1;
	_ =	strace $0x8000004F;
	[dreg:$0x1] =	wrdreg $0xFFFFFFFF  }
0xa7: {  	s28 =	simm.s32 $_size_execute0_lowered;
	s3 =	sadd.s32 s3, s5;
	[dreg:$0x0] =	wrdreg $0x0  }
0xa8: {  	s5 =	sshll.u32 s28, $0x1;
	[dreg:$0x2] =	wrdreg s3  }
0xa9: {  	[dreg:$0x3] =	wrdreg s5  }
0xaa: {  	[dreg:$0x4] =	wrdreg $0xC0  }
0xab: {  	_ =	task [dreg:s7], $0x5FFFF  }
0xac: {  	[dreg:$0x1] =	wrdreg $0xFFFFFFFF  }
0xad: {  	[dreg:$0x0] =	wrdreg $0x60  }
0xae: {  	[dreg:$0x2] =	wrdreg s24  }
0xaf: {  	[dreg:$0x3] =	wrdreg s2  }
0xb0: {  	[dreg:$0x4] =	wrdreg $0x128000  }
0xb1: {  	[dreg:$0x5] =	wrdreg $0x9  }
0xb2: {  	_ =	task.clear_ibuf [dreg:s7], $0x6FFFF;
	_ =	strace $0x9000004F  }
0xb3: {  	s29 =	simm.s32 $0x9;
	_ =	strace $0x80000051  }
0xb4: {  	_ =	swait.ge [sflag:s29], $0x1  }
0xb5: {  	[sflag:s29] =	ssyncadd.s32 $0xFFFFFFFF  }
0xb6: {  	_ =	strace $0x90000051  }
0xb7: {  	_ =	sfence  }
0xb8: {  	s30 =	sld [smem:$0x0];
	_ =	sdelay $0x2  }
0xb9: {  	s31 =	sshll.u32 s1, $0xD;
	s1 =	sshrl.u32 s1, $0x2  }
0xba: {  	s3 =	sand.u32 $0x4000, s31;
	s1 =	sadd.s32 s1, s30  }
0xbb: {  	s0 =	sor.u32 s3, s0;
	s1 =	sshll.u32 s1, $0x11  }
0xbc: {  	s0 =	sor.u32 s1, s0  }
0xbd: {  	s0 =	sadd.s32 $0x8F2B, s0  }
0xbe: {  	[sflag:s0] =	ssyncadd.remote.s32 $0x1  }
0xbf: {  	_ =	sfence.sel $0xFFFF  }
0xc0: {  	[dreg:$0x0] =	wrdreg $0xFFFFFFFF;
	(pc) =	sbr.abs _section_cstart, $3  }
0xc1: {  	[dreg:$0x1] =	wrdreg $0xFFFFFFFF  }
0xc2: {  	_ =	task.clear_ibuf [dreg:s7], $0x2FFFF;
	_ =	strace $0x9FFFFFFF  }
0xc3: {  	(tm) =	ssettm $0x7FFFFFFF  }
tec
execute0_lowered:
.L_overlay_start_1:
0x0: {  	(tag) =	ssettag $0x1  }
0x1: {  	s6 =	rddreg [dreg:$0x0]  }
0x2: {  	s13 =	rddreg [dreg:$0x1]  }
0x3: {  	s1 =	rddreg [dreg:$0x2]  }
0x4: {  	s3 =	simm.s32 $0x0;
	s4 =	srdreg.scid;
	s2 =	stileid.u32  }
0x5: {  	s16 =	simm.s32 $0x1400;
	s17 =	simm.s32 $0x2800;
	s18 =	simm.s32 $0x80  }
0x6: {  	s19 =	simm.s32 $0x6800;
	s20 =	simm.s32 $0x1;
	s21 =	simm.s32 $0x4  }
0x7: {  	s22 =	simm.s32 $0xE800;
	s23 =	simm.s32 $0x2;
	s24 =	simm.s32 $0x0  }
0x8: {  	[smem:$0x7FF] =	sst s3;
	s7 =	sand.u32 $0x1, s4;
	s29 =	smul.u32 $0x28000, s2  }
0x9: {  	s28 =	sshll.u32 s2, $0x1;
	s4 =	sadd.s32 $0x1AC00, s6;
	s15 =	smul.u32 $0xA000, s2  }
0xa: {  	s5 =	sadd.s32 $0x2EA00, s6;
	s8 =	sor.u32 s7, s28;
	s30 =	smul.u32 $0xA0000, s7  }
0xb: {  	p0 =	seq.s32 s2, $0x0;
	s10 =	ssub.s32 $0x2, s7;
	s9 =	smul.u32 $0x280, s8  }
0xc: {  	_ =	strace $0x80000050;
	s11 =	sshrl.u32 s10, $0x1;
	s12 =	smul.u32 $0x27, s8  }
0xd: {  	s31 =	smin.u32 s8, $0x2;
	s14 =	ssub.s32 s10, s11;
	s10 =	sshrl.u32 s29, $0x2  }
.Ltmp0:
0xe: {  	s15 =	sadd.s32 s15, s30;
	s9 =	sadd.s32 s9, s6;
	(pc) =	sbr.rel .LBB2_1-.Ltmp0, $4  }
0xf: {  	s6 =	simm.s32 $0x28;
	s7 =	sadd.s32 s31, s12;
	s10 =	sadd.s32 s10, s1  }
0x10: {  	s15 =	sshrl.u32 s15, $0x3;
	s14 =	smax.u32 s14, $0x1;
	s6 =	simm.s32 @!p0 $0x27  }
0x11: {  	s8 =	sadd.s32 $0x10C00, s9;
	s9 =	sadd.s32 $0x15C00, s9;
	s11 =	sadd.s32 $0x4000, s10  }
0x12: {  	v0 =	vimm.f32 $0.0e+00;
	v1 =	vimm.f32 $1.000000000e+00;
	s12 =	sadd.s32 $0x8000, s10;
	s13 =	sadd.s32 s13, s15;
	s15 =	simm.s32 $0x3  }
.LBB2_15:
0x13: {  	s24 =	sadd.s32 $0x1, s24  }
0x14: {  	s0 =	sshll.u32 s2, $0x6;
	[bflag:$0x0] =	sbarrier.arrive $0xFFFF;
	p0 =	sne.s32 s24, s14  }
.Ltmp1:
0x15: {  	s25 =	sshrl.u32 s10, $0x3;
	s0 =	sor.u32 $0x1C03, s0;
	(pc) =	sbr.rel @!p0 .LBB2_16-.Ltmp1, $4  }
0x16: {  	[hbm:s13], [sflag:s0] =	dma.local [spmem:s25], $0x1400  }
0x17: {  	_ =	swait.ge [sflag:s15], $0x1400  }
0x18: {  	[sflag:s15] =	ssyncset.done $0x0  }
0x19: {  	[sflag:s15] =	ssyncadd.s32 $0xFFFFEC00  }
.LBB2_1:
0x1a: {  	[tilespmem:s3], [sflag:$0x3] =	stream.linear.gather [hbm4b:s8+s3], $0x1400, $0x38;
	[tilespmem:$0x1C800] =	vst v63  }
0x1b: {  	_ =	swait.ge [sflag:s15], $0x1400  }
0x1c: {  	[sflag:s15] =	ssyncset.done $0x0  }
0x1d: {  	[sflag:s15] =	ssyncadd.s32 $0xFFFFEC00  }
0x1e: {  	[tilespmem:s16], [sflag:$0x3] =	stream.linear.gather [hbm4b:s9+s3], $0x1400, $0x38;
	[tilespmem:$0x1C800] =	vst v63  }
0x1f: {  	_ =	swait.ge [sflag:s15], $0x1400  }
0x20: {  	[sflag:s15] =	ssyncset.done $0x0  }
0x21: {  	s25 =	simm.s32 $0x0;
	s26 =	simm.s32 $0x200;
	[sflag:s15] =	ssyncadd.s32 $0xFFFFEC00  }
.LBB2_2:
0x22: {  	p0 =	sne.s32 s26, $0xFE00;
	[tilespmem:s25+$0x2870] =	vst v0  }
0x23: {  	[tilespmem:s25+$0x2800] =	vst v0  }
0x24: {  	[tilespmem:s25+$0x2810] =	vst v0  }
.Ltmp2:
0x25: {  	[tilespmem:s25+$0x2820] =	vst v0;
	(pc) =	sbr.rel @p0 .LBB2_2-.Ltmp2, $4  }
0x26: {  	[tilespmem:s25+$0x2830] =	vst v0  }
0x27: {  	[tilespmem:s25+$0x2840] =	vst v0  }
0x28: {  	[tilespmem:s25+$0x2850] =	vst v0  }
0x29: {  	[tilespmem:s25+$0x2860] =	vst v0;
	s25 =	sshra.s32 s26, $0x2;
	s26 =	sadd.s32 $0x200, s26  }
0x2a: {  	[tilespmem:s25+$0x2870] =	vst v0  }
0x2b: {  	[tilespmem:s25+$0x2800] =	vst v0  }
0x2c: {  	[tilespmem:s25+$0x2810] =	vst v0  }
0x2d: {  	[tilespmem:s25+$0x2820] =	vst v0  }
0x2e: {  	[tilespmem:s25+$0x2830] =	vst v0  }
0x2f: {  	[tilespmem:s25+$0x2840] =	vst v0  }
0x30: {  	[tilespmem:s25+$0x2850] =	vst v0  }
0x31: {  	[tilespmem:s25+$0x2860] =	vst v0  }
0x32: {  	[spmem:s10] =	stream.linear.scatter [tilespmem:s17], [sflag:$0x3], $0x4000, $0x38;
	[tilespmem:$0x1C800] =	vst v63  }
0x33: {  	_ =	swait.ge [sflag:s15], $0x4000  }
0x34: {  	[sflag:s15] =	ssyncset.done $0x0  }
0x35: {  	[sflag:s15] =	ssyncadd.s32 $0xFFFFC000  }
0x36: {  	[spmem:s11] =	stream.linear.scatter [tilespmem:s17], [sflag:$0x3], $0x4000, $0x38;
	[tilespmem:$0x1C800] =	vst v63  }
0x37: {  	_ =	swait.ge [sflag:s15], $0x4000  }
0x38: {  	[sflag:s15] =	ssyncset.done $0x0  }
0x39: {  	[sflag:s15] =	ssyncadd.s32 $0xFFFFC000  }
0x3a: {  	[spmem:s12] =	stream.linear.scatter [tilespmem:s17], [sflag:$0x3], $0x2000, $0x38;
	[tilespmem:$0x1C800] =	vst v63  }
0x3b: {  	_ =	swait.ge [sflag:s15], $0x2000  }
0x3c: {  	[sflag:s15] =	ssyncset.done $0x0  }
0x3d: {  	s26 =	simm.s32 $0xFFFF0200;
	s25 =	simm.s32 $0xFFFFC000;
	[sflag:s15] =	ssyncadd.s32 $0xFFFFE000  }
.LBB2_4:
0x3e: {  	p0 =	sne.s32 s26, $0xFFFFFE00;
	[tilespmem:s25+$0x12870] =	vst v0;
	s28 =	smov.u32 s26;
	s26 =	sadd.s32 $0x200, s26  }
.Ltmp3:
0x3f: {  	[tilespmem:s25+$0x12860] =	vst v0;
	(pc) =	sbr.rel @p0 .LBB2_4-.Ltmp3, $3  }
0x40: {  	[tilespmem:s25+$0x12840] =	vst v1  }
0x41: {  	[tilespmem:s25+$0x12850] =	vst v0;
	_ =	sdelay $0x1  }
0x42: {  	s25 =	sshra.s32 s28, $0x2  }
0x43: {  	[tilespmem:s25+$0x12870] =	vst v0  }
.Ltmp4:
0x44: {  	[tilespmem:s25+$0x12860] =	vst v0;
	(pc) =	sbr.rel .LBB2_6-.Ltmp4, $4  }
0x45: {  	[tilespmem:s25+$0x12840] =	vst v1  }
0x46: {  	[tilespmem:s25+$0x12850] =	vst v0  }
0x47: {  	s25 =	simm.s32 $0x0;
	[bflag:$0x0] =	sbarrier.arrive $0xFFFF  }
0x48: {  	[tilespmem:s19], [sflag:$0x1] =	stream.indirect.gather [hbm4b:s4+s18], $0x80, s25, s18, $0xb8;
	[tilespmem:$0x1C800] =	vst v63  }
.LBB2_14:
0x49: {  	s25 =	sadd.s32 $0x1, s25  }
0x4a: {  	p0 =	sne.s32 s25, $0x14  }
.Ltmp5:
0x4b: {  	_ = 	snop;
	(pc) =	sbr.rel @!p0 .LBB2_15-.Ltmp5, $1  }
0x4c: {  	_ =	sdelay $0x3  }
.LBB2_6:
0x4d: {  	s28 =	sshll.u32 s25, $0x1  }
0x4e: {  	p1 =	sge.u32 s28, s6  }
.Ltmp6:
0x4f: {  	s26 =	sshllo.u32 s25, $0x1;
	(pc) =	sbr.rel @p1 .LBB2_10-.Ltmp6, $4  }
0x50: {  	p0 =	sge.u32 s26, s6  }
0x51: {  	s29 =	sshll.u32 @!p0 s26, $0x7  }
0x52: {  	s30 =	simm.s32 @!p0 $0x80;
	s31 =	simm.s32 @!p0 $0xA800;
	s29 =	sand.u32 @!p0 $0x3FFFFF80, s29  }
0x53: {  	[tilespmem:s31], [sflag:$0x2] =	stream.indirect.gather @!p0 [hbm4b:s4+s30], $0x80, s29, s30, $0xb8;
	[tilespmem:$0x1C800] =	vst v63  }
0x54: {  	s29 =	sadd.s32 s7, s28  }
0x55: {  	_ =	swait.ge [sflag:s20], $0x4000;
	s29 =	sshll.u32 s29, $0xB  }
0x56: {  	[sflag:s20] =	ssyncset.done $0x0;
	s29 =	sand.u32 $0x1FFFF800, s29  }
0x57: {  	s30 =	simm.s32 $0x0;
	[sflag:s20] =	ssyncadd.s32 $0xFFFFC000;
	s29 =	sadd.s32 s5, s29  }
0x58: {  	[tilespmem:s17], [sflag:$0x4] =	stream.linear.gather [hbm4b:s29+s30], $0x4000, $0x38;
	[tilespmem:$0x1C800] =	vst v63  }
0x59: {  	_ =	swait.ge [sflag:s21], $0x4000  }
0x5a: {  	[sflag:s21] =	ssyncset.done $0x0  }
0x5b: {  	s30 =	simm.s32 $0x0;
	[sflag:s21] =	ssyncadd.s32 $0xFFFFC000  }
0x5c: {  	v2 =	vld [tilespmem:s30+$0x6830]  }
0x5d: {  	v3 =	vld [tilespmem:s30+$0x2870]  }
0x5e: {  	v4 =	vld [tilespmem:s30+$0x6800]  }
0x5f: {  	v5 =	vld [tilespmem:s30+$0x2840];
	_ =	sdelay $0x1  }
0x60: {  	v7 =	vld [tilespmem:s30+$0x6810]  }
0x61: {  	v8 =	vld [tilespmem:s30+$0x2850]  }
0x62: {  	v2 =	vadd.f32 v3, v2;
	v3 =	vld [tilespmem:s30+$0x6820]  }
0x63: {  	v5 =	vadd.f32 v5, v4;
	v4 =	vld [tilespmem:s30+$0x2860]  }
0x64: {  	v6 =	vmax.f32 v2, $0.0e+00  }
0x65: {  	s29 =	simm.s32 $0x80;
	v9 =	vshrl.u32 v6, $0x10  }
0x66: {  	s31 =	simm.s32 $0x400;
	v7 =	vadd.f32 v8, v7;
	v2 =	vld [tilespmem:s29+$0x6830];
	v5 =	vmax.f32 v5, $0.0e+00;
	v8 =	vand.u32 $0x1, v9  }
.LBB2_8:
0x67: {  	p1 =	sne.s32 s31, $0xFE00;
	v9 =	vld [tilespmem:s29+$0x2870];
	v10 =	vshrl.u32 v5, $0x10;
	v6 =	vadd.s32 v8, v6  }
0x68: {  	v8 =	vld [tilespmem:s29+$0x6800];
	v7 =	vmax.f32 v7, $0.0e+00;
	v3 =	vadd.f32 v4, v3;
	v4 =	vadd.s32 $0x7FFF, v6  }
0x69: {  	v10 =	vand.u32 $0x1, v10;
	v6 =	vld [tilespmem:s29+$0x2840];
	v11 =	vshrl.u32 v7, $0x10;
	v4 =	vand.u32 $0xFFFF0000, v4  }
0x6a: {  	v5 =	vadd.s32 v10, v5;
	v12 =	vld [tilespmem:s29+$0x6810];
	v10 =	vand.u32 $0x1, v11;
	v11 =	vmax.f32 v3, $0.0e+00;
	[tilespmem:s30+$0xE830] =	vst v4  }
0x6b: {  	v5 =	vadd.s32 $0x7FFF, v5;
	v13 =	vld [tilespmem:s29+$0x2850];
	v4 =	vadd.s32 v10, v7;
	v7 =	vshrl.u32 v11, $0x10  }
.Ltmp7:
0x6c: {  	v3 =	vld [tilespmem:s29+$0x6820];
	v2 =	vadd.f32 v9, v2;
	v9 =	vadd.s32 $0x7FFF, v4;
	v7 =	vand.u32 $0x1, v7;
	(pc) =	sbr.rel @p1 .LBB2_8-.Ltmp7, $4  }
0x6d: {  	v5 =	vand.u32 $0xFFFF0000, v5;
	v4 =	vld [tilespmem:s29+$0x2860];
	v9 =	vand.u32 $0xFFFF0000, v9;
	v7 =	vadd.s32 v7, v11  }
0x6e: {  	v8 =	vadd.f32 v6, v8;
	v6 =	vmax.f32 v2, $0.0e+00;
	[tilespmem:s30+$0xE800] =	vst v5;
	v2 =	vadd.s32 $0x7FFF, v7  }
0x6f: {  	s0 =	sshra.s32 s31, $0x2;
	v10 =	vshrl.u32 v6, $0x10;
	[tilespmem:s30+$0xE810] =	vst v9;
	v9 =	vand.u32 $0xFFFF0000, v2  }
0x70: {  	s31 =	sadd.s32 $0x200, s31;
	v2 =	vld [tilespmem:s0+$0x6830];
	v5 =	vmax.f32 v8, $0.0e+00;
	v7 =	vadd.f32 v13, v12;
	v8 =	vand.u32 $0x1, v10;
	[tilespmem:s30+$0xE820] =	vst v9;
	s30 =	smov.u32 s29;
	s29 =	smov.u32 s0  }
0x71: {  	v9 =	vld [tilespmem:s29+$0x2870];
	v6 =	vadd.s32 v8, v6  }
0x72: {  	v44 =	vld [tilespmem:s29+$0x6800];
	v6 =	vadd.s32 $0x7FFF, v6  }
0x73: {  	v10 =	vld [tilespmem:s29+$0x2840];
	v11 =	vshrl.u32 v5, $0x10;
	v7 =	vmax.f32 v7, $0.0e+00;
	v45 =	vand.u32 $0xFFFF0000, v6  }
0x74: {  	v46 =	vld [tilespmem:s29+$0x6810];
	v3 =	vadd.f32 v4, v3;
	v47 =	vand.u32 $0x1, v11;
	v12 =	vshrl.u32 v7, $0x10;
	[tilespmem:s30+$0xE830] =	vst v45  }
0x75: {  	v4 =	vadd.s32 v47, v5;
	v48 =	vand.u32 $0x1, v12;
	v49 =	vld [tilespmem:s29+$0x2850]  }
0x76: {  	v3 =	vmax.f32 v3, $0.0e+00;
	v4 =	vadd.s32 $0x7FFF, v4;
	v50 =	vadd.s32 v48, v7;
	v52 =	vld [tilespmem:s29+$0x6820]  }
0x77: {  	v51 =	vshrl.u32 v3, $0x10;
	v53 =	vld [tilespmem:s29+$0x2860];
	v4 =	vand.u32 $0xFFFF0000, v4;
	v2 =	vadd.f32 v9, v2  }
0x78: {  	v7 =	vand.u32 $0x1, v51;
	v5 =	vadd.s32 $0x7FFF, v50;
	v54 =	vadd.f32 v10, v44  }
0x79: {  	v3 =	vadd.s32 v7, v3;
	v5 =	vand.u32 $0xFFFF0000, v5;
	v2 =	vmax.f32 v2, $0.0e+00  }
0x7a: {  	v3 =	vadd.s32 $0x7FFF, v3;
	v7 =	vmax.f32 v54, $0.0e+00;
	v55 =	vshrl.u32 v2, $0x10  }
0x7b: {  	v3 =	vand.u32 $0xFFFF0000, v3;
	v56 =	vshrl.u32 v7, $0x10;
	v6 =	vadd.f32 v49, v46  }
0x7c: {  	v8 =	vand.u32 $0x1, v55;
	v57 =	vadd.f32 v53, v52;
	v58 =	vand.u32 $0x1, v56  }
0x7d: {  	v2 =	vadd.s32 v8, v2;
	v60 =	vadd.s32 v58, v7;
	v6 =	vmax.f32 v6, $0.0e+00  }
0x7e: {  	[tilespmem:s30+$0xE800] =	vst v4;
	v2 =	vadd.s32 $0x7FFF, v2;
	v8 =	vmax.f32 v57, $0.0e+00;
	v59 =	vshrl.u32 v6, $0x10  }
0x7f: {  	[tilespmem:s30+$0xE820] =	vst v3;
	v3 =	vadd.s32 $0x7FFF, v60;
	v61 =	vshrl.u32 v8, $0x10;
	v4 =	vand.u32 $0x1, v59  }
0x80: {  	[tilespmem:s30+$0xE810] =	vst v5;
	v2 =	vand.u32 $0xFFFF0000, v2;
	v62 =	vand.u32 $0x1, v61;
	v4 =	vadd.s32 v4, v6  }
0x81: {  	v3 =	vand.u32 $0xFFFF0000, v3;
	[tilespmem:s29+$0xE830] =	vst v2;
	v63 =	vadd.s32 v62, v8;
	v2 =	vadd.s32 $0x7FFF, v4  }
0x82: {  	s0 =	sshll.u32 s25, $0x8;
	[tilespmem:s29+$0xE800] =	vst v3;
	v3 =	vadd.s32 $0x7FFF, v63;
	v2 =	vand.u32 $0xFFFF0000, v2  }
0x83: {  	s0 =	sand.u32 $0x3FFFFF00, s0;
	[tilespmem:s29+$0xE810] =	vst v2;
	v2 =	vand.u32 $0xFFFF0000, v3  }
0x84: {  	s0 =	sadd.s32 $0x1400, s0;
	[tilespmem:s29+$0xE820] =	vst v2  }
0x85: {  	[spmem:s1] =	stream.indirect.scatter.add.f32 [tilespmem:s22], [sflag:$0x4], $0x80, s0, s18, $0xb8;
	[tilespmem:$0x1C800] =	vst v63  }
0x86: {  	_ =	swait.ge [sflag:s21], $0x4000  }
0x87: {  	[sflag:s21] =	ssyncset.done $0x0  }
0x88: {  	[sflag:s21] =	ssyncadd.s32 $0xFFFFC000  }
.LBB2_10:
.Ltmp8:
0x89: {  	s0 =	sadd.s32 $0x2, s28;
	(pc) =	sbr.rel @p0 .LBB2_14-.Ltmp8, $4  }
0x8a: {  	p1 =	sge.u32 s0, s6  }
0x8b: {  	s0 =	sshll.u32 @!p1 s0, $0x7  }
0x8c: {  	s28 =	simm.s32 @!p1 $0x80;
	s29 =	simm.s32 @!p1 $0x6800;
	s0 =	sand.u32 @!p1 $0x3FFFFF80, s0  }
0x8d: {  	[tilespmem:s29], [sflag:$0x1] =	stream.indirect.gather @!p1 [hbm4b:s4+s28], $0x80, s0, s28, $0xb8;
	[tilespmem:$0x1C800] =	vst v63  }
0x8e: {  	s0 =	sadd.s32 s7, s26  }
0x8f: {  	_ =	swait.ge [sflag:s23], $0x4000;
	s0 =	sshll.u32 s0, $0xB  }
0x90: {  	[sflag:s23] =	ssyncset.done $0x0;
	s0 =	sand.u32 $0x1FFFF800, s0  }
0x91: {  	s28 =	simm.s32 $0x0;
	[sflag:s23] =	ssyncadd.s32 $0xFFFFC000;
	s0 =	sadd.s32 s5, s0  }
0x92: {  	[tilespmem:s17], [sflag:$0x4] =	stream.linear.gather [hbm4b:s0+s28], $0x4000, $0x38;
	[tilespmem:$0x1C800] =	vst v63  }
0x93: {  	_ =	swait.ge [sflag:s21], $0x4000  }
0x94: {  	[sflag:s21] =	ssyncset.done $0x0  }
0x95: {  	s29 =	simm.s32 $0x0;
	[sflag:s21] =	ssyncadd.s32 $0xFFFFC000  }
0x96: {  	v2 =	vld [tilespmem:s29+$0xA830]  }
0x97: {  	v3 =	vld [tilespmem:s29+$0x2870]  }
0x98: {  	v4 =	vld [tilespmem:s29+$0xA800]  }
0x99: {  	v5 =	vld [tilespmem:s29+$0x2840];
	_ =	sdelay $0x1  }
0x9a: {  	v7 =	vld [tilespmem:s29+$0xA810]  }
0x9b: {  	v8 =	vld [tilespmem:s29+$0x2850]  }
0x9c: {  	v2 =	vadd.f32 v3, v2;
	v3 =	vld [tilespmem:s29+$0xA820]  }
0x9d: {  	v5 =	vadd.f32 v5, v4;
	v4 =	vld [tilespmem:s29+$0x2860]  }
0x9e: {  	v6 =	vmax.f32 v2, $0.0e+00  }
0x9f: {  	s28 =	simm.s32 $0x80;
	v9 =	vshrl.u32 v6, $0x10  }
0xa0: {  	s30 =	simm.s32 $0x400;
	v7 =	vadd.f32 v8, v7;
	v2 =	vld [tilespmem:s28+$0xA830];
	v5 =	vmax.f32 v5, $0.0e+00;
	v8 =	vand.u32 $0x1, v9  }
.LBB2_12:
0xa1: {  	p0 =	sne.s32 s30, $0xFE00;
	v9 =	vld [tilespmem:s28+$0x2870];
	v10 =	vshrl.u32 v5, $0x10;
	v6 =	vadd.s32 v8, v6  }
0xa2: {  	v8 =	vld [tilespmem:s28+$0xA800];
	v7 =	vmax.f32 v7, $0.0e+00;
	v3 =	vadd.f32 v4, v3;
	v4 =	vadd.s32 $0x7FFF, v6  }
0xa3: {  	v10 =	vand.u32 $0x1, v10;
	v6 =	vld [tilespmem:s28+$0x2840];
	v11 =	vshrl.u32 v7, $0x10;
	v4 =	vand.u32 $0xFFFF0000, v4  }
0xa4: {  	v5 =	vadd.s32 v10, v5;
	v12 =	vld [tilespmem:s28+$0xA810];
	v10 =	vand.u32 $0x1, v11;
	v11 =	vmax.f32 v3, $0.0e+00;
	[tilespmem:s29+$0xE830] =	vst v4  }
0xa5: {  	v5 =	vadd.s32 $0x7FFF, v5;
	v13 =	vld [tilespmem:s28+$0x2850];
	v4 =	vadd.s32 v10, v7;
	v7 =	vshrl.u32 v11, $0x10  }
.Ltmp9:
0xa6: {  	v3 =	vld [tilespmem:s28+$0xA820];
	v2 =	vadd.f32 v9, v2;
	v9 =	vadd.s32 $0x7FFF, v4;
	v7 =	vand.u32 $0x1, v7;
	(pc) =	sbr.rel @p0 .LBB2_12-.Ltmp9, $4  }
0xa7: {  	v5 =	vand.u32 $0xFFFF0000, v5;
	v4 =	vld [tilespmem:s28+$0x2860];
	v9 =	vand.u32 $0xFFFF0000, v9;
	v7 =	vadd.s32 v7, v11  }
0xa8: {  	v8 =	vadd.f32 v6, v8;
	v6 =	vmax.f32 v2, $0.0e+00;
	[tilespmem:s29+$0xE800] =	vst v5;
	v2 =	vadd.s32 $0x7FFF, v7  }
0xa9: {  	s0 =	sshra.s32 s30, $0x2;
	v10 =	vshrl.u32 v6, $0x10;
	[tilespmem:s29+$0xE810] =	vst v9;
	v9 =	vand.u32 $0xFFFF0000, v2  }
0xaa: {  	s30 =	sadd.s32 $0x200, s30;
	v2 =	vld [tilespmem:s0+$0xA830];
	v5 =	vmax.f32 v8, $0.0e+00;
	v7 =	vadd.f32 v13, v12;
	v8 =	vand.u32 $0x1, v10;
	[tilespmem:s29+$0xE820] =	vst v9;
	s29 =	smov.u32 s28;
	s28 =	smov.u32 s0  }
0xab: {  	v9 =	vld [tilespmem:s28+$0x2870];
	v6 =	vadd.s32 v8, v6  }
0xac: {  	v44 =	vld [tilespmem:s28+$0xA800];
	v6 =	vadd.s32 $0x7FFF, v6  }
0xad: {  	v10 =	vld [tilespmem:s28+$0x2840];
	v11 =	vshrl.u32 v5, $0x10;
	v7 =	vmax.f32 v7, $0.0e+00;
	v45 =	vand.u32 $0xFFFF0000, v6  }
0xae: {  	v46 =	vld [tilespmem:s28+$0xA810];
	v3 =	vadd.f32 v4, v3;
	v47 =	vand.u32 $0x1, v11;
	v12 =	vshrl.u32 v7, $0x10;
	[tilespmem:s29+$0xE830] =	vst v45  }
0xaf: {  	v4 =	vadd.s32 v47, v5;
	v48 =	vand.u32 $0x1, v12;
	v49 =	vld [tilespmem:s28+$0x2850]  }
0xb0: {  	v3 =	vmax.f32 v3, $0.0e+00;
	v4 =	vadd.s32 $0x7FFF, v4;
	v50 =	vadd.s32 v48, v7;
	v52 =	vld [tilespmem:s28+$0xA820]  }
0xb1: {  	v51 =	vshrl.u32 v3, $0x10;
	v53 =	vld [tilespmem:s28+$0x2860];
	v4 =	vand.u32 $0xFFFF0000, v4;
	v2 =	vadd.f32 v9, v2  }
0xb2: {  	v7 =	vand.u32 $0x1, v51;
	v5 =	vadd.s32 $0x7FFF, v50;
	v54 =	vadd.f32 v10, v44  }
0xb3: {  	v3 =	vadd.s32 v7, v3;
	v5 =	vand.u32 $0xFFFF0000, v5;
	v2 =	vmax.f32 v2, $0.0e+00  }
0xb4: {  	v3 =	vadd.s32 $0x7FFF, v3;
	v7 =	vmax.f32 v54, $0.0e+00;
	v55 =	vshrl.u32 v2, $0x10  }
0xb5: {  	v3 =	vand.u32 $0xFFFF0000, v3;
	v56 =	vshrl.u32 v7, $0x10;
	v6 =	vadd.f32 v49, v46  }
0xb6: {  	v8 =	vand.u32 $0x1, v55;
	v57 =	vadd.f32 v53, v52;
	v58 =	vand.u32 $0x1, v56  }
0xb7: {  	v2 =	vadd.s32 v8, v2;
	v60 =	vadd.s32 v58, v7;
	v6 =	vmax.f32 v6, $0.0e+00  }
0xb8: {  	[tilespmem:s29+$0xE800] =	vst v4;
	v2 =	vadd.s32 $0x7FFF, v2;
	v8 =	vmax.f32 v57, $0.0e+00;
	v59 =	vshrl.u32 v6, $0x10  }
0xb9: {  	[tilespmem:s29+$0xE820] =	vst v3;
	v3 =	vadd.s32 $0x7FFF, v60;
	v61 =	vshrl.u32 v8, $0x10;
	v4 =	vand.u32 $0x1, v59  }
0xba: {  	[tilespmem:s29+$0xE810] =	vst v5;
	v2 =	vand.u32 $0xFFFF0000, v2;
	v62 =	vand.u32 $0x1, v61;
	v4 =	vadd.s32 v4, v6  }
0xbb: {  	v3 =	vand.u32 $0xFFFF0000, v3;
	[tilespmem:s28+$0xE830] =	vst v2;
	v63 =	vadd.s32 v62, v8;
	v2 =	vadd.s32 $0x7FFF, v4  }
0xbc: {  	s0 =	sshll.u32 s26, $0x7;
	[tilespmem:s28+$0xE800] =	vst v3;
	v3 =	vadd.s32 $0x7FFF, v63;
	v2 =	vand.u32 $0xFFFF0000, v2  }
0xbd: {  	s0 =	sand.u32 $0x3FFFFF80, s0;
	[tilespmem:s28+$0xE810] =	vst v2;
	v2 =	vand.u32 $0xFFFF0000, v3  }
.Ltmp10:
0xbe: {  	s0 =	sadd.s32 $0x1400, s0;
	[tilespmem:s28+$0xE820] =	vst v2;
	(pc) =	sbr.rel .LBB2_14-.Ltmp10, $4  }
0xbf: {  	[spmem:s1] =	stream.indirect.scatter.add.f32 [tilespmem:s22], [sflag:$0x3], $0x80, s0, s18, $0xb8;
	[tilespmem:$0x1C800] =	vst v63  }
0xc0: {  	_ =	swait.ge [sflag:s15], $0x4000  }
0xc1: {  	[sflag:s15] =	ssyncset.done $0x0  }
0xc2: {  	[sflag:s15] =	ssyncadd.s32 $0xFFFFC000  }
.LBB2_16:
0xc3: {  	_ =	sfence.sel $0x180000  }
0xc4: {  	[bflag:$0x0] =	sbarrier.arrive $0xFFFF  }
0xc5: {  	_ =	strace $0x90000050  }
0xc6: {  	[bflag:$0x2] =	sbarrier.arrive $0xFFFF  }
0xc7: {  	p0 =	sne.s32 s2, $0x0;
	s0 =	rddreg [dreg:$0x3]  }
0xc8: {  	s0 =	sadd.s32 @!p0 $0x100000, s0  }
0xc9: {  	[sflag:s0] =	ssyncadd.tile.s32 @!p0 $0x1;
	_ =	shalt  }
.Lfunc_end2:
_tile_overlayer_lowered:
.L_overlay_start_2:
0xca: {  	(tag) =	ssettag $0x2  }
0xcb: {  	s0 =	rddreg [dreg:$0x0];
	s2 =	stileid.u32  }
0xcc: {  	s1 =	rddreg [dreg:$0x1];
	p0 =	sne.s32 s2, $0x0  }
0xcd: {  	s3 =	rddreg [dreg:$0x2];
	[bflag:$0x3] =	sbarrier.arrive $0xFFFF;
	s2 =	simm.s32 @!p0 $0x1C03  }
0xce: {  	[timem:s3], [sflag:s2] =	dma.local @!p0 [hbm:s0], s1  }
0xcf: {  	s0 =	simm.s32 @!p0 $0x3  }
0xd0: {  	_ =	swait.ge @!p0 [sflag:s0], s1  }
0xd1: {  	s1 =	ssub.s32 @!p0 $0x0, s1;
	[sflag:s0] =	ssyncset.done @!p0 $0x0  }
0xd2: {  	[sflag:s0] =	ssyncadd.s32 @!p0 s1  }
0xd3: {  	[bflag:$0x3] =	sbarrier.arrive $0xFFFF  }
0xd4: {  	_ =	shalt  }

// kernel: kernel.9.cloned.1.call-start
scs
__scs_entry_jumppad:
0x0: {  	(pc) =	sbr.rel $0x88, $3  }
0x1: {  	(tag) =	ssettag $0x0;
	lr =	simm.s32 $0x1  }
0x2: {  	[smem:$0x3F80] =	sst lr;
	_ =	strace $0xD0000000  }
0x3: {  	_ = 	snop  }
0x4: {  	_ = 	snop  }
0x5: {  	_ = 	snop  }
0x6: {  	_ = 	snop  }
0x7: {  	_ = 	snop  }
__scs_overlays_trampoline_lowered:
0x8: {  	[smem:$0x3F8F] =	sst s0  }
0x9: {  	[smem:$0x3F90] =	sst s1  }
0xa: {  	[smem:$0x3F91] =	sst s2  }
0xb: {  	[smem:$0x3F92] =	sst s3  }
0xc: {  	[smem:$0x3F93] =	sst s4  }
0xd: {  	[smem:$0x3F94] =	sst s5  }
0xe: {  	[smem:$0x3F95] =	sst s6  }
0xf: {  	[smem:$0x3F96] =	sst s7  }
0x10: {  	[smem:$0x3F97] =	sst s8  }
0x11: {  	[smem:$0x3F98] =	sst s9;
	s0 =	simm.s32 @!p0 $0x0  }
0x12: {  	s1 =	sld [smem:$0x3F7E];
	s0 =	simm.s32 @p0 $0x1  }
0x13: {  	[smem:$0x3F99] =	sst s0;
	s0 =	simm.s32 @!p1 $0x0  }
0x14: {  	s2 =	sld [smem:$0x3F7D];
	s0 =	simm.s32 @p1 $0x1  }
0x15: {  	[smem:$0x3F9A] =	sst s0;
	s0 =	simm.s32 @!p2 $0x0  }
0x16: {  	s3 =	sld [smem:$0x3FDB];
	s0 =	simm.s32 @p2 $0x1  }
0x17: {  	s4 =	simm.s32 $0x1BF5;
	[smem:$0x3F9C] =	sst s0  }
0x18: {  	s0 =	sld [smem:$0x3F7F];
	_ =	swait.ge [sflag:s4], $0x0  }
0x19: {  	s7 =	sld [smem:$0x3F80]  }
0x1a: {  	s8 =	sadd.s32 $0xFFFFE003, lr  }
0x1b: {  	s9 =	sadd.s32 $0xFFFFFEF7, lr;
	s5 =	simm.s32 $0xFFFFFFFF;
	p2 =	slt.u32 s8, $0xFFFFF086  }
0x1c: {  	p1 =	slt.u32 s9, $0xF7A;
	s5 =	simm.s32 @!p2 $0x0  }
0x1d: {  	s5 =	simm.s32 @p1 $0x1;
	p0 =	seq.s32 s7, s2  }
0x1e: {  	s7 =	smul.u32 @!p0 $0xF7A, s2;
	p2 =	seq.s32 @!p0 s5, $0x0  }
0x1f: {  	s9 =	smul.u32 $0xF7A, s1;
	s8 =	simm.s32 @!p0 $0x1BF5;
	p2 =	por !p2, p0  }
0x20: {  	[sflag:s8] =	ssyncset.s32 @!p0 $0xFFFFF086;
	s6 =	sadd.s32 @!p0 s3, s7;
	s7 =	simm.s32 @!p0 $0x108  }
0x21: {  	s3 =	sadd.s32 s3, s9;
	s6 =	sadd.s32 @!p0 $0x88, s6;
	s7 =	simm.s32 @p2 $0x1082  }
0x22: {  	[simem:s7], [sflag:s8] =	dma.local @!p0 [hbm:s6], $0xF7A  }
0x23: {  	s9 =	sor.u32 $0xD0000000, s2;
	s6 =	simm.s32 $0x108;
	_ =	swait.ge @!p0 [sflag:s8], $0x0  }
0x24: {  	s3 =	sadd.s32 $0x88, s3;
	s6 =	simm.s32 @!p1 $0x1082;
	[sflag:s4] =	ssyncset.s32 $0xFFFFF086  }
0x25: {  	[simem:s6], [sflag:s4] =	dma.local [hbm:s3], $0xF7A  }
0x26: {  	[smem:$0x3F80] =	sst s1;
	(tag) =	ssettag s2;
	_ =	strace s9  }
0x27: {  	s1 =	sld [smem:$0x3F90]  }
0x28: {  	s2 =	sld [smem:$0x3F91]  }
0x29: {  	s4 =	sld [smem:$0x3F93]  }
0x2a: {  	p0 =	seq.s32 s5, $0x0;
	s5 =	sld [smem:$0x3F94]  }
0x2b: {  	s6 =	sld [smem:$0x3F95]  }
0x2c: {  	s7 =	sld [smem:$0x3F96]  }
0x2d: {  	s3 =	simm.s32 $0x108;
	s8 =	sld [smem:$0x3F97]  }
0x2e: {  	s3 =	simm.s32 @!p0 $0x1082;
	s9 =	sld [smem:$0x3F98]  }
0x2f: {  	lr =	sadd.s32 s0, s3;
	s0 =	sld [smem:$0x3F8F]  }
0x30: {  	s3 =	sld [smem:$0x3F92]  }
0x31: {  	[smem:$0x3F9B] =	sst s10  }
0x32: {  	s10 =	sld [smem:$0x3F99];
	_ =	sdelay $0x3  }
0x33: {  	p0 =	seq.s32 s10, $0x1;
	s10 =	sld [smem:$0x3F9B];
	_ =	sdelay $0x3  }
0x34: {  	[smem:$0x3F9B] =	sst s10  }
0x35: {  	s10 =	sld [smem:$0x3F9A];
	_ =	sdelay $0x3  }
0x36: {  	p1 =	seq.s32 s10, $0x1;
	s10 =	sld [smem:$0x3F9B];
	_ =	sdelay $0x3  }
0x37: {  	[smem:$0x3F9B] =	sst s10  }
0x38: {  	s10 =	sld [smem:$0x3F9C]  }
0x39: {  	_ = 	snop;
	(pc) =	sbr.ind lr, $3  }
0x3a: {  	_ = 	snop  }
0x3b: {  	_ = 	snop  }
0x3c: {  	p2 =	seq.s32 s10, $0x1;
	s10 =	sld [smem:$0x3F9B]  }
0x3d: {  	_ =	shalt  }
0x3e: {  	_ =	shalt  }
0x3f: {  	_ =	shalt  }
0x40: {  	_ =	shalt  }
0x41: {  	_ =	shalt  }
0x42: {  	_ =	shalt  }
0x43: {  	_ =	shalt  }
0x44: {  	_ =	shalt  }
0x45: {  	_ =	shalt  }
0x46: {  	_ =	shalt  }
0x47: {  	_ =	shalt  }
0x48: {  	_ =	shalt  }
0x49: {  	_ =	shalt  }
0x4a: {  	_ =	shalt  }
0x4b: {  	_ =	shalt  }
0x4c: {  	_ =	shalt  }
0x4d: {  	_ =	shalt  }
0x4e: {  	_ =	shalt  }
0x4f: {  	_ =	shalt  }
0x50: {  	_ =	shalt  }
0x51: {  	_ =	shalt  }
0x52: {  	_ =	shalt  }
0x53: {  	_ =	shalt  }
0x54: {  	_ =	shalt  }
0x55: {  	_ =	shalt  }
0x56: {  	_ =	shalt  }
0x57: {  	_ =	shalt  }
0x58: {  	_ =	shalt  }
0x59: {  	_ =	shalt  }
0x5a: {  	_ =	shalt  }
0x5b: {  	_ =	shalt  }
0x5c: {  	_ =	shalt  }
0x5d: {  	_ =	shalt  }
0x5e: {  	_ =	shalt  }
0x5f: {  	_ =	shalt  }
0x60: {  	_ =	shalt  }
0x61: {  	_ =	shalt  }
0x62: {  	_ =	shalt  }
0x63: {  	_ =	shalt  }
0x64: {  	_ =	shalt  }
0x65: {  	_ =	shalt  }
0x66: {  	_ =	shalt  }
0x67: {  	_ =	shalt  }
0x68: {  	_ =	shalt  }
0x69: {  	_ =	shalt  }
0x6a: {  	_ =	shalt  }
0x6b: {  	_ =	shalt  }
0x6c: {  	_ =	shalt  }
0x6d: {  	_ =	shalt  }
0x6e: {  	_ =	shalt  }
0x6f: {  	_ =	shalt  }
0x70: {  	_ =	shalt  }
0x71: {  	_ =	shalt  }
0x72: {  	_ =	shalt  }
0x73: {  	_ =	shalt  }
0x74: {  	_ =	shalt  }
0x75: {  	_ =	shalt  }
0x76: {  	_ =	shalt  }
0x77: {  	_ =	shalt  }
0x78: {  	_ =	shalt  }
0x79: {  	_ =	shalt  }
0x7a: {  	_ =	shalt  }
0x7b: {  	_ =	shalt  }
0x7c: {  	_ =	shalt  }
0x7d: {  	_ =	shalt  }
0x7e: {  	_ =	shalt  }
0x7f: {  	_ =	shalt  }
0x80: {  	_ =	shalt  }
0x81: {  	_ =	shalt  }
0x82: {  	_ =	shalt  }
0x83: {  	_ =	shalt  }
0x84: {  	_ =	shalt  }
0x85: {  	_ =	shalt  }
0x86: {  	_ =	shalt  }
0x87: {  	_ =	shalt  }
.Lfunc_end0:
.L_simem_size_0:
called_computation.3_lowered:
.L_overlay_start_0:
0x88: {  	s2 =	sld [smem:$0x3FD9]  }
0x89: {  	s3 =	sld [smem:$0x3FFE];
	_ =	sdelay $0x1  }
0x8a: {  	s1 =	srdreg.scid  }
0x8b: {  	s0 =	sand.u32 $0x1, s1  }
0x8c: {  	s17 =	sshll.u32 s0, $0xA;
	s2 =	sadd.s32 s3, s2  }
0x8d: {  	s2 =	sadd.s32 s2, s17  }
0x8e: {  	[smem:$0x3FA7] =	sst s2  }
0x8f: {  	_ = 	snop  }
0x90: {  	s2 =	sld [smem:$0x3FD0];
	(tm) =	ssettm $0x1  }
0x91: {  	s18 =	sld [smem:$0x3FFB];
	_ =	sdelay $0x3  }
0x92: {  	_ =	strace s18  }
0x93: {  	s3 =	sld [smem:$0x3FFC];
	_ =	sdelay $0x3  }
0x94: {  	_ =	strace s3  }
0x95: {  	s3 =	sld [smem:$0x3FFD];
	_ =	sdelay $0x3  }
0x96: {  	_ =	strace s3  }
0x97: {  	_ =	strace $0x8FFFFFFF  }
0x98: {  	s19 =	sld [smem:$0x3FDB];
	_ =	sdelay $0x1  }
0x99: {  	s4 =	simm.s32 $_scs_section_size  }
0x9a: {  	s5 =	simm.s32 $_size__tile_overlayer_lowered;
	s6 =	simm.s32 $_tile_overlayer_lowered  }
0x9b: {  	s22 =	simm.s32 $0x1BFF;
	s21 =	sshll.u32 s6, $0x1;
	s3 =	sadd.s32 s4, s19  }
0x9c: {  	s7 =	simm.s32 $0x0;
	s20 =	sshll.u32 s5, $0x1;
	s5 =	sadd.s32 s21, s3  }
0x9d: {  	[timem:s7], [sflag:s22] =	dma.local [hbm:s5], s20  }
0x9e: {  	_ =	swait.ge [sflag:s22], s20  }
0x9f: {  	s4 =	ssub.s32 $0x0, s20;
	[sflag:s22] =	ssyncset.done $0x0  }
0xa0: {  	[sflag:s22] =	ssyncadd.s32 s4;
	_ =	sdelay $0x1  }
0xa1: {  	s23 =	simm.s32 $0x1B8B  }
0xa2: {  	_ =	swait.ge [sflag:s23], $0x1  }
0xa3: {  	[sflag:s23] =	ssyncset.done $0x0  }
0xa4: {  	s25 =	simm.s32 $0x1B8E;
	s24 =	sld [smem:$0x3FFE];
	[sflag:s23] =	ssyncadd.s32 $0xFFFFFFFF  }
0xa5: {  	s26 =	simm.s32 $execute0_lowered;
	[smem:$0x3FD2] =	sst s25  }
0xa6: {  	s5 =	sshll.u32 s26, $0x1;
	_ =	strace $0x8000004C;
	[dreg:$0x1] =	wrdreg $0xFFFFFFFF  }
0xa7: {  	s28 =	simm.s32 $_size_execute0_lowered;
	s3 =	sadd.s32 s3, s5;
	[dreg:$0x0] =	wrdreg $0x0  }
0xa8: {  	s5 =	sshll.u32 s28, $0x1;
	[dreg:$0x2] =	wrdreg s3  }
0xa9: {  	[dreg:$0x3] =	wrdreg s5  }
0xaa: {  	[dreg:$0x4] =	wrdreg $0xC0  }
0xab: {  	_ =	task [dreg:s7], $0x5FFFF  }
0xac: {  	[dreg:$0x1] =	wrdreg $0xFFFFFFFF  }
0xad: {  	[dreg:$0x0] =	wrdreg $0x60  }
0xae: {  	[dreg:$0x2] =	wrdreg s24  }
0xaf: {  	[dreg:$0x3] =	wrdreg s2  }
0xb0: {  	[dreg:$0x4] =	wrdreg $0x128000  }
0xb1: {  	[dreg:$0x5] =	wrdreg $0x9  }
0xb2: {  	_ =	task.clear_ibuf [dreg:s7], $0x6FFFF;
	_ =	strace $0x9000004C  }
0xb3: {  	s29 =	simm.s32 $0x9;
	_ =	strace $0x8000004E  }
0xb4: {  	_ =	swait.ge [sflag:s29], $0x1  }
0xb5: {  	[sflag:s29] =	ssyncadd.s32 $0xFFFFFFFF  }
0xb6: {  	_ =	strace $0x9000004E  }
0xb7: {  	_ =	sfence  }
0xb8: {  	s30 =	sld [smem:$0x0];
	_ =	sdelay $0x2  }
0xb9: {  	s31 =	sshll.u32 s1, $0xD;
	s1 =	sshrl.u32 s1, $0x2  }
0xba: {  	s3 =	sand.u32 $0x4000, s31;
	s1 =	sadd.s32 s1, s30  }
0xbb: {  	s0 =	sor.u32 s3, s0;
	s1 =	sshll.u32 s1, $0x11  }
0xbc: {  	s0 =	sor.u32 s1, s0  }
0xbd: {  	s0 =	sadd.s32 $0x8F2B, s0  }
0xbe: {  	[sflag:s0] =	ssyncadd.remote.s32 $0x1  }
0xbf: {  	_ =	sfence.sel $0xFFFF  }
0xc0: {  	[dreg:$0x0] =	wrdreg $0xFFFFFFFF;
	(pc) =	sbr.abs _section_cstart, $3  }
0xc1: {  	[dreg:$0x1] =	wrdreg $0xFFFFFFFF  }
0xc2: {  	_ =	task.clear_ibuf [dreg:s7], $0x2FFFF;
	_ =	strace $0x9FFFFFFF  }
0xc3: {  	(tm) =	ssettm $0x7FFFFFFF  }
tec
execute0_lowered:
.L_overlay_start_1:
0x0: {  	(tag) =	ssettag $0x1  }
0x1: {  	s6 =	rddreg [dreg:$0x0]  }
0x2: {  	s13 =	rddreg [dreg:$0x1]  }
0x3: {  	s1 =	rddreg [dreg:$0x2]  }
0x4: {  	s3 =	simm.s32 $0x0;
	s4 =	srdreg.scid;
	s2 =	stileid.u32  }
0x5: {  	s16 =	simm.s32 $0x1400;
	s17 =	simm.s32 $0x2800;
	s18 =	simm.s32 $0x80  }
0x6: {  	s19 =	simm.s32 $0x6800;
	s20 =	simm.s32 $0x1;
	s21 =	simm.s32 $0x4  }
0x7: {  	s22 =	simm.s32 $0xE800;
	s23 =	simm.s32 $0x2;
	s24 =	simm.s32 $0x0  }
0x8: {  	[smem:$0x7FF] =	sst s3;
	s7 =	sand.u32 $0x1, s4;
	s29 =	smul.u32 $0x28000, s2  }
0x9: {  	s28 =	sshll.u32 s2, $0x1;
	s4 =	sadd.s32 $0x1B000, s6;
	s15 =	smul.u32 $0xA000, s2  }
0xa: {  	s5 =	sadd.s32 $0x2EA00, s6;
	s8 =	sor.u32 s7, s28;
	s30 =	smul.u32 $0xA0000, s7  }
0xb: {  	p0 =	seq.s32 s2, $0x0;
	s10 =	ssub.s32 $0x2, s7;
	s9 =	smul.u32 $0x280, s8  }
0xc: {  	_ =	strace $0x8000004D;
	s11 =	sshrl.u32 s10, $0x1;
	s12 =	smul.u32 $0x27, s8  }
0xd: {  	s31 =	smin.u32 s8, $0x2;
	s14 =	ssub.s32 s10, s11;
	s10 =	sshrl.u32 s29, $0x2  }
.Ltmp0:
0xe: {  	s15 =	sadd.s32 s15, s30;
	s9 =	sadd.s32 s9, s6;
	(pc) =	sbr.rel .LBB2_1-.Ltmp0, $4  }
0xf: {  	s6 =	simm.s32 $0x28;
	s7 =	sadd.s32 s31, s12;
	s10 =	sadd.s32 s10, s1  }
0x10: {  	s15 =	sshrl.u32 s15, $0x3;
	s14 =	smax.u32 s14, $0x1;
	s6 =	simm.s32 @!p0 $0x27  }
0x11: {  	s8 =	sadd.s32 $0x10C00, s9;
	s9 =	sadd.s32 $0x15C00, s9;
	s11 =	sadd.s32 $0x4000, s10  }
0x12: {  	v0 =	vimm.f32 $0.0e+00;
	v1 =	vimm.f32 $1.000000000e+00;
	s12 =	sadd.s32 $0x8000, s10;
	s13 =	sadd.s32 s13, s15;
	s15 =	simm.s32 $0x3  }
.LBB2_15:
0x13: {  	s24 =	sadd.s32 $0x1, s24  }
0x14: {  	s0 =	sshll.u32 s2, $0x6;
	[bflag:$0x0] =	sbarrier.arrive $0xFFFF;
	p0 =	sne.s32 s24, s14  }
.Ltmp1:
0x15: {  	s25 =	sshrl.u32 s10, $0x3;
	s0 =	sor.u32 $0x1C03, s0;
	(pc) =	sbr.rel @!p0 .LBB2_16-.Ltmp1, $4  }
0x16: {  	[hbm:s13], [sflag:s0] =	dma.local [spmem:s25], $0x1400  }
0x17: {  	_ =	swait.ge [sflag:s15], $0x1400  }
0x18: {  	[sflag:s15] =	ssyncset.done $0x0  }
0x19: {  	[sflag:s15] =	ssyncadd.s32 $0xFFFFEC00  }
.LBB2_1:
0x1a: {  	[tilespmem:s3], [sflag:$0x3] =	stream.linear.gather [hbm4b:s8+s3], $0x1400, $0x38;
	[tilespmem:$0x1C800] =	vst v63  }
0x1b: {  	_ =	swait.ge [sflag:s15], $0x1400  }
0x1c: {  	[sflag:s15] =	ssyncset.done $0x0  }
0x1d: {  	[sflag:s15] =	ssyncadd.s32 $0xFFFFEC00  }
0x1e: {  	[tilespmem:s16], [sflag:$0x3] =	stream.linear.gather [hbm4b:s9+s3], $0x1400, $0x38;
	[tilespmem:$0x1C800] =	vst v63  }
0x1f: {  	_ =	swait.ge [sflag:s15], $0x1400  }
0x20: {  	[sflag:s15] =	ssyncset.done $0x0  }
0x21: {  	s25 =	simm.s32 $0x0;
	s26 =	simm.s32 $0x200;
	[sflag:s15] =	ssyncadd.s32 $0xFFFFEC00  }
.LBB2_2:
0x22: {  	p0 =	sne.s32 s26, $0xFE00;
	[tilespmem:s25+$0x2870] =	vst v0  }
0x23: {  	[tilespmem:s25+$0x2800] =	vst v0  }
0x24: {  	[tilespmem:s25+$0x2810] =	vst v0  }
.Ltmp2:
0x25: {  	[tilespmem:s25+$0x2820] =	vst v0;
	(pc) =	sbr.rel @p0 .LBB2_2-.Ltmp2, $4  }
0x26: {  	[tilespmem:s25+$0x2830] =	vst v0  }
0x27: {  	[tilespmem:s25+$0x2840] =	vst v0  }
0x28: {  	[tilespmem:s25+$0x2850] =	vst v0  }
0x29: {  	[tilespmem:s25+$0x2860] =	vst v0;
	s25 =	sshra.s32 s26, $0x2;
	s26 =	sadd.s32 $0x200, s26  }
0x2a: {  	[tilespmem:s25+$0x2870] =	vst v0  }
0x2b: {  	[tilespmem:s25+$0x2800] =	vst v0  }
0x2c: {  	[tilespmem:s25+$0x2810] =	vst v0  }
0x2d: {  	[tilespmem:s25+$0x2820] =	vst v0  }
0x2e: {  	[tilespmem:s25+$0x2830] =	vst v0  }
0x2f: {  	[tilespmem:s25+$0x2840] =	vst v0  }
0x30: {  	[tilespmem:s25+$0x2850] =	vst v0  }
0x31: {  	[tilespmem:s25+$0x2860] =	vst v0  }
0x32: {  	[spmem:s10] =	stream.linear.scatter [tilespmem:s17], [sflag:$0x3], $0x4000, $0x38;
	[tilespmem:$0x1C800] =	vst v63  }
0x33: {  	_ =	swait.ge [sflag:s15], $0x4000  }
0x34: {  	[sflag:s15] =	ssyncset.done $0x0  }
0x35: {  	[sflag:s15] =	ssyncadd.s32 $0xFFFFC000  }
0x36: {  	[spmem:s11] =	stream.linear.scatter [tilespmem:s17], [sflag:$0x3], $0x4000, $0x38;
	[tilespmem:$0x1C800] =	vst v63  }
0x37: {  	_ =	swait.ge [sflag:s15], $0x4000  }
0x38: {  	[sflag:s15] =	ssyncset.done $0x0  }
0x39: {  	[sflag:s15] =	ssyncadd.s32 $0xFFFFC000  }
0x3a: {  	[spmem:s12] =	stream.linear.scatter [tilespmem:s17], [sflag:$0x3], $0x2000, $0x38;
	[tilespmem:$0x1C800] =	vst v63  }
0x3b: {  	_ =	swait.ge [sflag:s15], $0x2000  }
0x3c: {  	[sflag:s15] =	ssyncset.done $0x0  }
0x3d: {  	s26 =	simm.s32 $0xFFFF0200;
	s25 =	simm.s32 $0xFFFFC000;
	[sflag:s15] =	ssyncadd.s32 $0xFFFFE000  }
.LBB2_4:
0x3e: {  	p0 =	sne.s32 s26, $0xFFFFFE00;
	[tilespmem:s25+$0x12870] =	vst v0;
	s28 =	smov.u32 s26;
	s26 =	sadd.s32 $0x200, s26  }
.Ltmp3:
0x3f: {  	[tilespmem:s25+$0x12860] =	vst v0;
	(pc) =	sbr.rel @p0 .LBB2_4-.Ltmp3, $3  }
0x40: {  	[tilespmem:s25+$0x12840] =	vst v1  }
0x41: {  	[tilespmem:s25+$0x12850] =	vst v0;
	_ =	sdelay $0x1  }
0x42: {  	s25 =	sshra.s32 s28, $0x2  }
0x43: {  	[tilespmem:s25+$0x12870] =	vst v0  }
.Ltmp4:
0x44: {  	[tilespmem:s25+$0x12860] =	vst v0;
	(pc) =	sbr.rel .LBB2_6-.Ltmp4, $4  }
0x45: {  	[tilespmem:s25+$0x12840] =	vst v1  }
0x46: {  	[tilespmem:s25+$0x12850] =	vst v0  }
0x47: {  	s25 =	simm.s32 $0x0;
	[bflag:$0x0] =	sbarrier.arrive $0xFFFF  }
0x48: {  	[tilespmem:s19], [sflag:$0x1] =	stream.indirect.gather [hbm4b:s4+s18], $0x80, s25, s18, $0xb8;
	[tilespmem:$0x1C800] =	vst v63  }
.LBB2_14:
0x49: {  	s25 =	sadd.s32 $0x1, s25  }
0x4a: {  	p0 =	sne.s32 s25, $0x14  }
.Ltmp5:
0x4b: {  	_ = 	snop;
	(pc) =	sbr.rel @!p0 .LBB2_15-.Ltmp5, $1  }
0x4c: {  	_ =	sdelay $0x3  }
.LBB2_6:
0x4d: {  	s28 =	sshll.u32 s25, $0x1  }
0x4e: {  	p1 =	sge.u32 s28, s6  }
.Ltmp6:
0x4f: {  	s26 =	sshllo.u32 s25, $0x1;
	(pc) =	sbr.rel @p1 .LBB2_10-.Ltmp6, $4  }
0x50: {  	p0 =	sge.u32 s26, s6  }
0x51: {  	s29 =	sshll.u32 @!p0 s26, $0x7  }
0x52: {  	s30 =	simm.s32 @!p0 $0x80;
	s31 =	simm.s32 @!p0 $0xA800;
	s29 =	sand.u32 @!p0 $0x3FFFFF80, s29  }
0x53: {  	[tilespmem:s31], [sflag:$0x2] =	stream.indirect.gather @!p0 [hbm4b:s4+s30], $0x80, s29, s30, $0xb8;
	[tilespmem:$0x1C800] =	vst v63  }
0x54: {  	s29 =	sadd.s32 s7, s28  }
0x55: {  	_ =	swait.ge [sflag:s20], $0x4000;
	s29 =	sshll.u32 s29, $0xB  }
0x56: {  	[sflag:s20] =	ssyncset.done $0x0;
	s29 =	sand.u32 $0x1FFFF800, s29  }
0x57: {  	s30 =	simm.s32 $0x0;
	[sflag:s20] =	ssyncadd.s32 $0xFFFFC000;
	s29 =	sadd.s32 s5, s29  }
0x58: {  	[tilespmem:s17], [sflag:$0x4] =	stream.linear.gather [hbm4b:s29+s30], $0x4000, $0x38;
	[tilespmem:$0x1C800] =	vst v63  }
0x59: {  	_ =	swait.ge [sflag:s21], $0x4000  }
0x5a: {  	[sflag:s21] =	ssyncset.done $0x0  }
0x5b: {  	s30 =	simm.s32 $0x0;
	[sflag:s21] =	ssyncadd.s32 $0xFFFFC000  }
0x5c: {  	v2 =	vld [tilespmem:s30+$0x6830]  }
0x5d: {  	v3 =	vld [tilespmem:s30+$0x2830]  }
0x5e: {  	v4 =	vld [tilespmem:s30+$0x6800]  }
0x5f: {  	v5 =	vld [tilespmem:s30+$0x2800];
	_ =	sdelay $0x1  }
0x60: {  	v7 =	vld [tilespmem:s30+$0x6810]  }
0x61: {  	v8 =	vld [tilespmem:s30+$0x2810]  }
0x62: {  	v2 =	vadd.f32 v3, v2;
	v3 =	vld [tilespmem:s30+$0x6820]  }
0x63: {  	v5 =	vadd.f32 v5, v4;
	v4 =	vld [tilespmem:s30+$0x2820]  }
0x64: {  	v6 =	vmax.f32 v2, $0.0e+00  }
0x65: {  	s29 =	simm.s32 $0x80;
	v9 =	vshrl.u32 v6, $0x10  }
0x66: {  	s31 =	simm.s32 $0x400;
	v7 =	vadd.f32 v8, v7;
	v2 =	vld [tilespmem:s29+$0x6830];
	v5 =	vmax.f32 v5, $0.0e+00;
	v8 =	vand.u32 $0x1, v9  }
.LBB2_8:
0x67: {  	p1 =	sne.s32 s31, $0xFE00;
	v9 =	vld [tilespmem:s29+$0x2830];
	v10 =	vshrl.u32 v5, $0x10;
	v6 =	vadd.s32 v8, v6  }
0x68: {  	v8 =	vld [tilespmem:s29+$0x6800];
	v7 =	vmax.f32 v7, $0.0e+00;
	v3 =	vadd.f32 v4, v3;
	v4 =	vadd.s32 $0x7FFF, v6  }
0x69: {  	v10 =	vand.u32 $0x1, v10;
	v6 =	vld [tilespmem:s29+$0x2800];
	v11 =	vshrl.u32 v7, $0x10;
	v4 =	vand.u32 $0xFFFF0000, v4  }
0x6a: {  	v5 =	vadd.s32 v10, v5;
	v12 =	vld [tilespmem:s29+$0x6810];
	v10 =	vand.u32 $0x1, v11;
	v11 =	vmax.f32 v3, $0.0e+00;
	[tilespmem:s30+$0xE830] =	vst v4  }
0x6b: {  	v5 =	vadd.s32 $0x7FFF, v5;
	v13 =	vld [tilespmem:s29+$0x2810];
	v4 =	vadd.s32 v10, v7;
	v7 =	vshrl.u32 v11, $0x10  }
.Ltmp7:
0x6c: {  	v3 =	vld [tilespmem:s29+$0x6820];
	v2 =	vadd.f32 v9, v2;
	v9 =	vadd.s32 $0x7FFF, v4;
	v7 =	vand.u32 $0x1, v7;
	(pc) =	sbr.rel @p1 .LBB2_8-.Ltmp7, $4  }
0x6d: {  	v5 =	vand.u32 $0xFFFF0000, v5;
	v4 =	vld [tilespmem:s29+$0x2820];
	v9 =	vand.u32 $0xFFFF0000, v9;
	v7 =	vadd.s32 v7, v11  }
0x6e: {  	v8 =	vadd.f32 v6, v8;
	v6 =	vmax.f32 v2, $0.0e+00;
	[tilespmem:s30+$0xE800] =	vst v5;
	v2 =	vadd.s32 $0x7FFF, v7  }
0x6f: {  	s0 =	sshra.s32 s31, $0x2;
	v10 =	vshrl.u32 v6, $0x10;
	[tilespmem:s30+$0xE810] =	vst v9;
	v9 =	vand.u32 $0xFFFF0000, v2  }
0x70: {  	s31 =	sadd.s32 $0x200, s31;
	v2 =	vld [tilespmem:s0+$0x6830];
	v5 =	vmax.f32 v8, $0.0e+00;
	v7 =	vadd.f32 v13, v12;
	v8 =	vand.u32 $0x1, v10;
	[tilespmem:s30+$0xE820] =	vst v9;
	s30 =	smov.u32 s29;
	s29 =	smov.u32 s0  }
0x71: {  	v9 =	vld [tilespmem:s29+$0x2830];
	v6 =	vadd.s32 v8, v6  }
0x72: {  	v44 =	vld [tilespmem:s29+$0x6800];
	v6 =	vadd.s32 $0x7FFF, v6  }
0x73: {  	v10 =	vld [tilespmem:s29+$0x2800];
	v11 =	vshrl.u32 v5, $0x10;
	v7 =	vmax.f32 v7, $0.0e+00;
	v45 =	vand.u32 $0xFFFF0000, v6  }
0x74: {  	v46 =	vld [tilespmem:s29+$0x6810];
	v3 =	vadd.f32 v4, v3;
	v47 =	vand.u32 $0x1, v11;
	v12 =	vshrl.u32 v7, $0x10;
	[tilespmem:s30+$0xE830] =	vst v45  }
0x75: {  	v4 =	vadd.s32 v47, v5;
	v48 =	vand.u32 $0x1, v12;
	v49 =	vld [tilespmem:s29+$0x2810]  }
0x76: {  	v3 =	vmax.f32 v3, $0.0e+00;
	v4 =	vadd.s32 $0x7FFF, v4;
	v50 =	vadd.s32 v48, v7;
	v52 =	vld [tilespmem:s29+$0x6820]  }
0x77: {  	v51 =	vshrl.u32 v3, $0x10;
	v53 =	vld [tilespmem:s29+$0x2820];
	v4 =	vand.u32 $0xFFFF0000, v4;
	v2 =	vadd.f32 v9, v2  }
0x78: {  	v7 =	vand.u32 $0x1, v51;
	v5 =	vadd.s32 $0x7FFF, v50;
	v54 =	vadd.f32 v10, v44  }
0x79: {  	v3 =	vadd.s32 v7, v3;
	v5 =	vand.u32 $0xFFFF0000, v5;
	v2 =	vmax.f32 v2, $0.0e+00  }
0x7a: {  	v3 =	vadd.s32 $0x7FFF, v3;
	v7 =	vmax.f32 v54, $0.0e+00;
	v55 =	vshrl.u32 v2, $0x10  }
0x7b: {  	v3 =	vand.u32 $0xFFFF0000, v3;
	v56 =	vshrl.u32 v7, $0x10;
	v6 =	vadd.f32 v49, v46  }
0x7c: {  	v8 =	vand.u32 $0x1, v55;
	v57 =	vadd.f32 v53, v52;
	v58 =	vand.u32 $0x1, v56  }
0x7d: {  	v2 =	vadd.s32 v8, v2;
	v60 =	vadd.s32 v58, v7;
	v6 =	vmax.f32 v6, $0.0e+00  }
0x7e: {  	[tilespmem:s30+$0xE800] =	vst v4;
	v2 =	vadd.s32 $0x7FFF, v2;
	v8 =	vmax.f32 v57, $0.0e+00;
	v59 =	vshrl.u32 v6, $0x10  }
0x7f: {  	[tilespmem:s30+$0xE820] =	vst v3;
	v3 =	vadd.s32 $0x7FFF, v60;
	v61 =	vshrl.u32 v8, $0x10;
	v4 =	vand.u32 $0x1, v59  }
0x80: {  	[tilespmem:s30+$0xE810] =	vst v5;
	v2 =	vand.u32 $0xFFFF0000, v2;
	v62 =	vand.u32 $0x1, v61;
	v4 =	vadd.s32 v4, v6  }
0x81: {  	v3 =	vand.u32 $0xFFFF0000, v3;
	[tilespmem:s29+$0xE830] =	vst v2;
	v63 =	vadd.s32 v62, v8;
	v2 =	vadd.s32 $0x7FFF, v4  }
0x82: {  	s0 =	sshll.u32 s25, $0x8;
	[tilespmem:s29+$0xE800] =	vst v3;
	v3 =	vadd.s32 $0x7FFF, v63;
	v2 =	vand.u32 $0xFFFF0000, v2  }
0x83: {  	s0 =	sand.u32 $0x3FFFFF00, s0;
	[tilespmem:s29+$0xE810] =	vst v2;
	v2 =	vand.u32 $0xFFFF0000, v3  }
0x84: {  	s0 =	sadd.s32 $0x1400, s0;
	[tilespmem:s29+$0xE820] =	vst v2  }
0x85: {  	[spmem:s1] =	stream.indirect.scatter.add.f32 [tilespmem:s22], [sflag:$0x4], $0x80, s0, s18, $0xb8;
	[tilespmem:$0x1C800] =	vst v63  }
0x86: {  	_ =	swait.ge [sflag:s21], $0x4000  }
0x87: {  	[sflag:s21] =	ssyncset.done $0x0  }
0x88: {  	[sflag:s21] =	ssyncadd.s32 $0xFFFFC000  }
.LBB2_10:
.Ltmp8:
0x89: {  	s0 =	sadd.s32 $0x2, s28;
	(pc) =	sbr.rel @p0 .LBB2_14-.Ltmp8, $4  }
0x8a: {  	p1 =	sge.u32 s0, s6  }
0x8b: {  	s0 =	sshll.u32 @!p1 s0, $0x7  }
0x8c: {  	s28 =	simm.s32 @!p1 $0x80;
	s29 =	simm.s32 @!p1 $0x6800;
	s0 =	sand.u32 @!p1 $0x3FFFFF80, s0  }
0x8d: {  	[tilespmem:s29], [sflag:$0x1] =	stream.indirect.gather @!p1 [hbm4b:s4+s28], $0x80, s0, s28, $0xb8;
	[tilespmem:$0x1C800] =	vst v63  }
0x8e: {  	s0 =	sadd.s32 s7, s26  }
0x8f: {  	_ =	swait.ge [sflag:s23], $0x4000;
	s0 =	sshll.u32 s0, $0xB  }
0x90: {  	[sflag:s23] =	ssyncset.done $0x0;
	s0 =	sand.u32 $0x1FFFF800, s0  }
0x91: {  	s28 =	simm.s32 $0x0;
	[sflag:s23] =	ssyncadd.s32 $0xFFFFC000;
	s0 =	sadd.s32 s5, s0  }
0x92: {  	[tilespmem:s17], [sflag:$0x4] =	stream.linear.gather [hbm4b:s0+s28], $0x4000, $0x38;
	[tilespmem:$0x1C800] =	vst v63  }
0x93: {  	_ =	swait.ge [sflag:s21], $0x4000  }
0x94: {  	[sflag:s21] =	ssyncset.done $0x0  }
0x95: {  	s29 =	simm.s32 $0x0;
	[sflag:s21] =	ssyncadd.s32 $0xFFFFC000  }
0x96: {  	v2 =	vld [tilespmem:s29+$0xA830]  }
0x97: {  	v3 =	vld [tilespmem:s29+$0x2830]  }
0x98: {  	v4 =	vld [tilespmem:s29+$0xA800]  }
0x99: {  	v5 =	vld [tilespmem:s29+$0x2800];
	_ =	sdelay $0x1  }
0x9a: {  	v7 =	vld [tilespmem:s29+$0xA810]  }
0x9b: {  	v8 =	vld [tilespmem:s29+$0x2810]  }
0x9c: {  	v2 =	vadd.f32 v3, v2;
	v3 =	vld [tilespmem:s29+$0xA820]  }
0x9d: {  	v5 =	vadd.f32 v5, v4;
	v4 =	vld [tilespmem:s29+$0x2820]  }
0x9e: {  	v6 =	vmax.f32 v2, $0.0e+00  }
0x9f: {  	s28 =	simm.s32 $0x80;
	v9 =	vshrl.u32 v6, $0x10  }
0xa0: {  	s30 =	simm.s32 $0x400;
	v7 =	vadd.f32 v8, v7;
	v2 =	vld [tilespmem:s28+$0xA830];
	v5 =	vmax.f32 v5, $0.0e+00;
	v8 =	vand.u32 $0x1, v9  }
.LBB2_12:
0xa1: {  	p0 =	sne.s32 s30, $0xFE00;
	v9 =	vld [tilespmem:s28+$0x2830];
	v10 =	vshrl.u32 v5, $0x10;
	v6 =	vadd.s32 v8, v6  }
0xa2: {  	v8 =	vld [tilespmem:s28+$0xA800];
	v7 =	vmax.f32 v7, $0.0e+00;
	v3 =	vadd.f32 v4, v3;
	v4 =	vadd.s32 $0x7FFF, v6  }
0xa3: {  	v10 =	vand.u32 $0x1, v10;
	v6 =	vld [tilespmem:s28+$0x2800];
	v11 =	vshrl.u32 v7, $0x10;
	v4 =	vand.u32 $0xFFFF0000, v4  }
0xa4: {  	v5 =	vadd.s32 v10, v5;
	v12 =	vld [tilespmem:s28+$0xA810];
	v10 =	vand.u32 $0x1, v11;
	v11 =	vmax.f32 v3, $0.0e+00;
	[tilespmem:s29+$0xE830] =	vst v4  }
0xa5: {  	v5 =	vadd.s32 $0x7FFF, v5;
	v13 =	vld [tilespmem:s28+$0x2810];
	v4 =	vadd.s32 v10, v7;
	v7 =	vshrl.u32 v11, $0x10  }
.Ltmp9:
0xa6: {  	v3 =	vld [tilespmem:s28+$0xA820];
	v2 =	vadd.f32 v9, v2;
	v9 =	vadd.s32 $0x7FFF, v4;
	v7 =	vand.u32 $0x1, v7;
	(pc) =	sbr.rel @p0 .LBB2_12-.Ltmp9, $4  }
0xa7: {  	v5 =	vand.u32 $0xFFFF0000, v5;
	v4 =	vld [tilespmem:s28+$0x2820];
	v9 =	vand.u32 $0xFFFF0000, v9;
	v7 =	vadd.s32 v7, v11  }
0xa8: {  	v8 =	vadd.f32 v6, v8;
	v6 =	vmax.f32 v2, $0.0e+00;
	[tilespmem:s29+$0xE800] =	vst v5;
	v2 =	vadd.s32 $0x7FFF, v7  }
0xa9: {  	s0 =	sshra.s32 s30, $0x2;
	v10 =	vshrl.u32 v6, $0x10;
	[tilespmem:s29+$0xE810] =	vst v9;
	v9 =	vand.u32 $0xFFFF0000, v2  }
0xaa: {  	s30 =	sadd.s32 $0x200, s30;
	v2 =	vld [tilespmem:s0+$0xA830];
	v5 =	vmax.f32 v8, $0.0e+00;
	v7 =	vadd.f32 v13, v12;
	v8 =	vand.u32 $0x1, v10;
	[tilespmem:s29+$0xE820] =	vst v9;
	s29 =	smov.u32 s28;
	s28 =	smov.u32 s0  }
0xab: {  	v9 =	vld [tilespmem:s28+$0x2830];
	v6 =	vadd.s32 v8, v6  }
0xac: {  	v44 =	vld [tilespmem:s28+$0xA800];
	v6 =	vadd.s32 $0x7FFF, v6  }
0xad: {  	v10 =	vld [tilespmem:s28+$0x2800];
	v11 =	vshrl.u32 v5, $0x10;
	v7 =	vmax.f32 v7, $0.0e+00;
	v45 =	vand.u32 $0xFFFF0000, v6  }
0xae: {  	v46 =	vld [tilespmem:s28+$0xA810];
	v3 =	vadd.f32 v4, v3;
	v47 =	vand.u32 $0x1, v11;
	v12 =	vshrl.u32 v7, $0x10;
	[tilespmem:s29+$0xE830] =	vst v45  }
0xaf: {  	v4 =	vadd.s32 v47, v5;
	v48 =	vand.u32 $0x1, v12;
	v49 =	vld [tilespmem:s28+$0x2810]  }
0xb0: {  	v3 =	vmax.f32 v3, $0.0e+00;
	v4 =	vadd.s32 $0x7FFF, v4;
	v50 =	vadd.s32 v48, v7;
	v52 =	vld [tilespmem:s28+$0xA820]  }
0xb1: {  	v51 =	vshrl.u32 v3, $0x10;
	v53 =	vld [tilespmem:s28+$0x2820];
	v4 =	vand.u32 $0xFFFF0000, v4;
	v2 =	vadd.f32 v9, v2  }
0xb2: {  	v7 =	vand.u32 $0x1, v51;
	v5 =	vadd.s32 $0x7FFF, v50;
	v54 =	vadd.f32 v10, v44  }
0xb3: {  	v3 =	vadd.s32 v7, v3;
	v5 =	vand.u32 $0xFFFF0000, v5;
	v2 =	vmax.f32 v2, $0.0e+00  }
0xb4: {  	v3 =	vadd.s32 $0x7FFF, v3;
	v7 =	vmax.f32 v54, $0.0e+00;
	v55 =	vshrl.u32 v2, $0x10  }
0xb5: {  	v3 =	vand.u32 $0xFFFF0000, v3;
	v56 =	vshrl.u32 v7, $0x10;
	v6 =	vadd.f32 v49, v46  }
0xb6: {  	v8 =	vand.u32 $0x1, v55;
	v57 =	vadd.f32 v53, v52;
	v58 =	vand.u32 $0x1, v56  }
0xb7: {  	v2 =	vadd.s32 v8, v2;
	v60 =	vadd.s32 v58, v7;
	v6 =	vmax.f32 v6, $0.0e+00  }
0xb8: {  	[tilespmem:s29+$0xE800] =	vst v4;
	v2 =	vadd.s32 $0x7FFF, v2;
	v8 =	vmax.f32 v57, $0.0e+00;
	v59 =	vshrl.u32 v6, $0x10  }
0xb9: {  	[tilespmem:s29+$0xE820] =	vst v3;
	v3 =	vadd.s32 $0x7FFF, v60;
	v61 =	vshrl.u32 v8, $0x10;
	v4 =	vand.u32 $0x1, v59  }
0xba: {  	[tilespmem:s29+$0xE810] =	vst v5;
	v2 =	vand.u32 $0xFFFF0000, v2;
	v62 =	vand.u32 $0x1, v61;
	v4 =	vadd.s32 v4, v6  }
0xbb: {  	v3 =	vand.u32 $0xFFFF0000, v3;
	[tilespmem:s28+$0xE830] =	vst v2;
	v63 =	vadd.s32 v62, v8;
	v2 =	vadd.s32 $0x7FFF, v4  }
0xbc: {  	s0 =	sshll.u32 s26, $0x7;
	[tilespmem:s28+$0xE800] =	vst v3;
	v3 =	vadd.s32 $0x7FFF, v63;
	v2 =	vand.u32 $0xFFFF0000, v2  }
0xbd: {  	s0 =	sand.u32 $0x3FFFFF80, s0;
	[tilespmem:s28+$0xE810] =	vst v2;
	v2 =	vand.u32 $0xFFFF0000, v3  }
.Ltmp10:
0xbe: {  	s0 =	sadd.s32 $0x1400, s0;
	[tilespmem:s28+$0xE820] =	vst v2;
	(pc) =	sbr.rel .LBB2_14-.Ltmp10, $4  }
0xbf: {  	[spmem:s1] =	stream.indirect.scatter.add.f32 [tilespmem:s22], [sflag:$0x3], $0x80, s0, s18, $0xb8;
	[tilespmem:$0x1C800] =	vst v63  }
0xc0: {  	_ =	swait.ge [sflag:s15], $0x4000  }
0xc1: {  	[sflag:s15] =	ssyncset.done $0x0  }
0xc2: {  	[sflag:s15] =	ssyncadd.s32 $0xFFFFC000  }
.LBB2_16:
0xc3: {  	_ =	sfence.sel $0x180000  }
0xc4: {  	[bflag:$0x0] =	sbarrier.arrive $0xFFFF  }
0xc5: {  	_ =	strace $0x9000004D  }
0xc6: {  	[bflag:$0x2] =	sbarrier.arrive $0xFFFF  }
0xc7: {  	p0 =	sne.s32 s2, $0x0;
	s0 =	rddreg [dreg:$0x3]  }
0xc8: {  	s0 =	sadd.s32 @!p0 $0x100000, s0  }
0xc9: {  	[sflag:s0] =	ssyncadd.tile.s32 @!p0 $0x1;
	_ =	shalt  }
.Lfunc_end2:
_tile_overlayer_lowered:
.L_overlay_start_2:
0xca: {  	(tag) =	ssettag $0x2  }
0xcb: {  	s0 =	rddreg [dreg:$0x0];
	s2 =	stileid.u32  }
0xcc: {  	s1 =	rddreg [dreg:$0x1];
	p0 =	sne.s32 s2, $0x0  }
0xcd: {  	s3 =	rddreg [dreg:$0x2];
	[bflag:$0x3] =	sbarrier.arrive $0xFFFF;
	s2 =	simm.s32 @!p0 $0x1C03  }
0xce: {  	[timem:s3], [sflag:s2] =	dma.local @!p0 [hbm:s0], s1  }
0xcf: {  	s0 =	simm.s32 @!p0 $0x3  }
0xd0: {  	_ =	swait.ge @!p0 [sflag:s0], s1  }
0xd1: {  	s1 =	ssub.s32 @!p0 $0x0, s1;
	[sflag:s0] =	ssyncset.done @!p0 $0x0  }
0xd2: {  	[sflag:s0] =	ssyncadd.s32 @!p0 s1  }
0xd3: {  	[bflag:$0x3] =	sbarrier.arrive $0xFFFF  }
0xd4: {  	_ =	shalt  }

// kernel: sparse-core-data-format-call.cloned.1.call-start
scs
called_computation_lowered:
.L_overlay_start_0:
0x0: {  	s2 =	sld [smem:$0x3FD9]  }
0x1: {  	s3 =	sld [smem:$0x3FFE];
	_ =	sdelay $0x1  }
0x2: {  	s1 =	srdreg.scid  }
0x3: {  	s0 =	sand.u32 $0x1, s1  }
0x4: {  	s18 =	sshll.u32 s0, $0xA;
	s2 =	sadd.s32 s3, s2  }
0x5: {  	s2 =	sadd.s32 s2, s18  }
0x6: {  	[smem:$0x3FA7] =	sst s2  }
0x7: {  	_ = 	snop  }
0x8: {  	s2 =	sld [smem:$0x3FD0];
	(tm) =	ssettm $0x1  }
0x9: {  	s19 =	sld [smem:$0x3FFB];
	_ =	sdelay $0x3  }
0xa: {  	_ =	strace s19  }
0xb: {  	s3 =	sld [smem:$0x3FFC];
	_ =	sdelay $0x3  }
0xc: {  	_ =	strace s3  }
0xd: {  	s3 =	sld [smem:$0x3FFD];
	_ =	sdelay $0x3  }
0xe: {  	_ =	strace s3  }
0xf: {  	_ =	strace $0x8FFFFFFF  }
0x10: {  	s20 =	sld [smem:$0x3FDB];
	_ =	sdelay $0x1  }
0x11: {  	s4 =	simm.s32 $_scs_section_size  }
0x12: {  	s5 =	simm.s32 $_size__tile_overlayer_lowered;
	s6 =	simm.s32 $_tile_overlayer_lowered  }
0x13: {  	s23 =	simm.s32 $0x1BFF;
	s22 =	sshll.u32 s6, $0x1;
	s3 =	sadd.s32 s4, s20  }
0x14: {  	s7 =	simm.s32 $0x0;
	s21 =	sshll.u32 s5, $0x1;
	s5 =	sadd.s32 s22, s3  }
0x15: {  	[timem:s7], [sflag:s23] =	dma.local [hbm:s5], s21  }
0x16: {  	_ =	swait.ge [sflag:s23], s21  }
0x17: {  	s4 =	ssub.s32 $0x0, s21;
	[sflag:s23] =	ssyncset.done $0x0  }
0x18: {  	[sflag:s23] =	ssyncadd.s32 s4;
	_ =	sdelay $0x1  }
0x19: {  	s24 =	simm.s32 $0x1B8B  }
0x1a: {  	_ =	swait.ge [sflag:s24], $0x1  }
0x1b: {  	[sflag:s24] =	ssyncset.done $0x0  }
0x1c: {  	s26 =	simm.s32 $0x1B8E;
	s25 =	sld [smem:$0x3FFE];
	[sflag:s24] =	ssyncadd.s32 $0xFFFFFFFF  }
0x1d: {  	s27 =	simm.s32 $execute0_lowered;
	[smem:$0x3FD2] =	sst s26  }
0x1e: {  	s5 =	sshll.u32 s27, $0x1;
	_ =	strace $0x80000052;
	[dreg:$0x1] =	wrdreg $0xFFFFFFFF  }
0x1f: {  	s28 =	simm.s32 $_size_execute0_lowered;
	s3 =	sadd.s32 s3, s5;
	[dreg:$0x0] =	wrdreg $0x0  }
0x20: {  	s5 =	sshll.u32 s28, $0x1;
	[dreg:$0x2] =	wrdreg s3  }
0x21: {  	[dreg:$0x3] =	wrdreg s5  }
0x22: {  	[dreg:$0x4] =	wrdreg $0xC0  }
0x23: {  	_ =	task [dreg:s7], $0x5FFFF  }
0x24: {  	[dreg:$0x1] =	wrdreg $0xFFFFFFFF  }
0x25: {  	[dreg:$0x0] =	wrdreg $0x60  }
0x26: {  	[dreg:$0x2] =	wrdreg s25  }
0x27: {  	[dreg:$0x3] =	wrdreg s2  }
0x28: {  	[dreg:$0x4] =	wrdreg $0x9  }
0x29: {  	_ =	task.clear_ibuf [dreg:s7], $0x5FFFF;
	_ =	strace $0x90000052  }
0x2a: {  	s29 =	simm.s32 $0x9;
	_ =	strace $0x80000054  }
0x2b: {  	_ =	swait.ge [sflag:s29], $0x1  }
0x2c: {  	[sflag:s29] =	ssyncadd.s32 $0xFFFFFFFF  }
0x2d: {  	_ =	strace $0x90000054  }
0x2e: {  	_ =	sfence  }
0x2f: {  	s30 =	sld [smem:$0x0];
	_ =	sdelay $0x2  }
0x30: {  	s31 =	sshll.u32 s1, $0xD;
	s1 =	sshrl.u32 s1, $0x2  }
0x31: {  	s3 =	sand.u32 $0x4000, s31;
	s1 =	sadd.s32 s1, s30  }
0x32: {  	s0 =	sor.u32 s3, s0;
	s1 =	sshll.u32 s1, $0x11  }
0x33: {  	s0 =	sor.u32 s1, s0  }
0x34: {  	s0 =	sadd.s32 $0x8F2B, s0  }
0x35: {  	[sflag:s0] =	ssyncadd.remote.s32 $0x1  }
0x36: {  	_ =	sfence.sel $0xFFFF  }
0x37: {  	[dreg:$0x0] =	wrdreg $0xFFFFFFFF;
	(pc) =	sbr.abs _section_cstart, $3  }
0x38: {  	[dreg:$0x1] =	wrdreg $0xFFFFFFFF  }
0x39: {  	_ =	task.clear_ibuf [dreg:s7], $0x2FFFF;
	_ =	strace $0x9FFFFFFF  }
0x3a: {  	(tm) =	ssettm $0x7FFFFFFF  }
0x3b: {  	_ =	shalt  }
tec
execute0_lowered:
.L_overlay_start_1:
0x0: {  	(tag) =	ssettag $0x1  }
0x1: {  	s0 =	srdreg.scid  }
0x2: {  	s31 =	stileid.u32;
	s1 =	sshll.u32 s0, $0x4  }
0x3: {  	s5 =	rddreg [dreg:$0x0];
	_ =	strace $0x80000053;
	s1 =	sand.u32 $0x10, s1  }
0x4: {  	s4 =	simm.s32 $0x1;
	s7 =	simm.s32 $0x2;
	s1 =	sor.u32 s31, s1  }
0x5: {  	s14 =	simm.s32 $0x0;
	s15 =	simm.s32 $0x0;
	s3 =	sshll.u32 s1, $0x4  }
.Ltmp0:
0x6: {  	s9 =	simm.s32 $0x0;
	s6 =	ssub.s32 $0x1380, s3;
	(pc) =	sbr.rel .LBB1_1-.Ltmp0, $4  }
0x7: {  	s11 =	simm.s32 $0x0;
	s10 =	simm.s32 $0x0;
	s6 =	sshrl.u32 s6, $0x9  }
0x8: {  	s13 =	simm.s32 $0x0;
	[sflag:s4] =	ssyncpa.u1 $0x0;
	s8 =	smul.u32 $0x5, s6  }
0x9: {  	s5 =	sadd.s32 $0x326A00, s5;
	[sflag:s7] =	ssyncpa.u1 $0x0;
	s12 =	smov.u32 s3  }
0xa: {  	s6 =	sadd.s32 $0x5, s8;
	s7 =	sadd.s32 $0x6, s8;
	s8 =	simm.s32 $0x1400  }
.LBB1_12:
0xb: {  	s0 =	smulhi.u32 $0xCCCCCCCD, s9;
	_ =	sdelay $0x1  }
0xc: {  	s0 =	sshrl.u32 s0, $0xC  }
0xd: {  	s0 =	smul.u32 $0x1400, s0;
	_ =	sdelay $0x1  }
0xe: {  	s1 =	smul.u32 $0x280, s11;
	s0 =	ssub.s32 s9, s0  }
0xf: {  	s18 =	rddreg [dreg:$0x1];
	s2 =	sand.u32 $0x7, s0  }
0x10: {  	s1 =	sadd.s32 s18, s1;
	s0 =	sshrl.u32 s0, $0x3;
	s2 =	sshll.u32 s2, $0x12  }
0x11: {  	s0 =	sadd.s32 s0, s1;
	s31 =	sor.u32 $0x400, s2  }
0x12: {  	[hbm4b:s0+s31] =	stream.strided.scatter [tilespmem:s17], [sflag:$0x2], s16, s8, s31, $0x38;
	[tilespmem:$0x10000] =	vst v63  }
.LBB1_13:
0x13: {  	p0 =	slt.u32 s13, $0x2  }
0x14: {  	s1 =	smov.u32 s15;
	s2 =	smov.u32 s14;
	p1 =	sgt.s32 @!p0 s15, $0x1378  }
0x15: {  	s0 =	sshra.s32 @!p0 s15, $0x1F;
	p2 =	sgt.s32 @!p0 s14, $0x1000;
	p1 =	por !p1, p0  }
0x16: {  	s0 =	sand.u32 @!p0 s0, s15;
	p2 =	por !p2, p0;
	s15 =	sshra.s32 @!p0 s14, $0x1F  }
0x17: {  	s1 =	simm.s32 @p1 $0x1378;
	s2 =	simm.s32 @p2 $0x1000;
	s14 =	sand.u32 @!p0 s15, s14  }
0x18: {  	s0 =	ssub.s32 @!p0 s1, s0;
	s1 =	ssub.s32 @!p0 s2, s14  }
0x19: {  	s2 =	sadd.s32 @!p0 $0xFFFFEC88, s0;
	s14 =	sadd.s32 @!p0 $0xFFFFF000, s1  }
0x1a: {  	s0 =	ssub.s32 @!p0 $0x1388, s0;
	p1 =	sgt.s32 @!p0 s2, $0xF;
	p2 =	sgt.s32 @!p0 s14, $0x3FF  }
0x1b: {  	s1 =	ssub.s32 @!p0 $0x1400, s1;
	p1 =	por !p1, p0;
	p2 =	por !p2, p0  }
0x1c: {  	s0 =	simm.s32 @!p1 $0x0;
	s1 =	simm.s32 @!p2 $0x0  }
0x1d: {  	s0 =	smul.u32 @!p0 s0, s1;
	s1 =	sadd.s32 $0x400, s10  }
0x1e: {  	s16 =	smov.u32 s12;
	s14 =	sadd.s32 $0x200, s12;
	p1 =	sgt.s32 s1, $0x1387  }
0x1f: {  	s16 =	smov.u32 @p1 s14  }
0x20: {  	s1 =	simm.s32 @p1 $0x0;
	p1 =	sgt.s32 s16, $0x1387  }
0x21: {  	s16 =	smov.u32 @p1 s3;
	p1 =	sne.s32 s13, s7  }
.Ltmp1:
0x22: {  	s15 =	smov.u32 s11;
	(pc) =	sbr.rel @!p1 .LBB1_14-.Ltmp1, $4  }
0x23: {  	s11 =	smov.u32 s12;
	s2 =	simm.s32 @!p0 $0x2;
	s0 =	sand.u32 @!p0 $0x3FFFFFFF, s0  }
0x24: {  	s14 =	smov.u32 s9;
	s9 =	smov.u32 s10;
	_ =	swait.ge @!p0 [sflag:s2], s0  }
0x25: {  	s0 =	ssub.s32 @!p0 $0x0, s0;
	s10 =	smov.u32 s1;
	[sflag:s2] =	ssyncset.done @!p0 $0x0  }
0x26: {  	s13 =	sadd.s32 $0x1, s13;
	[sflag:s2] =	ssyncadd.s32 @!p0 s0;
	s12 =	smov.u32 s16  }
.LBB1_1:
0x27: {  	p0 =	sge.u32 s13, s6  }
0x28: {  	s21 =	smov.u32 s10;
	s16 =	sshrl.u32 @!p0 s12, $0x3  }
0x29: {  	s17 =	sshll.u32 @!p0 s10, $0x3;
	s18 =	sshll.u32 @!p0 s12, $0x7;
	s19 =	sand.u32 @!p0 $0x7F, s10  }
0x2a: {  	p1 =	sgt.s32 @!p0 s12, $0x1378;
	s20 =	sshra.s32 @!p0 s12, $0x1F;
	s16 =	smul.u32 @!p0 $0xA000, s16  }
0x2b: {  	s22 =	sshra.s32 @!p0 s10, $0x1F;
	s17 =	sand.u32 @!p0 $0xFFFFFC00, s17;
	s18 =	sand.u32 @!p0 $0x380, s18  }
0x2c: {  	p1 =	por !p1, p0;
	s16 =	sadd.s32 @!p0 s16, s17;
	s17 =	sor.u32 @!p0 s19, s18  }
0x2d: {  	s20 =	sand.u32 @!p0 s20, s12;
	s19 =	smov.u32 s12;
	s17 =	sor.u32 @!p0 s16, s17  }
0x2e: {  	s16 =	smulhi.u32 @!p0 $0xCCCCCCCD, s16;
	s19 =	simm.s32 @p1 $0x1378;
	p1 =	sgt.s32 @!p0 s10, $0x1000  }
0x2f: {  	s22 =	sand.u32 @!p0 s22, s10;
	s18 =	smulhi.u32 @!p0 $0xCCCCCCCD, s17;
	p1 =	por !p1, p0  }
0x30: {  	s19 =	ssub.s32 @!p0 s19, s20;
	s21 =	simm.s32 @p1 $0x1000;
	s16 =	sshrl.u32 @!p0 s16, $0xC  }
0x31: {  	s18 =	sshrl.u32 @!p0 s18, $0xC;
	s20 =	ssub.s32 @!p0 s21, s22;
	s21 =	smulhi.u32 @!p0 $0xD1B72, s16  }
0x32: {  	s22 =	sadd.s32 @!p0 $0xFFFFEC88, s19;
	s19 =	ssub.s32 @!p0 $0x1388, s19;
	s18 =	smul.u32 @!p0 $0x1400, s18  }
0x33: {  	s23 =	sadd.s32 @!p0 $0xFFFFF000, s20;
	p1 =	sgt.s32 @!p0 s22, $0xF;
	s20 =	ssub.s32 @!p0 $0x1400, s20  }
0x34: {  	p2 =	sgt.s32 @!p0 s23, $0x3FF;
	s21 =	smul.u32 @!p0 $0x1388, s21;
	p1 =	por !p1, p0  }
0x35: {  	s17 =	ssub.s32 @!p0 s17, s18;
	s18 =	sxor.u32 @!p0 $0xFFFFFFFF, s13;
	p2 =	por !p2, p0  }
0x36: {  	s19 =	simm.s32 @!p1 $0x0;
	s18 =	sshll.u32 @!p0 s18, $0xE;
	s20 =	simm.s32 @!p2 $0x0  }
0x37: {  	s16 =	ssub.s32 @!p0 s16, s21;
	s18 =	sand.u32 @!p0 $0x4000, s18;
	s19 =	smul.u32 @!p0 s19, s20  }
0x38: {  	s16 =	smul.u32 @!p0 $0x280, s16;
	s20 =	sshrl.u32 @!p0 s17, $0x3;
	s17 =	sand.u32 @!p0 $0x7, s17  }
0x39: {  	s20 =	sadd.s32 @!p0 s5, s20;
	s17 =	sshll.u32 @!p0 s17, $0x12;
	s19 =	sand.u32 @!p0 $0x3FFFFFFF, s19  }
0x3a: {  	s16 =	sadd.s32 @!p0 s16, s20;
	s17 =	sor.u32 @!p0 $0x2000, s17;
	s20 =	simm.s32 @!p0 $0xA000  }
0x3b: {  	[tilespmem:s18], [sflag:$0x1] =	stream.strided.gather @!p0 [hbm4b:s16+s17], s19, s20, s17, $0x38;
	[tilespmem:$0x10000] =	vst v63  }
0x3c: {  	p0 =	seq.s32 s13, $0x0  }
0x3d: {  	p1 =	sge.u32 @!p0 s13, s7  }
0x3e: {  	p0 =	por p0, p1  }
.Ltmp2:
0x3f: {  	_ = 	snop;
	(pc) =	sbr.rel @p0 .LBB1_13-.Ltmp2, $1  }
0x40: {  	_ =	sdelay $0x3  }
0x41: {  	p0 =	sgt.s32 s11, $0x1378  }
0x42: {  	s16 =	smov.u32 s11;
	s17 =	sshra.s32 s11, $0x1F;
	s18 =	smov.u32 s9  }
0x43: {  	s19 =	sshra.s32 s9, $0x1F;
	s16 =	simm.s32 @!p0 $0x1378;
	p0 =	sgt.s32 s9, $0x1000  }
0x44: {  	s17 =	sand.u32 s17, s11;
	s29 =	sand.u32 s19, s9;
	s18 =	simm.s32 @!p0 $0x1000  }
0x45: {  	s16 =	ssub.s32 s16, s17;
	s17 =	ssub.s32 s18, s29  }
0x46: {  	s30 =	sadd.s32 $0xFFFFEC88, s16;
	s16 =	ssub.s32 $0x1388, s16;
	s18 =	sadd.s32 $0xFFFFF000, s17  }
0x47: {  	p0 =	sgt.s32 s30, $0xF;
	s17 =	ssub.s32 $0x1400, s17;
	p1 =	sgt.s32 s18, $0x3FF  }
0x48: {  	s16 =	simm.s32 @p0 $0x0;
	s17 =	simm.s32 @p1 $0x0  }
0x49: {  	s16 =	smul.u32 s16, s17;
	s17 =	sadd.s32 $0x10, s11  }
0x4a: {  	p0 =	slt.s32 s17, $0x1388  }
0x4b: {  	s17 =	simm.s32 @!p0 $0x1388  }
0x4c: {  	s18 =	ssub.s32 s17, s11  }
0x4d: {  	p0 =	slt.s32 s18, $0x1  }
.Ltmp3:
0x4e: {  	_ = 	snop;
	(pc) =	sbr.rel @p0 .LBB1_12-.Ltmp3, $4  }
0x4f: {  	s16 =	sand.u32 $0x3FFFFFFF, s16  }
0x50: {  	s31 =	sshll.u32 s13, $0xE;
	_ =	swait.ge [sflag:s4], s16  }
0x51: {  	s19 =	sand.u32 $0x4000, s31;
	s20 =	ssub.s32 $0x0, s16;
	[sflag:s4] =	ssyncset.done $0x0  }
0x52: {  	s17 =	sor.u32 $0x8000, s19;
	[sflag:s4] =	ssyncadd.s32 s20  }
0x53: {  	s20 =	sadd.s32 $0x400, s9  }
0x54: {  	p0 =	slt.s32 s20, $0x1388  }
.Ltmp4:
0x55: {  	s20 =	simm.s32 @!p0 $0x1388;
	(pc) =	sbr.rel .LBB1_4-.Ltmp4, $4  }
0x56: {  	s20 =	ssub.s32 s20, s9  }
0x57: {  	s23 =	sadd.s32 $0xF, s20  }
0x58: {  	s22 =	simm.s32 $0x0;
	s20 =	sand.u32 $0xFFFFFFF0, s23;
	s21 =	sand.u32 $0xFFFFFE00, s23  }
0x59: {  	p0 =	slt.s32 s23, $0x200;
	s23 =	simm.s32 $0x0;
	p1 =	sge.s32 s21, s20  }
.LBB1_11:
0x5a: {  	s23 =	sadd.s32 $0x1, s23  }
0x5b: {  	p2 =	sne.s32 s23, s18  }
.Ltmp5:
0x5c: {  	_ = 	snop;
	(pc) =	sbr.rel @!p2 .LBB1_12-.Ltmp5, $2  }
0x5d: {  	_ =	sdelay $0x2  }
0x5e: {  	s22 =	sadd.s32 $0x400, s22  }
.LBB1_4:
.Ltmp6:
0x5f: {  	(pc) =	sbr.rel @p0 .LBB1_8-.Ltmp6, $2  }
0x60: {  	_ =	sdelay $0x2  }
0x61: {  	s24 =	sshll.u32 s23, $0x7  }
0x62: {  	s26 =	sand.u32 $0x380, s24  }
0x63: {  	s26 =	sadd.s32 s26, s19  }
0x64: {  	v1 =	vmov s26;
	_ =	sdelay $0x1  }
0x65: {  	s27 =	sand.u32 $0xFFFFE000, s22  }
0x66: {  	s25 =	sshll.u32 s23, $0xA;
	s0 =	sadd.s32 $0xC00, s27  }
0x67: {  	s25 =	sadd.s32 s25, s17;
	s1 =	sadd.s32 $0x400, s27;
	s29 =	sand.u32 $0x3C00, s0  }
0x68: {  	v0 =	vmov s25;
	s25 =	sand.u32 $0x3400, s1;
	v2 =	vld.idx.msk [tilespmem:v1+s29+$0x70 ss:$0x1], $0xffff  }
0x69: {  	v3 =	vld.idx.msk [tilespmem:v1+s25+$0x0 ss:$0x1], $0xffff  }
0x6a: {  	v4 =	vld.idx.msk [tilespmem:v1+s25+$0x10 ss:$0x1], $0xffff  }
0x6b: {  	v5 =	vld.idx.msk [tilespmem:v1+s25+$0x20 ss:$0x1], $0xffff  }
0x6c: {  	s2 =	simm.s32 $0x180;
	v6 =	vld.idx.msk [tilespmem:v1+s25+$0x30 ss:$0x1], $0xffff  }
0x6d: {  	s30 =	simm.s32 $0x80;
	s1 =	sand.u32 $0x380, s2;
	v7 =	vld.idx.msk [tilespmem:v1+s25+$0x40 ss:$0x1], $0xffff  }
0x6e: {  	s26 =	sand.u32 $0x280, s30;
	v8 =	vld.idx.msk [tilespmem:v1+s25+$0x50 ss:$0x1], $0xffff;
	[tilespmem:v0+s1+$0x70 ss:$0x1] =	vst.idx.msk $0xffff, v2  }
0x6f: {  	v9 =	vld.idx.msk [tilespmem:v1+s29+$0x50 ss:$0x1], $0xffff;
	[tilespmem:v0+s26+$0x0 ss:$0x1] =	vst.idx.msk $0xffff, v3  }
0x70: {  	v10 =	vld.idx.msk [tilespmem:v1+s29+$0x60 ss:$0x1], $0xffff;
	[tilespmem:v0+s26+$0x10 ss:$0x1] =	vst.idx.msk $0xffff, v4  }
0x71: {  	s0 =	sadd.s32 $0x800, s27;
	v2 =	vld.idx.msk [tilespmem:v1+s25+$0x60 ss:$0x1], $0xffff;
	[tilespmem:v0+s26+$0x20 ss:$0x1] =	vst.idx.msk $0xffff, v5  }
0x72: {  	s30 =	sand.u32 $0x3800, s0;
	v3 =	vld.idx.msk [tilespmem:v1+s25+$0x70 ss:$0x1], $0xffff;
	[tilespmem:v0+s26+$0x30 ss:$0x1] =	vst.idx.msk $0xffff, v6  }
0x73: {  	v4 =	vld.idx.msk [tilespmem:v1+s30+$0x0 ss:$0x1], $0xffff;
	[tilespmem:v0+s26+$0x40 ss:$0x1] =	vst.idx.msk $0xffff, v7  }
0x74: {  	v5 =	vld.idx.msk [tilespmem:v1+s30+$0x10 ss:$0x1], $0xffff;
	[tilespmem:v0+s26+$0x50 ss:$0x1] =	vst.idx.msk $0xffff, v8  }
0x75: {  	v6 =	vld.idx.msk [tilespmem:v1+s30+$0x20 ss:$0x1], $0xffff;
	[tilespmem:v0+s1+$0x50 ss:$0x1] =	vst.idx.msk $0xffff, v9  }
0x76: {  	s2 =	simm.s32 $0x100;
	v7 =	vld.idx.msk [tilespmem:v1+s30+$0x30 ss:$0x1], $0xffff;
	[tilespmem:v0+s26+$0x60 ss:$0x1] =	vst.idx.msk $0xffff, v2  }
0x77: {  	s25 =	sand.u32 $0x300, s2;
	v2 =	vld.idx.msk [tilespmem:v1+s30+$0x40 ss:$0x1], $0xffff;
	[tilespmem:v0+s26+$0x70 ss:$0x1] =	vst.idx.msk $0xffff, v3  }
0x78: {  	v3 =	vld.idx.msk [tilespmem:v1+s30+$0x50 ss:$0x1], $0xffff;
	[tilespmem:v0+s25+$0x0 ss:$0x1] =	vst.idx.msk $0xffff, v4  }
0x79: {  	v4 =	vld.idx.msk [tilespmem:v1+s30+$0x60 ss:$0x1], $0xffff;
	[tilespmem:v0+s25+$0x10 ss:$0x1] =	vst.idx.msk $0xffff, v5  }
0x7a: {  	v5 =	vld.idx.msk [tilespmem:v1+s30+$0x70 ss:$0x1], $0xffff;
	[tilespmem:v0+s25+$0x20 ss:$0x1] =	vst.idx.msk $0xffff, v6  }
0x7b: {  	v8 =	vld.idx.msk [tilespmem:v1+s29+$0x10 ss:$0x1], $0xffff;
	[tilespmem:v0+s25+$0x30 ss:$0x1] =	vst.idx.msk $0xffff, v7  }
0x7c: {  	v6 =	vld.idx.msk [tilespmem:v1+s29+$0x0 ss:$0x1], $0xffff;
	[tilespmem:v0+s25+$0x40 ss:$0x1] =	vst.idx.msk $0xffff, v2  }
0x7d: {  	v2 =	vld.idx.msk [tilespmem:v1+s29+$0x20 ss:$0x1], $0xffff;
	[tilespmem:v0+s25+$0x50 ss:$0x1] =	vst.idx.msk $0xffff, v3  }
0x7e: {  	v3 =	vld.idx.msk [tilespmem:v1+s29+$0x30 ss:$0x1], $0xffff;
	[tilespmem:v0+s25+$0x60 ss:$0x1] =	vst.idx.msk $0xffff, v4  }
0x7f: {  	v4 =	vld.idx.msk [tilespmem:v1+s29+$0x40 ss:$0x1], $0xffff;
	[tilespmem:v0+s25+$0x70 ss:$0x1] =	vst.idx.msk $0xffff, v5;
	s25 =	sand.u32 $0x3000, s27  }
0x80: {  	p2 =	sgt.s32 s21, $0x200;
	[tilespmem:v0+s1+$0x60 ss:$0x1] =	vst.idx.msk $0xffff, v10;
	v7 =	vld.idx.msk [tilespmem:v1+s25+$0x0 ss:$0x1], $0xffff  }
.Ltmp7:
0x81: {  	[tilespmem:v0+s1+$0x10 ss:$0x1] =	vst.idx.msk $0xffff, v8;
	v5 =	vld.idx.msk [tilespmem:v1+s25+$0x10 ss:$0x1], $0xffff;
	(pc) =	sbr.rel @!p2 .LBB1_7-.Ltmp7, $4  }
0x82: {  	[tilespmem:v0+s1+$0x0 ss:$0x1] =	vst.idx.msk $0xffff, v6;
	v6 =	vld.idx.msk [tilespmem:v1+s25+$0x50 ss:$0x1], $0xffff  }
0x83: {  	[tilespmem:v0+s1+$0x20 ss:$0x1] =	vst.idx.msk $0xffff, v2;
	v2 =	vld.idx.msk [tilespmem:v1+s25+$0x20 ss:$0x1], $0xffff  }
0x84: {  	s28 =	simm.s32 $0x0;
	[tilespmem:v0+s1+$0x30 ss:$0x1] =	vst.idx.msk $0xffff, v3;
	v3 =	vld.idx.msk [tilespmem:v1+s25+$0x30 ss:$0x1], $0xffff  }
0x85: {  	s31 =	sand.u32 $0x200, s28;
	s26 =	simm.s32 $0x200;
	s27 =	sadd.s32 $0x1000, s27;
	[tilespmem:v0+s1+$0x40 ss:$0x1] =	vst.idx.msk $0xffff, v4;
	v4 =	vld.idx.msk [tilespmem:v1+s25+$0x40 ss:$0x1], $0xffff  }
.LBB1_6:
0x86: {  	s1 =	sadd.s32 $0x400, s27  }
0x87: {  	s29 =	sadd.s32 $0xC00, s27;
	[tilespmem:v0+s31+$0x0 ss:$0x1] =	vst.idx.msk $0xffff, v7;
	v7 =	vld.idx.msk [tilespmem:v1+s25+$0x60 ss:$0x1], $0xffff;
	s28 =	smov.u32 s26;
	s26 =	sadd.s32 $0x200, s26  }
0x88: {  	s30 =	sadd.s32 $0x800, s27;
	s29 =	sand.u32 $0x3C00, s29;
	p2 =	slt.s32 s26, s21;
	[tilespmem:v0+s31+$0x10 ss:$0x1] =	vst.idx.msk $0xffff, v5;
	v5 =	vld.idx.msk [tilespmem:v1+s25+$0x70 ss:$0x1], $0xffff  }
0x89: {  	s25 =	sand.u32 $0x3000, s27;
	s1 =	sand.u32 $0x3400, s1;
	s0 =	sand.u32 $0x3800, s30;
	v8 =	vld.idx.msk [tilespmem:v1+s29+$0x70 ss:$0x1], $0xffff;
	[tilespmem:v0+s31+$0x20 ss:$0x1] =	vst.idx.msk $0xffff, v2  }
0x8a: {  	v2 =	vld.idx.msk [tilespmem:v1+s1+$0x0 ss:$0x1], $0xffff;
	[tilespmem:v0+s31+$0x30 ss:$0x1] =	vst.idx.msk $0xffff, v3  }
0x8b: {  	v3 =	vld.idx.msk [tilespmem:v1+s1+$0x10 ss:$0x1], $0xffff;
	[tilespmem:v0+s31+$0x40 ss:$0x1] =	vst.idx.msk $0xffff, v4  }
0x8c: {  	v4 =	vld.idx.msk [tilespmem:v1+s1+$0x20 ss:$0x1], $0xffff;
	[tilespmem:v0+s31+$0x50 ss:$0x1] =	vst.idx.msk $0xffff, v6  }
0x8d: {  	s30 =	sadd.s32 $0x180, s28;
	v6 =	vld.idx.msk [tilespmem:v1+s1+$0x30 ss:$0x1], $0xffff;
	[tilespmem:v0+s31+$0x60 ss:$0x1] =	vst.idx.msk $0xffff, v7  }
0x8e: {  	s2 =	sadd.s32 $0x80, s28;
	s30 =	sand.u32 $0x380, s30;
	v7 =	vld.idx.msk [tilespmem:v1+s1+$0x40 ss:$0x1], $0xffff;
	[tilespmem:v0+s31+$0x70 ss:$0x1] =	vst.idx.msk $0xffff, v5  }
0x8f: {  	s2 =	sand.u32 $0x280, s2;
	v5 =	vld.idx.msk [tilespmem:v1+s1+$0x50 ss:$0x1], $0xffff;
	[tilespmem:v0+s30+$0x70 ss:$0x1] =	vst.idx.msk $0xffff, v8  }
0x90: {  	[tilespmem:v0+s2+$0x0 ss:$0x1] =	vst.idx.msk $0xffff, v2;
	v2 =	vld.idx.msk [tilespmem:v1+s1+$0x60 ss:$0x1], $0xffff  }
0x91: {  	[tilespmem:v0+s2+$0x10 ss:$0x1] =	vst.idx.msk $0xffff, v3;
	v3 =	vld.idx.msk [tilespmem:v1+s1+$0x70 ss:$0x1], $0xffff  }
0x92: {  	[tilespmem:v0+s2+$0x20 ss:$0x1] =	vst.idx.msk $0xffff, v4;
	v4 =	vld.idx.msk [tilespmem:v1+s0+$0x0 ss:$0x1], $0xffff  }
0x93: {  	[tilespmem:v0+s2+$0x30 ss:$0x1] =	vst.idx.msk $0xffff, v6;
	v6 =	vld.idx.msk [tilespmem:v1+s0+$0x10 ss:$0x1], $0xffff  }
0x94: {  	[tilespmem:v0+s2+$0x40 ss:$0x1] =	vst.idx.msk $0xffff, v7;
	v7 =	vld.idx.msk [tilespmem:v1+s0+$0x20 ss:$0x1], $0xffff  }
0x95: {  	[tilespmem:v0+s2+$0x50 ss:$0x1] =	vst.idx.msk $0xffff, v5;
	v5 =	vld.idx.msk [tilespmem:v1+s0+$0x30 ss:$0x1], $0xffff  }
0x96: {  	s1 =	sadd.s32 $0x100, s28;
	[tilespmem:v0+s2+$0x60 ss:$0x1] =	vst.idx.msk $0xffff, v2;
	v2 =	vld.idx.msk [tilespmem:v1+s0+$0x40 ss:$0x1], $0xffff  }
0x97: {  	s1 =	sand.u32 $0x300, s1;
	[tilespmem:v0+s2+$0x70 ss:$0x1] =	vst.idx.msk $0xffff, v3;
	v3 =	vld.idx.msk [tilespmem:v1+s0+$0x50 ss:$0x1], $0xffff  }
0x98: {  	[tilespmem:v0+s1+$0x0 ss:$0x1] =	vst.idx.msk $0xffff, v4;
	v4 =	vld.idx.msk [tilespmem:v1+s0+$0x60 ss:$0x1], $0xffff  }
0x99: {  	[tilespmem:v0+s1+$0x10 ss:$0x1] =	vst.idx.msk $0xffff, v6;
	v6 =	vld.idx.msk [tilespmem:v1+s0+$0x70 ss:$0x1], $0xffff  }
0x9a: {  	[tilespmem:v0+s1+$0x20 ss:$0x1] =	vst.idx.msk $0xffff, v7;
	v7 =	vld.idx.msk [tilespmem:v1+s29+$0x0 ss:$0x1], $0xffff  }
0x9b: {  	[tilespmem:v0+s1+$0x30 ss:$0x1] =	vst.idx.msk $0xffff, v5;
	v5 =	vld.idx.msk [tilespmem:v1+s29+$0x10 ss:$0x1], $0xffff  }
0x9c: {  	[tilespmem:v0+s1+$0x40 ss:$0x1] =	vst.idx.msk $0xffff, v2;
	v2 =	vld.idx.msk [tilespmem:v1+s29+$0x20 ss:$0x1], $0xffff  }
0x9d: {  	[tilespmem:v0+s1+$0x50 ss:$0x1] =	vst.idx.msk $0xffff, v3;
	v3 =	vld.idx.msk [tilespmem:v1+s29+$0x30 ss:$0x1], $0xffff  }
0x9e: {  	[tilespmem:v0+s1+$0x60 ss:$0x1] =	vst.idx.msk $0xffff, v4;
	v4 =	vld.idx.msk [tilespmem:v1+s29+$0x40 ss:$0x1], $0xffff  }
0x9f: {  	[tilespmem:v0+s1+$0x70 ss:$0x1] =	vst.idx.msk $0xffff, v6;
	v6 =	vld.idx.msk [tilespmem:v1+s29+$0x50 ss:$0x1], $0xffff  }
0xa0: {  	[tilespmem:v0+s30+$0x0 ss:$0x1] =	vst.idx.msk $0xffff, v7;
	v8 =	vld.idx.msk [tilespmem:v1+s29+$0x60 ss:$0x1], $0xffff  }
0xa1: {  	v7 =	vld.idx.msk [tilespmem:v1+s25+$0x0 ss:$0x1], $0xffff;
	[tilespmem:v0+s30+$0x10 ss:$0x1] =	vst.idx.msk $0xffff, v5  }
.Ltmp8:
0xa2: {  	v5 =	vld.idx.msk [tilespmem:v1+s25+$0x10 ss:$0x1], $0xffff;
	[tilespmem:v0+s30+$0x20 ss:$0x1] =	vst.idx.msk $0xffff, v2;
	(pc) =	sbr.rel @p2 .LBB1_6-.Ltmp8, $4  }
0xa3: {  	v2 =	vld.idx.msk [tilespmem:v1+s25+$0x20 ss:$0x1], $0xffff;
	[tilespmem:v0+s30+$0x30 ss:$0x1] =	vst.idx.msk $0xffff, v3  }
0xa4: {  	v3 =	vld.idx.msk [tilespmem:v1+s25+$0x30 ss:$0x1], $0xffff;
	[tilespmem:v0+s30+$0x40 ss:$0x1] =	vst.idx.msk $0xffff, v4  }
0xa5: {  	v4 =	vld.idx.msk [tilespmem:v1+s25+$0x40 ss:$0x1], $0xffff;
	[tilespmem:v0+s30+$0x50 ss:$0x1] =	vst.idx.msk $0xffff, v6  }
0xa6: {  	s27 =	sadd.s32 $0x1000, s27;
	s31 =	sand.u32 $0x200, s28;
	v6 =	vld.idx.msk [tilespmem:v1+s25+$0x50 ss:$0x1], $0xffff;
	[tilespmem:v0+s30+$0x60 ss:$0x1] =	vst.idx.msk $0xffff, v8  }
.LBB1_7:
0xa7: {  	_ =	sdelay $0x3  }
0xa8: {  	[tilespmem:v0+s31+$0x0 ss:$0x1] =	vst.idx.msk $0xffff, v7  }
0xa9: {  	v62 =	vld.idx.msk [tilespmem:v1+s25+$0x60 ss:$0x1], $0xffff;
	[tilespmem:v0+s31+$0x10 ss:$0x1] =	vst.idx.msk $0xffff, v5  }
0xaa: {  	v63 =	vld.idx.msk [tilespmem:v1+s25+$0x70 ss:$0x1], $0xffff;
	[tilespmem:v0+s31+$0x20 ss:$0x1] =	vst.idx.msk $0xffff, v2  }
0xab: {  	[tilespmem:v0+s31+$0x30 ss:$0x1] =	vst.idx.msk $0xffff, v3  }
0xac: {  	[tilespmem:v0+s31+$0x40 ss:$0x1] =	vst.idx.msk $0xffff, v4  }
0xad: {  	[tilespmem:v0+s31+$0x50 ss:$0x1] =	vst.idx.msk $0xffff, v6  }
0xae: {  	[tilespmem:v0+s31+$0x60 ss:$0x1] =	vst.idx.msk $0xffff, v62  }
0xaf: {  	[tilespmem:v0+s31+$0x70 ss:$0x1] =	vst.idx.msk $0xffff, v63  }
.LBB1_8:
.Ltmp9:
0xb0: {  	(pc) =	sbr.rel @p1 .LBB1_11-.Ltmp9, $1  }
0xb1: {  	_ =	sdelay $0x3  }
0xb2: {  	s25 =	sshll.u32 s23, $0xC  }
0xb3: {  	s25 =	sshra.s32 s25, $0x2  }
0xb4: {  	s26 =	sand.u32 $0x380, s24;
	s27 =	sadd.s32 s25, s17  }
0xb5: {  	s24 =	sand.u32 $0x8, s23;
	s25 =	sadd.s32 s26, s19;
	s26 =	smov.u32 s21;
	v0 =	vmov s27  }
.LBB1_10:
0xb6: {  	s0 =	sshrl.u32 s26, $0x7  }
0xb7: {  	s0 =	sadd.s32 s24, s0  }
0xb8: {  	s0 =	sshll.u32 s0, $0xA  }
0xb9: {  	s0 =	sand.u32 $0x3C00, s0  }
0xba: {  	s1 =	sand.u32 $0x70, s26;
	s0 =	sadd.s32 s0, s25  }
0xbb: {  	s31 =	sand.u32 $0x3F0, s26;
	s26 =	sadd.s32 $0x10, s26;
	s0 =	sadd.s32 s1, s0  }
0xbc: {  	p2 =	slt.s32 s26, s20;
	v1 =	vld [tilespmem:s0+$0x0]  }
.Ltmp10:
0xbd: {  	_ = 	snop;
	(pc) =	sbr.rel @p2 .LBB1_10-.Ltmp10, $2  }
0xbe: {  	_ =	sdelay $0x2  }
0xbf: {  	[tilespmem:v0+s31+$0x0 ss:$0x1] =	vst.idx.msk $0xffff, v1  }
.Ltmp11:
0xc0: {  	_ = 	snop;
	(pc) =	sbr.rel .LBB1_11-.Ltmp11, $1  }
0xc1: {  	_ =	sdelay $0x3  }
.LBB1_14:
0xc2: {  	_ =	sfence.sel $0x180000  }
0xc3: {  	s0 =	simm.s32 $0x1;
	[bflag:$0x0] =	sbarrier.arrive $0xFFFF  }
0xc4: {  	s30 =	simm.s32 $0x2;
	[sflag:s0] =	ssyncpa.u1 $0x1  }
0xc5: {  	[sflag:s30] =	ssyncpa.u1 $0x1  }
0xc6: {  	_ =	strace $0x90000053  }
0xc7: {  	s31 =	stileid.u32;
	[bflag:$0x2] =	sbarrier.arrive $0xFFFF  }
0xc8: {  	p0 =	sne.s32 s31, $0x0;
	s0 =	rddreg [dreg:$0x2]  }
0xc9: {  	s0 =	sadd.s32 @!p0 $0x100000, s0  }
0xca: {  	[sflag:s0] =	ssyncadd.tile.s32 @!p0 $0x1;
	_ =	shalt  }
.Lfunc_end1:
_tile_overlayer_lowered:
.L_overlay_start_2:
0xcb: {  	(tag) =	ssettag $0x2  }
0xcc: {  	s0 =	rddreg [dreg:$0x0];
	s2 =	stileid.u32  }
0xcd: {  	s1 =	rddreg [dreg:$0x1];
	p0 =	sne.s32 s2, $0x0  }
0xce: {  	s3 =	rddreg [dreg:$0x2];
	[bflag:$0x3] =	sbarrier.arrive $0xFFFF;
	s2 =	simm.s32 @!p0 $0x1C01  }
0xcf: {  	[timem:s3], [sflag:s2] =	dma.local @!p0 [hbm:s0], s1  }
0xd0: {  	s0 =	simm.s32 @!p0 $0x1  }
0xd1: {  	_ =	swait.ge @!p0 [sflag:s0], s1  }
0xd2: {  	s1 =	ssub.s32 @!p0 $0x0, s1;
	[sflag:s0] =	ssyncset.done @!p0 $0x0  }
0xd3: {  	[sflag:s0] =	ssyncadd.s32 @!p0 s1  }
0xd4: {  	[bflag:$0x3] =	sbarrier.arrive $0xFFFF  }
0xd5: {  	_ =	shalt  }

</sc_bundles>
